<compile_context>
chip_gen: v7x
topology: tpu7x:2x2x1
jax: 0.10.2.dev20260603
libtpu: 0.0.44.dev20260713+nightly
codegen_flags: <defaults>
</compile_context>

<pallas_src>
import functools

import jax
import jax.numpy as jnp
from jax import lax
from jax.experimental import pallas as pl
from jax.experimental.pallas import tpu as pltpu
from jax.experimental.pallas import tpu_sc as plsc

B = 16384
ENT_DIM = 36
T_DIM = 64
NUM_REL = 500
REL_PAD = 512
NBLK = 64
BLK = 256
NW = 32
BPW = B // NW
SC_CHUNK = 256

N_TAB = 28
W_ROWS = N_TAB * T_DIM


def _sc_gather(ent_embs, heads_r, tails_r):
    mesh = plsc.VectorSubcoreMesh(core_axis_name="c", subcore_axis_name="s")

    @functools.partial(
        pl.kernel,
        mesh=mesh,
        out_type=[
            jax.ShapeDtypeStruct((B, ENT_DIM), jnp.float32),
            jax.ShapeDtypeStruct((B, ENT_DIM), jnp.float32),
        ],
        scratch_types=[
            pltpu.VMEM((BPW,), jnp.int32),
            pltpu.VMEM((BPW,), jnp.int32),
            pltpu.VMEM((SC_CHUNK, ENT_DIM), jnp.float32),
            pltpu.VMEM((SC_CHUNK, ENT_DIM), jnp.float32),
        ] + [pltpu.SemaphoreType.DMA] * 8,
    )
    def k(ent_hbm, h_hbm, t_hbm, out_h, out_t,
          hidx_v, tidx_v, hrows_v, trows_v, *sems):
        wid = lax.axis_index("s") * 2 + lax.axis_index("c")
        base = wid * BPW
        pltpu.sync_copy(h_hbm.at[wid], hidx_v)
        pltpu.sync_copy(t_hbm.at[wid], tidx_v)

        for ch in range(BPW // SC_CHUNK):
            def body(g, carry, ch=ch):
                hv = hidx_v[pl.ds(ch * SC_CHUNK + g * 16, 16)]
                tv = tidx_v[pl.ds(ch * SC_CHUNK + g * 16, 16)]
                for l in range(16):
                    pltpu.async_copy(ent_hbm.at[hv[l]],
                                     hrows_v.at[g * 16 + l], sems[l % 4])
                    pltpu.async_copy(ent_hbm.at[tv[l]],
                                     trows_v.at[g * 16 + l], sems[4 + l % 4])
                return carry

            lax.fori_loop(0, SC_CHUNK // 16, body, 0)
            dst_h = out_h.at[pl.ds(base + ch * SC_CHUNK, SC_CHUNK)]
            dst_t = out_t.at[pl.ds(base + ch * SC_CHUNK, SC_CHUNK)]
            for q in range(4):
                pltpu.make_async_copy(out_h.at[pl.ds(base, SC_CHUNK // 4)],
                                      hrows_v.at[pl.ds(0, SC_CHUNK // 4)],
                                      sems[q]).wait()
                pltpu.make_async_copy(out_t.at[pl.ds(base, SC_CHUNK // 4)],
                                      trows_v.at[pl.ds(0, SC_CHUNK // 4)],
                                      sems[4 + q]).wait()
            pltpu.sync_copy(hrows_v, dst_h)
            pltpu.sync_copy(trows_v, dst_t)

    return k(ent_embs, heads_r, tails_r)


_PS = (1.0, -0.1666666716337204, 0.008333331905305386,
       -0.00019841146422550082, 2.7551629955269163e-06,
       -2.4917465424323382e-08, 1.4466086661890643e-10)
_PC = (1.0, -0.5, 0.04166664928197861, -0.0013888705288991332,
       2.479313661751803e-05, -2.7357117460269365e-07,
       1.8502810394949165e-09)


def _poly_sin(x):
    t = x * x
    acc = jnp.float32(_PS[6])
    for c in _PS[5::-1]:
        acc = acc * t + jnp.float32(c)
    return x * acc


def _poly_cos(x):
    t = x * x
    acc = jnp.float32(_PC[6])
    for c in _PC[5::-1]:
        acc = acc * t + jnp.float32(c)
    return acc


def _tc_body(rels_ref, y_ref, mo_ref, d_ref, mm_ref, me_ref,
             wt_ref, out_ref):
    relv = rels_ref[0, 0, :]
    cls = lax.broadcasted_iota(jnp.int32, (REL_PAD, BLK), 0)
    onehot = (cls == relv[None, :]).astype(jnp.float32)
    g = jax.lax.dot(wt_ref[...], onehot,
                    preferred_element_type=jnp.float32)

    xs = [y_ref[0, 0, :][None, :], mo_ref[0, 0, :][None, :],
          d_ref[0, 0, :][None, :], mm_ref[0, 0, :][None, :],
          me_ref[0, 0, :][None, :]]

    def rows(i):
        return g[i * T_DIM:(i + 1) * T_DIM, :]

    acc = rows(0) * _poly_sin(rows(1) * xs[0] + rows(2))
    acc += rows(3) * _poly_sin(rows(1) * xs[1] + rows(4))
    acc += rows(5) * _poly_sin(rows(6) * xs[2] + rows(7))
    acc += rows(8) * _poly_sin(rows(9) * xs[3] + rows(10))
    acc += rows(11) * _poly_sin(rows(12) * xs[4] + rows(13))
    acc += rows(14) * _poly_cos(rows(15) * xs[0] + rows(16))
    acc += rows(17) * _poly_cos(rows(15) * xs[1] + rows(18))
    acc += rows(19) * _poly_cos(rows(20) * xs[2] + rows(21))
    acc += rows(22) * _poly_cos(rows(23) * xs[3] + rows(24))
    acc += rows(25) * _poly_cos(rows(26) * xs[4] + rows(27))

    out_ref[0, 0, :] = jnp.sum(acc, axis=0)


def _tc_combine(rels_ref, ht_ref, tt_ref, tin_ref, relt_ref, out_ref):
    relv = rels_ref[0, 0, :]
    cls = lax.broadcasted_iota(jnp.int32, (REL_PAD, BLK), 0)
    onehot = (cls == relv[None, :]).astype(jnp.float32)
    r = jax.lax.dot(relt_ref[...], onehot,
                    preferred_element_type=jnp.float32)
    dist = jnp.sum(ht_ref[...] * r * tt_ref[...], axis=0)
    out_ref[0, 0, :] = tin_ref[0, 0, :] + dist


def kernel(heads, rels, tails, years, months, days, mms, mmsend,
           ent_embs, rel_embs,
           y_amp, y_freq, y_phi, y_amp1, y_freq1, y_phi1,
           m_amp, m_freq, m_phi, m_amp1, m_freq1, m_phi1,
           d_amp, d_freq, d_phi, d_amp1, d_freq1, d_phi1,
           mm_amp, mm_freq, mm_phi, mm_amp1, mm_freq1, mm_phi1,
           mmend_amp, mmend_freq, mmend_phi, mmend_amp1, mmend_freq1,
           mmend_phi1):
    heads_r = heads.astype(jnp.int32).reshape(NW, BPW)
    tails_r = tails.astype(jnp.int32).reshape(NW, BPW)
    h_rows, t_rows = _sc_gather(ent_embs, heads_r, tails_r)

    tabs = [y_amp, y_freq, y_phi, m_amp, m_phi, d_amp, d_freq, d_phi,
            mm_amp, mm_freq, mm_phi, mmend_amp, mmend_freq, mmend_phi,
            y_amp1, y_freq1, y_phi1, m_amp1, m_phi1, d_amp1, d_freq1, d_phi1,
            mm_amp1, mm_freq1, mm_phi1, mmend_amp1, mmend_freq1, mmend_phi1]
    w = jnp.concatenate(tabs, axis=1)
    w = jnp.pad(w, ((0, REL_PAD - NUM_REL), (0, 0)))
    w_t = w.T
    relt = jnp.pad(rel_embs, ((0, REL_PAD - NUM_REL), (0, 0))).T

    rels_r = rels.astype(jnp.int32).reshape(NBLK, 1, BLK)
    xs_r = [x.reshape(NBLK, 1, BLK) for x in
            (years, months, days, mms, mmsend)]

    blk1 = pl.BlockSpec((1, 1, BLK), lambda i: (i, 0, 0))
    time2d = pl.pallas_call(
        _tc_body,
        grid=(NBLK,),
        in_specs=[blk1, blk1, blk1, blk1, blk1, blk1,
                  pl.BlockSpec((W_ROWS, REL_PAD), lambda i: (0, 0))],
        out_specs=pl.BlockSpec((1, 1, BLK), lambda i: (i, 0, 0)),
        out_shape=jax.ShapeDtypeStruct((NBLK, 1, BLK), jnp.float32),
    )(rels_r, *xs_r, w_t)

    ht = h_rows.T
    tt = t_rows.T
    ent_spec = pl.BlockSpec((ENT_DIM, BLK), lambda i: (0, i))
    out2d = pl.pallas_call(
        _tc_combine,
        grid=(NBLK,),
        in_specs=[blk1, ent_spec, ent_spec, blk1,
                  pl.BlockSpec((ENT_DIM, REL_PAD), lambda i: (0, 0))],
        out_specs=pl.BlockSpec((1, 1, BLK), lambda i: (i, 0, 0)),
        out_shape=jax.ShapeDtypeStruct((NBLK, 1, BLK), jnp.float32),
    )(rels_r, ht, tt, time2d, relt)
    return out2d.reshape(B)

# --- scband reference (transcript-rebuilt; emitter-appended) ---
"""Pipeline reference for scband-mgmf-dist-mult-6485400617428 (READ-ONLY COPY).

The authoritative reference and input builder live on the scoring server;
editing this copy changes nothing except your own understanding.
"""

import jax, jax.numpy as jnp
import numpy as np

NUM_ENT = 1000000
NUM_REL = 500
B = 16384
ENT_DIM = 36
T_DIM = 64

_TIME_NAMES = []
for _c in ["y", "m", "d", "mm", "mmend"]:
    for _s in ["amp", "freq", "phi", "amp1", "freq1", "phi1"]:
        _TIME_NAMES.append(_c + "_" + _s)


def setup_inputs(seed: int = 0) -> dict:
    key = jax.random.key(seed)
    inp = {}
    inp["heads"] = jax.random.randint(jax.random.fold_in(key, 0), (B,), 0, NUM_ENT)
    inp["rels"] = jax.random.randint(jax.random.fold_in(key, 1), (B,), 0, NUM_REL)
    inp["tails"] = jax.random.randint(jax.random.fold_in(key, 2), (B,), 0, NUM_ENT)
    for i, n in enumerate(["years", "months", "days", "mms", "mmsend"]):
        inp[n] = jax.random.uniform(jax.random.fold_in(key, 10 + i), (B, 1), dtype=jnp.float32)
    inp["ent_embs"] = jax.random.normal(jax.random.fold_in(key, 20), (NUM_ENT, ENT_DIM), dtype=jnp.float32) * 0.05
    inp["rel_embs"] = jax.random.normal(jax.random.fold_in(key, 21), (NUM_REL, ENT_DIM), dtype=jnp.float32) * 0.05
    for i, n in enumerate(_TIME_NAMES):
        inp[n] = jax.random.normal(jax.random.fold_in(key, 100 + i), (NUM_REL, T_DIM), dtype=jnp.float32) * 0.05
    return inp


def _forward(heads, rels, tails, p):
    h = jnp.take(p["ent_embs"], heads, axis=0)
    t = jnp.take(p["ent_embs"], tails, axis=0)
    r = jnp.take(p["rel_embs"], rels, axis=0)

    def g(name):
        return jnp.take(p[name], rels, axis=0)

    # sin-branch diachronic features (time_nl = sin); note: 'm' uses y_freq,
    # replicating the original module exactly.
    y = g("y_amp") * jnp.sin(g("y_freq") * p["years"] + g("y_phi"))
    m = g("m_amp") * jnp.sin(g("y_freq") * p["months"] + g("m_phi"))
    d = g("d_amp") * jnp.sin(g("d_freq") * p["days"] + g("d_phi"))
    mm = g("mm_amp") * jnp.sin(g("mm_freq") * p["mms"] + g("mm_phi"))
    mmend = g("mmend_amp") * jnp.sin(g("mmend_freq") * p["mmsend"] + g("mmend_phi"))
    # cos-branch (time_nl1 = cos) using the *1 parameter tables
    y1 = g("y_amp1") * jnp.cos(g("y_freq1") * p["years"] + g("y_phi1"))
    m1 = g("m_amp1") * jnp.cos(g("y_freq1") * p["months"] + g("m_phi1"))
    d1 = g("d_amp1") * jnp.cos(g("d_freq1") * p["days"] + g("d_phi1"))
    mm1 = g("mm_amp1") * jnp.cos(g("mm_freq1") * p["mms"] + g("mm_phi1"))
    mmend1 = g("mmend_amp1") * jnp.cos(g("mmend_freq1") * p["mmsend"] + g("mmend_phi1"))

    time_emb = y + m + d + mm + mmend + y1 + m1 + d1 + mm1 + mmend1
    # DistMult triple score plus summed temporal feature contribution
    score = jnp.sum(h * r * t, axis=-1) + jnp.sum(time_emb, axis=-1)
    return score


def reference(heads, rels, tails, years, months, days, mms, mmsend,
              ent_embs, rel_embs,
              y_amp, y_freq, y_phi, y_amp1, y_freq1, y_phi1,
              m_amp, m_freq, m_phi, m_amp1, m_freq1, m_phi1,
              d_amp, d_freq, d_phi, d_amp1, d_freq1, d_phi1,
              mm_amp, mm_freq, mm_phi, mm_amp1, mm_freq1, mm_phi1,
              mmend_amp, mmend_freq, mmend_phi, mmend_amp1, mmend_freq1, mmend_phi1):
    p = {k: v for k, v in locals().items() if k not in ("heads", "rels", "tails")}
    return _forward(heads, rels, tails, p)

if __name__ == "__main__":
    import jax
    _d = setup_inputs()
    print(jax.jit(kernel)(*tuple(_d.values())))

</pallas_src>

<mosaic_0001>
#map = affine_map<(d0, d1) -> (0, 0)>
module attributes {stable_mosaic.version = 14 : i64} {
  func.func @k(%arg0: i32, %arg1: i32, %arg2: memref<1000000x36xf32, #tpu.memory_space<hbm>>, %arg3: memref<32x512xi32, #tpu.memory_space<hbm>>, %arg4: memref<32x512xi32, #tpu.memory_space<hbm>>, %arg5: memref<16384x36xf32, #tpu.memory_space<hbm>>, %arg6: memref<16384x36xf32, #tpu.memory_space<hbm>>, %arg7: memref<512xi32, #tpu.memory_space<vmem>>, %arg8: memref<512xi32, #tpu.memory_space<vmem>>, %arg9: memref<256x36xf32, #tpu.memory_space<vmem>>, %arg10: memref<256x36xf32, #tpu.memory_space<vmem>>, %arg11: memref<!tpu.dma_semaphore, #tpu.memory_space<semaphore_mem>>, %arg12: memref<!tpu.dma_semaphore, #tpu.memory_space<semaphore_mem>>, %arg13: memref<!tpu.dma_semaphore, #tpu.memory_space<semaphore_mem>>, %arg14: memref<!tpu.dma_semaphore, #tpu.memory_space<semaphore_mem>>, %arg15: memref<!tpu.dma_semaphore, #tpu.memory_space<semaphore_mem>>, %arg16: memref<!tpu.dma_semaphore, #tpu.memory_space<semaphore_mem>>, %arg17: memref<!tpu.dma_semaphore, #tpu.memory_space<semaphore_mem>>, %arg18: memref<!tpu.dma_semaphore, #tpu.memory_space<semaphore_mem>>) attributes {dimension_semantics = [#tpu.dimension_semantics<core_parallel>, #tpu.dimension_semantics<subcore_parallel>], iteration_bounds = array<i64: 2, 16>, scalar_prefetch = 0 : i64, scratch_operands = 12 : i64, tpu.core_type = #tpu.core_type<sc_vector_subcore>, window_params = [{transform_indices = #map}, {transform_indices = #map}, {transform_indices = #map}, {transform_indices = #map}, {transform_indices = #map}]} {
    %mul3A = arith.constant 2 : i32
    %mul3A_0 = arith.muli %arg1, %mul3A : i32
    %add3A = arith.addi %mul3A_0, %arg0 : i32
    %mul3A_1 = arith.constant 512 : i32
    %mul3A_2 = arith.muli %add3A, %mul3A_1 : i32
    "tpu.region"() ({
      %run_scoped3A = tpu.sem_alloc : memref<!tpu.dma_semaphore, #tpu.memory_space<semaphore_mem>>
      %dma_start3A = arith.constant 0 : i32
      %dma_start3A_181 = tpu.memref_slice %arg3[%add3A, %dma_start3A] : memref<32x512xi32, #tpu.memory_space<hbm>> -> memref<1x512xi32, #tpu.memory_space<hbm>>
      %dma_start3A_182 = tpu.memref_squeeze %dma_start3A_181 : memref<1x512xi32, #tpu.memory_space<hbm>> -> memref<512xi32, #tpu.memory_space<hbm>>
      %dma_start3A_183 = arith.constant 0 : i32
      %dma_start3A_184 = tpu.memref_slice %arg3[%add3A, %dma_start3A_183] : memref<32x512xi32, #tpu.memory_space<hbm>> -> memref<1x512xi32, #tpu.memory_space<hbm>>
      %dma_start3A_185 = tpu.memref_squeeze %dma_start3A_184 : memref<1x512xi32, #tpu.memory_space<hbm>> -> memref<512xi32, #tpu.memory_space<hbm>>
      tpu.enqueue_dma source(%dma_start3A_185 : memref<512xi32, #tpu.memory_space<hbm>>) target(%arg7 : memref<512xi32, #tpu.memory_space<vmem>>) target_semaphore(%run_scoped3A : memref<!tpu.dma_semaphore, #tpu.memory_space<semaphore_mem>>)
      %dma_wait3A_186 = arith.constant 0 : i32
      %dma_wait3A_187 = tpu.memref_slice %arg3[%add3A, %dma_wait3A_186] : memref<32x512xi32, #tpu.memory_space<hbm>> -> memref<1x512xi32, #tpu.memory_space<hbm>>
      %dma_wait3A_188 = tpu.memref_squeeze %dma_wait3A_187 : memref<1x512xi32, #tpu.memory_space<hbm>> -> memref<512xi32, #tpu.memory_space<hbm>>
      %dma_wait3A_189 = arith.constant 0 : i32
      %dma_wait3A_190 = tpu.memref_slice %arg3[%add3A, %dma_wait3A_189] : memref<32x512xi32, #tpu.memory_space<hbm>> -> memref<1x512xi32, #tpu.memory_space<hbm>>
      %dma_wait3A_191 = tpu.memref_squeeze %dma_wait3A_190 : memref<1x512xi32, #tpu.memory_space<hbm>> -> memref<512xi32, #tpu.memory_space<hbm>>
      tpu.wait_dma2 semaphore(%run_scoped3A : memref<!tpu.dma_semaphore, #tpu.memory_space<semaphore_mem>>) src(%dma_wait3A_191 : memref<512xi32, #tpu.memory_space<hbm>>) dst(%arg7 : memref<512xi32, #tpu.memory_space<vmem>>)
      tpu.yield
    }) : () -> ()
    "tpu.region"() ({
      %run_scoped3A = tpu.sem_alloc : memref<!tpu.dma_semaphore, #tpu.memory_space<semaphore_mem>>
      %dma_start3A = arith.constant 0 : i32
      %dma_start3A_181 = tpu.memref_slice %arg4[%add3A, %dma_start3A] : memref<32x512xi32, #tpu.memory_space<hbm>> -> memref<1x512xi32, #tpu.memory_space<hbm>>
      %dma_start3A_182 = tpu.memref_squeeze %dma_start3A_181 : memref<1x512xi32, #tpu.memory_space<hbm>> -> memref<512xi32, #tpu.memory_space<hbm>>
      %dma_start3A_183 = arith.constant 0 : i32
      %dma_start3A_184 = tpu.memref_slice %arg4[%add3A, %dma_start3A_183] : memref<32x512xi32, #tpu.memory_space<hbm>> -> memref<1x512xi32, #tpu.memory_space<hbm>>
      %dma_start3A_185 = tpu.memref_squeeze %dma_start3A_184 : memref<1x512xi32, #tpu.memory_space<hbm>> -> memref<512xi32, #tpu.memory_space<hbm>>
      tpu.enqueue_dma source(%dma_start3A_185 : memref<512xi32, #tpu.memory_space<hbm>>) target(%arg8 : memref<512xi32, #tpu.memory_space<vmem>>) target_semaphore(%run_scoped3A : memref<!tpu.dma_semaphore, #tpu.memory_space<semaphore_mem>>)
      %dma_wait3A_186 = arith.constant 0 : i32
      %dma_wait3A_187 = tpu.memref_slice %arg4[%add3A, %dma_wait3A_186] : memref<32x512xi32, #tpu.memory_space<hbm>> -> memref<1x512xi32, #tpu.memory_space<hbm>>
      %dma_wait3A_188 = tpu.memref_squeeze %dma_wait3A_187 : memref<1x512xi32, #tpu.memory_space<hbm>> -> memref<512xi32, #tpu.memory_space<hbm>>
      %dma_wait3A_189 = arith.constant 0 : i32
      %dma_wait3A_190 = tpu.memref_slice %arg4[%add3A, %dma_wait3A_189] : memref<32x512xi32, #tpu.memory_space<hbm>> -> memref<1x512xi32, #tpu.memory_space<hbm>>
      %dma_wait3A_191 = tpu.memref_squeeze %dma_wait3A_190 : memref<1x512xi32, #tpu.memory_space<hbm>> -> memref<512xi32, #tpu.memory_space<hbm>>
      tpu.wait_dma2 semaphore(%run_scoped3A : memref<!tpu.dma_semaphore, #tpu.memory_space<semaphore_mem>>) src(%dma_wait3A_191 : memref<512xi32, #tpu.memory_space<hbm>>) dst(%arg8 : memref<512xi32, #tpu.memory_space<vmem>>)
      tpu.yield
    }) : () -> ()
    %scan3A = arith.constant 0 : i32
    %scan3A_3 = arith.constant 0 : i32
    %scan3A_4 = arith.constant 16 : i32
    %scan3A_5 = arith.addi %scan3A_3, %scan3A_4 : i32
    %scan3A_6 = arith.constant 1 : i32
    scf.for %scan3A_181 = %scan3A_3 to %scan3A_5 step %scan3A_6  : i32 {
      %mul3A_182 = arith.constant 16 : i32
      %mul3A_183 = arith.muli %scan3A_181, %mul3A_182 : i32
      %add3A_184 = arith.constant 0 : i32
      %add3A_185 = arith.addi %add3A_184, %mul3A_183 : i32
      %get3A = arith.index_cast %add3A_185 : i32 to index
      %get3A_186 = tpu.vector_load %arg7[%get3A] {strides = array<i32>} : memref<512xi32, #tpu.memory_space<vmem>>, vector<16xi32>,
      %get3A_187 = vector.shape_cast %get3A_186 : vector<16xi32> to vector<16xi32>
      %mul3A_188 = arith.constant 16 : i32
      %mul3A_189 = arith.muli %scan3A_181, %mul3A_188 : i32
      %add3A_190 = arith.constant 0 : i32
      %add3A_191 = arith.addi %add3A_190, %mul3A_189 : i32
      %get3A_192 = arith.index_cast %add3A_191 : i32 to index
      %get3A_193 = tpu.vector_load %arg8[%get3A_192] {strides = array<i32>} : memref<512xi32, #tpu.memory_space<vmem>>, vector<16xi32>,
      %get3A_194 = vector.shape_cast %get3A_193 : vector<16xi32> to vector<16xi32>
      %slice3A = vector.extract_strided_slice %get3A_187 {offsets = [0], sizes = [1], strides = [1]} : vector<16xi32> to vector<1xi32>
      %squeeze3A = vector.extract %slice3A[0] : i32 from vector<1xi32>
      %mul3A_195 = arith.constant 16 : i32
      %mul3A_196 = arith.muli %scan3A_181, %mul3A_195 : i32
      %add3A_197 = arith.constant 0 : i32
      %add3A_198 = arith.addi %mul3A_196, %add3A_197 : i32
      %dma_start3A = arith.constant 0 : i32
      %dma_start3A_199 = tpu.memref_slice %arg9[%add3A_198, %dma_start3A] : memref<256x36xf32, #tpu.memory_space<vmem>> -> memref<1x36xf32, #tpu.memory_space<vmem>>
      %dma_start3A_200 = tpu.memref_squeeze %dma_start3A_199 : memref<1x36xf32, #tpu.memory_space<vmem>> -> memref<36xf32, #tpu.memory_space<vmem>>
      %dma_start3A_201 = arith.constant 0 : i32
      %dma_start3A_202 = tpu.memref_slice %arg2[%squeeze3A, %dma_start3A_201] : memref<1000000x36xf32, #tpu.memory_space<hbm>> -> memref<1x36xf32, #tpu.memory_space<hbm>>
      %dma_start3A_203 = tpu.memref_squeeze %dma_start3A_202 : memref<1x36xf32, #tpu.memory_space<hbm>> -> memref<36xf32, #tpu.memory_space<hbm>>
      %dma_start3A_204 = arith.constant 0 : i32
      %dma_start3A_205 = tpu.memref_slice %arg9[%add3A_198, %dma_start3A_204] : memref<256x36xf32, #tpu.memory_space<vmem>> -> memref<1x36xf32, #tpu.memory_space<vmem>>
      %dma_start3A_206 = tpu.memref_squeeze %dma_start3A_205 : memref<1x36xf32, #tpu.memory_space<vmem>> -> memref<36xf32, #tpu.memory_space<vmem>>
      %dma_start3A_207 = arith.constant 0 : i32
      %dma_start3A_208 = tpu.memref_slice %arg2[%squeeze3A, %dma_start3A_207] : memref<1000000x36xf32, #tpu.memory_space<hbm>> -> memref<1x36xf32, #tpu.memory_space<hbm>>
      %dma_start3A_209 = tpu.memref_squeeze %dma_start3A_208 : memref<1x36xf32, #tpu.memory_space<hbm>> -> memref<36xf32, #tpu.memory_space<hbm>>
      tpu.enqueue_dma source(%dma_start3A_209 : memref<36xf32, #tpu.memory_space<hbm>>) target(%dma_start3A_206 : memref<36xf32, #tpu.memory_space<vmem>>) target_semaphore(%arg11 : memref<!tpu.dma_semaphore, #tpu.memory_space<semaphore_mem>>)
      %slice3A_210 = vector.extract_strided_slice %get3A_194 {offsets = [0], sizes = [1], strides = [1]} : vector<16xi32> to vector<1xi32>
      %squeeze3A_211 = vector.extract %slice3A_210[0] : i32 from vector<1xi32>
      %mul3A_212 = arith.constant 16 : i32
      %mul3A_213 = arith.muli %scan3A_181, %mul3A_212 : i32
      %add3A_214 = arith.constant 0 : i32
      %add3A_215 = arith.addi %mul3A_213, %add3A_214 : i32
      %dma_start3A_216 = arith.constant 0 : i32
      %dma_start3A_217 = tpu.memref_slice %arg10[%add3A_215, %dma_start3A_216] : memref<256x36xf32, #tpu.memory_space<vmem>> -> memref<1x36xf32, #tpu.memory_space<vmem>>
      %dma_start3A_218 = tpu.memref_squeeze %dma_start3A_217 : memref<1x36xf32, #tpu.memory_space<vmem>> -> memref<36xf32, #tpu.memory_space<vmem>>
      %dma_start3A_219 = arith.constant 0 : i32
      %dma_start3A_220 = tpu.memref_slice %arg2[%squeeze3A_211, %dma_start3A_219] : memref<1000000x36xf32, #tpu.memory_space<hbm>> -> memref<1x36xf32, #tpu.memory_space<hbm>>
      %dma_start3A_221 = tpu.memref_squeeze %dma_start3A_220 : memref<1x36xf32, #tpu.memory_space<hbm>> -> memref<36xf32, #tpu.memory_space<hbm>>
      %dma_start3A_222 = arith.constant 0 : i32
      %dma_start3A_223 = tpu.memref_slice %arg10[%add3A_215, %dma_start3A_222] : memref<256x36xf32, #tpu.memory_space<vmem>> -> memref<1x36xf32, #tpu.memory_space<vmem>>
      %dma_start3A_224 = tpu.memref_squeeze %dma_start3A_223 : memref<1x36xf32, #tpu.memory_space<vmem>> -> memref<36xf32, #tpu.memory_space<vmem>>
      %dma_start3A_225 = arith.constant 0 : i32
      %dma_start3A_226 = tpu.memref_slice %arg2[%squeeze3A_211, %dma_start3A_225] : memref<1000000x36xf32, #tpu.memory_space<hbm>> -> memref<1x36xf32, #tpu.memory_space<hbm>>
      %dma_start3A_227 = tpu.memref_squeeze %dma_start3A_226 : memref<1x36xf32, #tpu.memory_space<hbm>> -> memref<36xf32, #tpu.memory_space<hbm>>
      tpu.enqueue_dma source(%dma_start3A_227 : memref<36xf32, #tpu.memory_space<hbm>>) target(%dma_start3A_224 : memref<36xf32, #tpu.memory_space<vmem>>) target_semaphore(%arg15 : memref<!tpu.dma_semaphore, #tpu.memory_space<semaphore_mem>>)
      %slice3A_228 = vector.extract_strided_slice %get3A_187 {offsets = [1], sizes = [1], strides = [1]} : vector<16xi32> to vector<1xi32>
      %squeeze3A_229 = vector.extract %slice3A_228[0] : i32 from vector<1xi32>
      %mul3A_230 = arith.constant 16 : i32
      %mul3A_231 = arith.muli %scan3A_181, %mul3A_230 : i32
      %add3A_232 = arith.constant 1 : i32
      %add3A_233 = arith.addi %mul3A_231, %add3A_232 : i32
      %dma_start3A_234 = arith.constant 0 : i32
      %dma_start3A_235 = tpu.memref_slice %arg9[%add3A_233, %dma_start3A_234] : memref<256x36xf32, #tpu.memory_space<vmem>> -> memref<1x36xf32, #tpu.memory_space<vmem>>
      %dma_start3A_236 = tpu.memref_squeeze %dma_start3A_235 : memref<1x36xf32, #tpu.memory_space<vmem>> -> memref<36xf32, #tpu.memory_space<vmem>>
      %dma_start3A_237 = arith.constant 0 : i32
      %dma_start3A_238 = tpu.memref_slice %arg2[%squeeze3A_229, %dma_start3A_237] : memref<1000000x36xf32, #tpu.memory_space<hbm>> -> memref<1x36xf32, #tpu.memory_space<hbm>>
      %dma_start3A_239 = tpu.memref_squeeze %dma_start3A_238 : memref<1x36xf32, #tpu.memory_space<hbm>> -> memref<36xf32, #tpu.memory_space<hbm>>
      %dma_start3A_240 = arith.constant 0 : i32
      %dma_start3A_241 = tpu.memref_slice %arg9[%add3A_233, %dma_start3A_240] : memref<256x36xf32, #tpu.memory_space<vmem>> -> memref<1x36xf32, #tpu.memory_space<vmem>>
      %dma_start3A_242 = tpu.memref_squeeze %dma_start3A_241 : memref<1x36xf32, #tpu.memory_space<vmem>> -> memref<36xf32, #tpu.memory_space<vmem>>
      %dma_start3A_243 = arith.constant 0 : i32
      %dma_start3A_244 = tpu.memref_slice %arg2[%squeeze3A_229, %dma_start3A_243] : memref<1000000x36xf32, #tpu.memory_space<hbm>> -> memref<1x36xf32, #tpu.memory_space<hbm>>
      %dma_start3A_245 = tpu.memref_squeeze %dma_start3A_244 : memref<1x36xf32, #tpu.memory_space<hbm>> -> memref<36xf32, #tpu.memory_space<hbm>>
      tpu.enqueue_dma source(%dma_start3A_245 : memref<36xf32, #tpu.memory_space<hbm>>) target(%dma_start3A_242 : memref<36xf32, #tpu.memory_space<vmem>>) target_semaphore(%arg12 : memref<!tpu.dma_semaphore, #tpu.memory_space<semaphore_mem>>)
      %slice3A_246 = vector.extract_strided_slice %get3A_194 {offsets = [1], sizes = [1], strides = [1]} : vector<16xi32> to vector<1xi32>
      %squeeze3A_247 = vector.extract %slice3A_246[0] : i32 from vector<1xi32>
      %mul3A_248 = arith.constant 16 : i32
      %mul3A_249 = arith.muli %scan3A_181, %mul3A_248 : i32
      %add3A_250 = arith.constant 1 : i32
      %add3A_251 = arith.addi %mul3A_249, %add3A_250 : i32
      %dma_start3A_252 = arith.constant 0 : i32
      %dma_start3A_253 = tpu.memref_slice %arg10[%add3A_251, %dma_start3A_252] : memref<256x36xf32, #tpu.memory_space<vmem>> -> memref<1x36xf32, #tpu.memory_space<vmem>>
      %dma_start3A_254 = tpu.memref_squeeze %dma_start3A_253 : memref<1x36xf32, #tpu.memory_space<vmem>> -> memref<36xf32, #tpu.memory_space<vmem>>
      %dma_start3A_255 = arith.constant 0 : i32
      %dma_start3A_256 = tpu.memref_slice %arg2[%squeeze3A_247, %dma_start3A_255] : memref<1000000x36xf32, #tpu.memory_space<hbm>> -> memref<1x36xf32, #tpu.memory_space<hbm>>
      %dma_start3A_257 = tpu.memref_squeeze %dma_start3A_256 : memref<1x36xf32, #tpu.memory_space<hbm>> -> memref<36xf32, #tpu.memory_space<hbm>>
      %dma_start3A_258 = arith.constant 0 : i32
      %dma_start3A_259 = tpu.memref_slice %arg10[%add3A_251, %dma_start3A_258] : memref<256x36xf32, #tpu.memory_space<vmem>> -> memref<1x36xf32, #tpu.memory_space<vmem>>
      %dma_start3A_260 = tpu.memref_squeeze %dma_start3A_259 : memref<1x36xf32, #tpu.memory_space<vmem>> -> memref<36xf32, #tpu.memory_space<vmem>>
      %dma_start3A_261 = arith.constant 0 : i32
      %dma_start3A_262 = tpu.memref_slice %arg2[%squeeze3A_247, %dma_start3A_261] : memref<1000000x36xf32, #tpu.memory_space<hbm>> -> memref<1x36xf32, #tpu.memory_space<hbm>>
      %dma_start3A_263 = tpu.memref_squeeze %dma_start3A_262 : memref<1x36xf32, #tpu.memory_space<hbm>> -> memref<36xf32, #tpu.memory_space<hbm>>
      tpu.enqueue_dma source(%dma_start3A_263 : memref<36xf32, #tpu.memory_space<hbm>>) target(%dma_start3A_260 : memref<36xf32, #tpu.memory_space<vmem>>) target_semaphore(%arg16 : memref<!tpu.dma_semaphore, #tpu.memory_space<semaphore_mem>>)
      %slice3A_264 = vector.extract_strided_slice %get3A_187 {offsets = [2], sizes = [1], strides = [1]} : vector<16xi32> to vector<1xi32>
      %squeeze3A_265 = vector.extract %slice3A_264[0] : i32 from vector<1xi32>
      %mul3A_266 = arith.constant 16 : i32
      %mul3A_267 = arith.muli %scan3A_181, %mul3A_266 : i32
      %add3A_268 = arith.constant 2 : i32
      %add3A_269 = arith.addi %mul3A_267, %add3A_268 : i32
      %dma_start3A_270 = arith.constant 0 : i32
      %dma_start3A_271 = tpu.memref_slice %arg9[%add3A_269, %dma_start3A_270] : memref<256x36xf32, #tpu.memory_space<vmem>> -> memref<1x36xf32, #tpu.memory_space<vmem>>
      %dma_start3A_272 = tpu.memref_squeeze %dma_start3A_271 : memref<1x36xf32, #tpu.memory_space<vmem>> -> memref<36xf32, #tpu.memory_space<vmem>>
      %dma_start3A_273 = arith.constant 0 : i32
      %dma_start3A_274 = tpu.memref_slice %arg2[%squeeze3A_265, %dma_start3A_273] : memref<1000000x36xf32, #tpu.memory_space<hbm>> -> memref<1x36xf32, #tpu.memory_space<hbm>>
      %dma_start3A_275 = tpu.memref_squeeze %dma_start3A_274 : memref<1x36xf32, #tpu.memory_space<hbm>> -> memref<36xf32, #tpu.memory_space<hbm>>
      %dma_start3A_276 = arith.constant 0 : i32
      %dma_start3A_277 = tpu.memref_slice %arg9[%add3A_269, %dma_start3A_276] : memref<256x36xf32, #tpu.memory_space<vmem>> -> memref<1x36xf32, #tpu.memory_space<vmem>>
      %dma_start3A_278 = tpu.memref_squeeze %dma_start3A_277 : memref<1x36xf32, #tpu.memory_space<vmem>> -> memref<36xf32, #tpu.memory_space<vmem>>
      %dma_start3A_279 = arith.constant 0 : i32
      %dma_start3A_280 = tpu.memref_slice %arg2[%squeeze3A_265, %dma_start3A_279] : memref<1000000x36xf32, #tpu.memory_space<hbm>> -> memref<1x36xf32, #tpu.memory_space<hbm>>
      %dma_start3A_281 = tpu.memref_squeeze %dma_start3A_280 : memref<1x36xf32, #tpu.memory_space<hbm>> -> memref<36xf32, #tpu.memory_space<hbm>>
      tpu.enqueue_dma source(%dma_start3A_281 : memref<36xf32, #tpu.memory_space<hbm>>) target(%dma_start3A_278 : memref<36xf32, #tpu.memory_space<vmem>>) target_semaphore(%arg13 : memref<!tpu.dma_semaphore, #tpu.memory_space<semaphore_mem>>)
      %slice3A_282 = vector.extract_strided_slice %get3A_194 {offsets = [2], sizes = [1], strides = [1]} : vector<16xi32> to vector<1xi32>
      %squeeze3A_283 = vector.extract %slice3A_282[0] : i32 from vector<1xi32>
      %mul3A_284 = arith.constant 16 : i32
      %mul3A_285 = arith.muli %scan3A_181, %mul3A_284 : i32
      %add3A_286 = arith.constant 2 : i32
      %add3A_287 = arith.addi %mul3A_285, %add3A_286 : i32
      %dma_start3A_288 = arith.constant 0 : i32
      %dma_start3A_289 = tpu.memref_slice %arg10[%add3A_287, %dma_start3A_288] : memref<256x36xf32, #tpu.memory_space<vmem>> -> memref<1x36xf32, #tpu.memory_space<vmem>>
      %dma_start3A_290 = tpu.memref_squeeze %dma_start3A_289 : memref<1x36xf32, #tpu.memory_space<vmem>> -> memref<36xf32, #tpu.memory_space<vmem>>
      %dma_start3A_291 = arith.constant 0 : i32
      %dma_start3A_292 = tpu.memref_slice %arg2[%squeeze3A_283, %dma_start3A_291] : memref<1000000x36xf32, #tpu.memory_space<hbm>> -> memref<1x36xf32, #tpu.memory_space<hbm>>
      %dma_start3A_293 = tpu.memref_squeeze %dma_start3A_292 : memref<1x36xf32, #tpu.memory_space<hbm>> -> memref<36xf32, #tpu.memory_space<hbm>>
      %dma_start3A_294 = arith.constant 0 : i32
      %dma_start3A_295 = tpu.memref_slice %arg10[%add3A_287, %dma_start3A_294] : memref<256x36xf32, #tpu.memory_space<vmem>> -> memref<1x36xf32, #tpu.memory_space<vmem>>
      %dma_start3A_296 = tpu.memref_squeeze %dma_start3A_295 : memref<1x36xf32, #tpu.memory_space<vmem>> -> memref<36xf32, #tpu.memory_space<vmem>>
      %dma_start3A_297 = arith.constant 0 : i32
      %dma_start3A_298 = tpu.memref_slice %arg2[%squeeze3A_283, %dma_start3A_297] : memref<1000000x36xf32, #tpu.memory_space<hbm>> -> memref<1x36xf32, #tpu.memory_space<hbm>>
      %dma_start3A_299 = tpu.memref_squeeze %dma_start3A_298 : memref<1x36xf32, #tpu.memory_space<hbm>> -> memref<36xf32, #tpu.memory_space<hbm>>
      tpu.enqueue_dma source(%dma_start3A_299 : memref<36xf32, #tpu.memory_space<hbm>>) target(%dma_start3A_296 : memref<36xf32, #tpu.memory_space<vmem>>) target_semaphore(%arg17 : memref<!tpu.dma_semaphore, #tpu.memory_space<semaphore_mem>>)
      %slice3A_300 = vector.extract_strided_slice %get3A_187 {offsets = [3], sizes = [1], strides = [1]} : vector<16xi32> to vector<1xi32>
      %squeeze3A_301 = vector.extract %slice3A_300[0] : i32 from vector<1xi32>
      %mul3A_302 = arith.constant 16 : i32
      %mul3A_303 = arith.muli %scan3A_181, %mul3A_302 : i32
      %add3A_304 = arith.constant 3 : i32
      %add3A_305 = arith.addi %mul3A_303, %add3A_304 : i32
      %dma_start3A_306 = arith.constant 0 : i32
      %dma_start3A_307 = tpu.memref_slice %arg9[%add3A_305, %dma_start3A_306] : memref<256x36xf32, #tpu.memory_space<vmem>> -> memref<1x36xf32, #tpu.memory_space<vmem>>
      %dma_start3A_308 = tpu.memref_squeeze %dma_start3A_307 : memref<1x36xf32, #tpu.memory_space<vmem>> -> memref<36xf32, #tpu.memory_space<vmem>>
      %dma_start3A_309 = arith.constant 0 : i32
      %dma_start3A_310 = tpu.memref_slice %arg2[%squeeze3A_301, %dma_start3A_309] : memref<1000000x36xf32, #tpu.memory_space<hbm>> -> memref<1x36xf32, #tpu.memory_space<hbm>>
      %dma_start3A_311 = tpu.memref_squeeze %dma_start3A_310 : memref<1x36xf32, #tpu.memory_space<hbm>> -> memref<36xf32, #tpu.memory_space<hbm>>
      %dma_start3A_312 = arith.constant 0 : i32
      %dma_start3A_313 = tpu.memref_slice %arg9[%add3A_305, %dma_start3A_312] : memref<256x36xf32, #tpu.memory_space<vmem>> -> memref<1x36xf32, #tpu.memory_space<vmem>>
      %dma_start3A_314 = tpu.memref_squeeze %dma_start3A_313 : memref<1x36xf32, #tpu.memory_space<vmem>> -> memref<36xf32, #tpu.memory_space<vmem>>
      %dma_start3A_315 = arith.constant 0 : i32
      %dma_start3A_316 = tpu.memref_slice %arg2[%squeeze3A_301, %dma_start3A_315] : memref<1000000x36xf32, #tpu.memory_space<hbm>> -> memref<1x36xf32, #tpu.memory_space<hbm>>
      %dma_start3A_317 = tpu.memref_squeeze %dma_start3A_316 : memref<1x36xf32, #tpu.memory_space<hbm>> -> memref<36xf32, #tpu.memory_space<hbm>>
      tpu.enqueue_dma source(%dma_start3A_317 : memref<36xf32, #tpu.memory_space<hbm>>) target(%dma_start3A_314 : memref<36xf32, #tpu.memory_space<vmem>>) target_semaphore(%arg14 : memref<!tpu.dma_semaphore, #tpu.memory_space<semaphore_mem>>)
      %slice3A_318 = vector.extract_strided_slice %get3A_194 {offsets = [3], sizes = [1], strides = [1]} : vector<16xi32> to vector<1xi32>
      %squeeze3A_319 = vector.extract %slice3A_318[0] : i32 from vector<1xi32>
      %mul3A_320 = arith.constant 16 : i32
      %mul3A_321 = arith.muli %scan3A_181, %mul3A_320 : i32
      %add3A_322 = arith.constant 3 : i32
      %add3A_323 = arith.addi %mul3A_321, %add3A_322 : i32
      %dma_start3A_324 = arith.constant 0 : i32
      %dma_start3A_325 = tpu.memref_slice %arg10[%add3A_323, %dma_start3A_324] : memref<256x36xf32, #tpu.memory_space<vmem>> -> memref<1x36xf32, #tpu.memory_space<vmem>>
      %dma_start3A_326 = tpu.memref_squeeze %dma_start3A_325 : memref<1x36xf32, #tpu.memory_space<vmem>> -> memref<36xf32, #tpu.memory_space<vmem>>
      %dma_start3A_327 = arith.constant 0 : i32
      %dma_start3A_328 = tpu.memref_slice %arg2[%squeeze3A_319, %dma_start3A_327] : memref<1000000x36xf32, #tpu.memory_space<hbm>> -> memref<1x36xf32, #tpu.memory_space<hbm>>
      %dma_start3A_329 = tpu.memref_squeeze %dma_start3A_328 : memref<1x36xf32, #tpu.memory_space<hbm>> -> memref<36xf32, #tpu.memory_space<hbm>>
      %dma_start3A_330 = arith.constant 0 : i32
      %dma_start3A_331 = tpu.memref_slice %arg10[%add3A_323, %dma_start3A_330] : memref<256x36xf32, #tpu.memory_space<vmem>> -> memref<1x36xf32, #tpu.memory_space<vmem>>
      %dma_start3A_332 = tpu.memref_squeeze %dma_start3A_331 : memref<1x36xf32, #tpu.memory_space<vmem>> -> memref<36xf32, #tpu.memory_space<vmem>>
      %dma_start3A_333 = arith.constant 0 : i32
      %dma_start3A_334 = tpu.memref_slice %arg2[%squeeze3A_319, %dma_start3A_333] : memref<1000000x36xf32, #tpu.memory_space<hbm>> -> memref<1x36xf32, #tpu.memory_space<hbm>>
      %dma_start3A_335 = tpu.memref_squeeze %dma_start3A_334 : memref<1x36xf32, #tpu.memory_space<hbm>> -> memref<36xf32, #tpu.memory_space<hbm>>
      tpu.enqueue_dma source(%dma_start3A_335 : memref<36xf32, #tpu.memory_space<hbm>>) target(%dma_start3A_332 : memref<36xf32, #tpu.memory_space<vmem>>) target_semaphore(%arg18 : memref<!tpu.dma_semaphore, #tpu.memory_space<semaphore_mem>>)
      %slice3A_336 = vector.extract_strided_slice %get3A_187 {offsets = [4], sizes = [1], strides = [1]} : vector<16xi32> to vector<1xi32>
      %squeeze3A_337 = vector.extract %slice3A_336[0] : i32 from vector<1xi32>
      %mul3A_338 = arith.constant 16 : i32
      %mul3A_339 = arith.muli %scan3A_181, %mul3A_338 : i32
      %add3A_340 = arith.constant 4 : i32
      %add3A_341 = arith.addi %mul3A_339, %add3A_340 : i32
      %dma_start3A_342 = arith.constant 0 : i32
      %dma_start3A_343 = tpu.memref_slice %arg9[%add3A_341, %dma_start3A_342] : memref<256x36xf32, #tpu.memory_space<vmem>> -> memref<1x36xf32, #tpu.memory_space<vmem>>
      %dma_start3A_344 = tpu.memref_squeeze %dma_start3A_343 : memref<1x36xf32, #tpu.memory_space<vmem>> -> memref<36xf32, #tpu.memory_space<vmem>>
      %dma_start3A_345 = arith.constant 0 : i32
      %dma_start3A_346 = tpu.memref_slice %arg2[%squeeze3A_337, %dma_start3A_345] : memref<1000000x36xf32, #tpu.memory_space<hbm>> -> memref<1x36xf32, #tpu.memory_space<hbm>>
      %dma_start3A_347 = tpu.memref_squeeze %dma_start3A_346 : memref<1x36xf32, #tpu.memory_space<hbm>> -> memref<36xf32, #tpu.memory_space<hbm>>
      %dma_start3A_348 = arith.constant 0 : i32
      %dma_start3A_349 = tpu.memref_slice %arg9[%add3A_341, %dma_start3A_348] : memref<256x36xf32, #tpu.memory_space<vmem>> -> memref<1x36xf32, #tpu.memory_space<vmem>>
      %dma_start3A_350 = tpu.memref_squeeze %dma_start3A_349 : memref<1x36xf32, #tpu.memory_space<vmem>> -> memref<36xf32, #tpu.memory_space<vmem>>
      %dma_start3A_351 = arith.constant 0 : i32
      %dma_start3A_352 = tpu.memref_slice %arg2[%squeeze3A_337, %dma_start3A_351] : memref<1000000x36xf32, #tpu.memory_space<hbm>> -> memref<1x36xf32, #tpu.memory_space<hbm>>
      %dma_start3A_353 = tpu.memref_squeeze %dma_start3A_352 : memref<1x36xf32, #tpu.memory_space<hbm>> -> memref<36xf32, #tpu.memory_space<hbm>>
      tpu.enqueue_dma source(%dma_start3A_353 : memref<36xf32, #tpu.memory_space<hbm>>) target(%dma_start3A_350 : memref<36xf32, #tpu.memory_space<vmem>>) target_semaphore(%arg11 : memref<!tpu.dma_semaphore, #tpu.memory_space<semaphore_mem>>)
      %slice3A_354 = vector.extract_strided_slice %get3A_194 {offsets = [4], sizes = [1], strides = [1]} : vector<16xi32> to vector<1xi32>
      %squeeze3A_355 = vector.extract %slice3A_354[0] : i32 from vector<1xi32>
      %mul3A_356 = arith.constant 16 : i32
      %mul3A_357 = arith.muli %scan3A_181, %mul3A_356 : i32
      %add3A_358 = arith.constant 4 : i32
      %add3A_359 = arith.addi %mul3A_357, %add3A_358 : i32
      %dma_start3A_360 = arith.constant 0 : i32
      %dma_start3A_361 = tpu.memref_slice %arg10[%add3A_359, %dma_start3A_360] : memref<256x36xf32, #tpu.memory_space<vmem>> -> memref<1x36xf32, #tpu.memory_space<vmem>>
      %dma_start3A_362 = tpu.memref_squeeze %dma_start3A_361 : memref<1x36xf32, #tpu.memory_space<vmem>> -> memref<36xf32, #tpu.memory_space<vmem>>
      %dma_start3A_363 = arith.constant 0 : i32
      %dma_start3A_364 = tpu.memref_slice %arg2[%squeeze3A_355, %dma_start3A_363] : memref<1000000x36xf32, #tpu.memory_space<hbm>> -> memref<1x36xf32, #tpu.memory_space<hbm>>
      %dma_start3A_365 = tpu.memref_squeeze %dma_start3A_364 : memref<1x36xf32, #tpu.memory_space<hbm>> -> memref<36xf32, #tpu.memory_space<hbm>>
      %dma_start3A_366 = arith.constant 0 : i32
      %dma_start3A_367 = tpu.memref_slice %arg10[%add3A_359, %dma_start3A_366] : memref<256x36xf32, #tpu.memory_space<vmem>> -> memref<1x36xf32, #tpu.memory_space<vmem>>
      %dma_start3A_368 = tpu.memref_squeeze %dma_start3A_367 : memref<1x36xf32, #tpu.memory_space<vmem>> -> memref<36xf32, #tpu.memory_space<vmem>>
      %dma_start3A_369 = arith.constant 0 : i32
      %dma_start3A_370 = tpu.memref_slice %arg2[%squeeze3A_355, %dma_start3A_369] : memref<1000000x36xf32, #tpu.memory_space<hbm>> -> memref<1x36xf32, #tpu.memory_space<hbm>>
      %dma_start3A_371 = tpu.memref_squeeze %dma_start3A_370 : memref<1x36xf32, #tpu.memory_space<hbm>> -> memref<36xf32, #tpu.memory_space<hbm>>
      tpu.enqueue_dma source(%dma_start3A_371 : memref<36xf32, #tpu.memory_space<hbm>>) target(%dma_start3A_368 : memref<36xf32, #tpu.memory_space<vmem>>) target_semaphore(%arg15 : memref<!tpu.dma_semaphore, #tpu.memory_space<semaphore_mem>>)
      %slice3A_372 = vector.extract_strided_slice %get3A_187 {offsets = [5], sizes = [1], strides = [1]} : vector<16xi32> to vector<1xi32>
      %squeeze3A_373 = vector.extract %slice3A_372[0] : i32 from vector<1xi32>
      %mul3A_374 = arith.constant 16 : i32
      %mul3A_375 = arith.muli %scan3A_181, %mul3A_374 : i32
      %add3A_376 = arith.constant 5 : i32
      %add3A_377 = arith.addi %mul3A_375, %add3A_376 : i32
      %dma_start3A_378 = arith.constant 0 : i32
      %dma_start3A_379 = tpu.memref_slice %arg9[%add3A_377, %dma_start3A_378] : memref<256x36xf32, #tpu.memory_space<vmem>> -> memref<1x36xf32, #tpu.memory_space<vmem>>
      %dma_start3A_380 = tpu.memref_squeeze %dma_start3A_379 : memref<1x36xf32, #tpu.memory_space<vmem>> -> memref<36xf32, #tpu.memory_space<vmem>>
      %dma_start3A_381 = arith.constant 0 : i32
      %dma_start3A_382 = tpu.memref_slice %arg2[%squeeze3A_373, %dma_start3A_381] : memref<1000000x36xf32, #tpu.memory_space<hbm>> -> memref<1x36xf32, #tpu.memory_space<hbm>>
      %dma_start3A_383 = tpu.memref_squeeze %dma_start3A_382 : memref<1x36xf32, #tpu.memory_space<hbm>> -> memref<36xf32, #tpu.memory_space<hbm>>
      %dma_start3A_384 = arith.constant 0 : i32
      %dma_start3A_385 = tpu.memref_slice %arg9[%add3A_377, %dma_start3A_384] : memref<256x36xf32, #tpu.memory_space<vmem>> -> memref<1x36xf32, #tpu.memory_space<vmem>>
      %dma_start3A_386 = tpu.memref_squeeze %dma_start3A_385 : memref<1x36xf32, #tpu.memory_space<vmem>> -> memref<36xf32, #tpu.memory_space<vmem>>
      %dma_start3A_387 = arith.constant 0 : i32
      %dma_start3A_388 = tpu.memref_slice %arg2[%squeeze3A_373, %dma_start3A_387] : memref<1000000x36xf32, #tpu.memory_space<hbm>> -> memref<1x36xf32, #tpu.memory_space<hbm>>
      %dma_start3A_389 = tpu.memref_squeeze %dma_start3A_388 : memref<1x36xf32, #tpu.memory_space<hbm>> -> memref<36xf32, #tpu.memory_space<hbm>>
      tpu.enqueue_dma source(%dma_start3A_389 : memref<36xf32, #tpu.memory_space<hbm>>) target(%dma_start3A_386 : memref<36xf32, #tpu.memory_space<vmem>>) target_semaphore(%arg12 : memref<!tpu.dma_semaphore, #tpu.memory_space<semaphore_mem>>)
      %slice3A_390 = vector.extract_strided_slice %get3A_194 {offsets = [5], sizes = [1], strides = [1]} : vector<16xi32> to vector<1xi32>
      %squeeze3A_391 = vector.extract %slice3A_390[0] : i32 from vector<1xi32>
      %mul3A_392 = arith.constant 16 : i32
      %mul3A_393 = arith.muli %scan3A_181, %mul3A_392 : i32
      %add3A_394 = arith.constant 5 : i32
      %add3A_395 = arith.addi %mul3A_393, %add3A_394 : i32
      %dma_start3A_396 = arith.constant 0 : i32
      %dma_start3A_397 = tpu.memref_slice %arg10[%add3A_395, %dma_start3A_396] : memref<256x36xf32, #tpu.memory_space<vmem>> -> memref<1x36xf32, #tpu.memory_space<vmem>>
      %dma_start3A_398 = tpu.memref_squeeze %dma_start3A_397 : memref<1x36xf32, #tpu.memory_space<vmem>> -> memref<36xf32, #tpu.memory_space<vmem>>
      %dma_start3A_399 = arith.constant 0 : i32
      %dma_start3A_400 = tpu.memref_slice %arg2[%squeeze3A_391, %dma_start3A_399] : memref<1000000x36xf32, #tpu.memory_space<hbm>> -> memref<1x36xf32, #tpu.memory_space<hbm>>
      %dma_start3A_401 = tpu.memref_squeeze %dma_start3A_400 : memref<1x36xf32, #tpu.memory_space<hbm>> -> memref<36xf32, #tpu.memory_space<hbm>>
      %dma_start3A_402 = arith.constant 0 : i32
      %dma_start3A_403 = tpu.memref_slice %arg10[%add3A_395, %dma_start3A_402] : memref<256x36xf32, #tpu.memory_space<vmem>> -> memref<1x36xf32, #tpu.memory_space<vmem>>
      %dma_start3A_404 = tpu.memref_squeeze %dma_start3A_403 : memref<1x36xf32, #tpu.memory_space<vmem>> -> memref<36xf32, #tpu.memory_space<vmem>>
      %dma_start3A_405 = arith.constant 0 : i32
      %dma_start3A_406 = tpu.memref_slice %arg2[%squeeze3A_391, %dma_start3A_405] : memref<1000000x36xf32, #tpu.memory_space<hbm>> -> memref<1x36xf32, #tpu.memory_space<hbm>>
      %dma_start3A_407 = tpu.memref_squeeze %dma_start3A_406 : memref<1x36xf32, #tpu.memory_space<hbm>> -> memref<36xf32, #tpu.memory_space<hbm>>
      tpu.enqueue_dma source(%dma_start3A_407 : memref<36xf32, #tpu.memory_space<hbm>>) target(%dma_start3A_404 : memref<36xf32, #tpu.memory_space<vmem>>) target_semaphore(%arg16 : memref<!tpu.dma_semaphore, #tpu.memory_space<semaphore_mem>>)
      %slice3A_408 = vector.extract_strided_slice %get3A_187 {offsets = [6], sizes = [1], strides = [1]} : vector<16xi32> to vector<1xi32>
      %squeeze3A_409 = vector.extract %slice3A_408[0] : i32 from vector<1xi32>
      %mul3A_410 = arith.constant 16 : i32
      %mul3A_411 = arith.muli %scan3A_181, %mul3A_410 : i32
      %add3A_412 = arith.constant 6 : i32
      %add3A_413 = arith.addi %mul3A_411, %add3A_412 : i32
      %dma_start3A_414 = arith.constant 0 : i32
      %dma_start3A_415 = tpu.memref_slice %arg9[%add3A_413, %dma_start3A_414] : memref<256x36xf32, #tpu.memory_space<vmem>> -> memref<1x36xf32, #tpu.memory_space<vmem>>
      %dma_start3A_416 = tpu.memref_squeeze %dma_start3A_415 : memref<1x36xf32, #tpu.memory_space<vmem>> -> memref<36xf32, #tpu.memory_space<vmem>>
      %dma_start3A_417 = arith.constant 0 : i32
      %dma_start3A_418 = tpu.memref_slice %arg2[%squeeze3A_409, %dma_start3A_417] : memref<1000000x36xf32, #tpu.memory_space<hbm>> -> memref<1x36xf32, #tpu.memory_space<hbm>>
      %dma_start3A_419 = tpu.memref_squeeze %dma_start3A_418 : memref<1x36xf32, #tpu.memory_space<hbm>> -> memref<36xf32, #tpu.memory_space<hbm>>
      %dma_start3A_420 = arith.constant 0 : i32
      %dma_start3A_421 = tpu.memref_slice %arg9[%add3A_413, %dma_start3A_420] : memref<256x36xf32, #tpu.memory_space<vmem>> -> memref<1x36xf32, #tpu.memory_space<vmem>>
      %dma_start3A_422 = tpu.memref_squeeze %dma_start3A_421 : memref<1x36xf32, #tpu.memory_space<vmem>> -> memref<36xf32, #tpu.memory_space<vmem>>
      %dma_start3A_423 = arith.constant 0 : i32
      %dma_start3A_424 = tpu.memref_slice %arg2[%squeeze3A_409, %dma_start3A_423] : memref<1000000x36xf32, #tpu.memory_space<hbm>> -> memref<1x36xf32, #tpu.memory_space<hbm>>
      %dma_start3A_425 = tpu.memref_squeeze %dma_start3A_424 : memref<1x36xf32, #tpu.memory_space<hbm>> -> memref<36xf32, #tpu.memory_space<hbm>>
      tpu.enqueue_dma source(%dma_start3A_425 : memref<36xf32, #tpu.memory_space<hbm>>) target(%dma_start3A_422 : memref<36xf32, #tpu.memory_space<vmem>>) target_semaphore(%arg13 : memref<!tpu.dma_semaphore, #tpu.memory_space<semaphore_mem>>)
      %slice3A_426 = vector.extract_strided_slice %get3A_194 {offsets = [6], sizes = [1], strides = [1]} : vector<16xi32> to vector<1xi32>
      %squeeze3A_427 = vector.extract %slice3A_426[0] : i32 from vector<1xi32>
      %mul3A_428 = arith.constant 16 : i32
      %mul3A_429 = arith.muli %scan3A_181, %mul3A_428 : i32
      %add3A_430 = arith.constant 6 : i32
      %add3A_431 = arith.addi %mul3A_429, %add3A_430 : i32
      %dma_start3A_432 = arith.constant 0 : i32
      %dma_start3A_433 = tpu.memref_slice %arg10[%add3A_431, %dma_start3A_432] : memref<256x36xf32, #tpu.memory_space<vmem>> -> memref<1x36xf32, #tpu.memory_space<vmem>>
      %dma_start3A_434 = tpu.memref_squeeze %dma_start3A_433 : memref<1x36xf32, #tpu.memory_space<vmem>> -> memref<36xf32, #tpu.memory_space<vmem>>
      %dma_start3A_435 = arith.constant 0 : i32
      %dma_start3A_436 = tpu.memref_slice %arg2[%squeeze3A_427, %dma_start3A_435] : memref<1000000x36xf32, #tpu.memory_space<hbm>> -> memref<1x36xf32, #tpu.memory_space<hbm>>
      %dma_start3A_437 = tpu.memref_squeeze %dma_start3A_436 : memref<1x36xf32, #tpu.memory_space<hbm>> -> memref<36xf32, #tpu.memory_space<hbm>>
      %dma_start3A_438 = arith.constant 0 : i32
      %dma_start3A_439 = tpu.memref_slice %arg10[%add3A_431, %dma_start3A_438] : memref<256x36xf32, #tpu.memory_space<vmem>> -> memref<1x36xf32, #tpu.memory_space<vmem>>
      %dma_start3A_440 = tpu.memref_squeeze %dma_start3A_439 : memref<1x36xf32, #tpu.memory_space<vmem>> -> memref<36xf32, #tpu.memory_space<vmem>>
      %dma_start3A_441 = arith.constant 0 : i32
      %dma_start3A_442 = tpu.memref_slice %arg2[%squeeze3A_427, %dma_start3A_441] : memref<1000000x36xf32, #tpu.memory_space<hbm>> -> memref<1x36xf32, #tpu.memory_space<hbm>>
      %dma_start3A_443 = tpu.memref_squeeze %dma_start3A_442 : memref<1x36xf32, #tpu.memory_space<hbm>> -> memref<36xf32, #tpu.memory_space<hbm>>
      tpu.enqueue_dma source(%dma_start3A_443 : memref<36xf32, #tpu.memory_space<hbm>>) target(%dma_start3A_440 : memref<36xf32, #tpu.memory_space<vmem>>) target_semaphore(%arg17 : memref<!tpu.dma_semaphore, #tpu.memory_space<semaphore_mem>>)
      %slice3A_444 = vector.extract_strided_slice %get3A_187 {offsets = [7], sizes = [1], strides = [1]} : vector<16xi32> to vector<1xi32>
      %squeeze3A_445 = vector.extract %slice3A_444[0] : i32 from vector<1xi32>
      %mul3A_446 = arith.constant 16 : i32
      %mul3A_447 = arith.muli %scan3A_181, %mul3A_446 : i32
      %add3A_448 = arith.constant 7 : i32
      %add3A_449 = arith.addi %mul3A_447, %add3A_448 : i32
      %dma_start3A_450 = arith.constant 0 : i32
      %dma_start3A_451 = tpu.memref_slice %arg9[%add3A_449, %dma_start3A_450] : memref<256x36xf32, #tpu.memory_space<vmem>> -> memref<1x36xf32, #tpu.memory_space<vmem>>
      %dma_start3A_452 = tpu.memref_squeeze %dma_start3A_451 : memref<1x36xf32, #tpu.memory_space<vmem>> -> memref<36xf32, #tpu.memory_space<vmem>>
      %dma_start3A_453 = arith.constant 0 : i32
      %dma_start3A_454 = tpu.memref_slice %arg2[%squeeze3A_445, %dma_start3A_453] : memref<1000000x36xf32, #tpu.memory_space<hbm>> -> memref<1x36xf32, #tpu.memory_space<hbm>>
      %dma_start3A_455 = tpu.memref_squeeze %dma_start3A_454 : memref<1x36xf32, #tpu.memory_space<hbm>> -> memref<36xf32, #tpu.memory_space<hbm>>
      %dma_start3A_456 = arith.constant 0 : i32
      %dma_start3A_457 = tpu.memref_slice %arg9[%add3A_449, %dma_start3A_456] : memref<256x36xf32, #tpu.memory_space<vmem>> -> memref<1x36xf32, #tpu.memory_space<vmem>>
      %dma_start3A_458 = tpu.memref_squeeze %dma_start3A_457 : memref<1x36xf32, #tpu.memory_space<vmem>> -> memref<36xf32, #tpu.memory_space<vmem>>
      %dma_start3A_459 = arith.constant 0 : i32
      %dma_start3A_460 = tpu.memref_slice %arg2[%squeeze3A_445, %dma_start3A_459] : memref<1000000x36xf32, #tpu.memory_space<hbm>> -> memref<1x36xf32, #tpu.memory_space<hbm>>
      %dma_start3A_461 = tpu.memref_squeeze %dma_start3A_460 : memref<1x36xf32, #tpu.memory_space<hbm>> -> memref<36xf32, #tpu.memory_space<hbm>>
      tpu.enqueue_dma source(%dma_start3A_461 : memref<36xf32, #tpu.memory_space<hbm>>) target(%dma_start3A_458 : memref<36xf32, #tpu.memory_space<vmem>>) target_semaphore(%arg14 : memref<!tpu.dma_semaphore, #tpu.memory_space<semaphore_mem>>)
      %slice3A_462 = vector.extract_strided_slice %get3A_194 {offsets = [7], sizes = [1], strides = [1]} : vector<16xi32> to vector<1xi32>
      %squeeze3A_463 = vector.extract %slice3A_462[0] : i32 from vector<1xi32>
      %mul3A_464 = arith.constant 16 : i32
      %mul3A_465 = arith.muli %scan3A_181, %mul3A_464 : i32
      %add3A_466 = arith.constant 7 : i32
      %add3A_467 = arith.addi %mul3A_465, %add3A_466 : i32
      %dma_start3A_468 = arith.constant 0 : i32
      %dma_start3A_469 = tpu.memref_slice %arg10[%add3A_467, %dma_start3A_468] : memref<256x36xf32, #tpu.memory_space<vmem>> -> memref<1x36xf32, #tpu.memory_space<vmem>>
      %dma_start3A_470 = tpu.memref_squeeze %dma_start3A_469 : memref<1x36xf32, #tpu.memory_space<vmem>> -> memref<36xf32, #tpu.memory_space<vmem>>
      %dma_start3A_471 = arith.constant 0 : i32
      %dma_start3A_472 = tpu.memref_slice %arg2[%squeeze3A_463, %dma_start3A_471] : memref<1000000x36xf32, #tpu.memory_space<hbm>> -> memref<1x36xf32, #tpu.memory_space<hbm>>
      %dma_start3A_473 = tpu.memref_squeeze %dma_start3A_472 : memref<1x36xf32, #tpu.memory_space<hbm>> -> memref<36xf32, #tpu.memory_space<hbm>>
      %dma_start3A_474 = arith.constant 0 : i32
      %dma_start3A_475 = tpu.memref_slice %arg10[%add3A_467, %dma_start3A_474] : memref<256x36xf32, #tpu.memory_space<vmem>> -> memref<1x36xf32, #tpu.memory_space<vmem>>
      %dma_start3A_476 = tpu.memref_squeeze %dma_start3A_475 : memref<1x36xf32, #tpu.memory_space<vmem>> -> memref<36xf32, #tpu.memory_space<vmem>>
      %dma_start3A_477 = arith.constant 0 : i32
      %dma_start3A_478 = tpu.memref_slice %arg2[%squeeze3A_463, %dma_start3A_477] : memref<1000000x36xf32, #tpu.memory_space<hbm>> -> memref<1x36xf32, #tpu.memory_space<hbm>>
      %dma_start3A_479 = tpu.memref_squeeze %dma_start3A_478 : memref<1x36xf32, #tpu.memory_space<hbm>> -> memref<36xf32, #tpu.memory_space<hbm>>
      tpu.enqueue_dma source(%dma_start3A_479 : memref<36xf32, #tpu.memory_space<hbm>>) target(%dma_start3A_476 : memref<36xf32, #tpu.memory_space<vmem>>) target_semaphore(%arg18 : memref<!tpu.dma_semaphore, #tpu.memory_space<semaphore_mem>>)
      %slice3A_480 = vector.extract_strided_slice %get3A_187 {offsets = [8], sizes = [1], strides = [1]} : vector<16xi32> to vector<1xi32>
      %squeeze3A_481 = vector.extract %slice3A_480[0] : i32 from vector<1xi32>
      %mul3A_482 = arith.constant 16 : i32
      %mul3A_483 = arith.muli %scan3A_181, %mul3A_482 : i32
      %add3A_484 = arith.constant 8 : i32
      %add3A_485 = arith.addi %mul3A_483, %add3A_484 : i32
      %dma_start3A_486 = arith.constant 0 : i32
      %dma_start3A_487 = tpu.memref_slice %arg9[%add3A_485, %dma_start3A_486] : memref<256x36xf32, #tpu.memory_space<vmem>> -> memref<1x36xf32, #tpu.memory_space<vmem>>
      %dma_start3A_488 = tpu.memref_squeeze %dma_start3A_487 : memref<1x36xf32, #tpu.memory_space<vmem>> -> memref<36xf32, #tpu.memory_space<vmem>>
      %dma_start3A_489 = arith.constant 0 : i32
      %dma_start3A_490 = tpu.memref_slice %arg2[%squeeze3A_481, %dma_start3A_489] : memref<1000000x36xf32, #tpu.memory_space<hbm>> -> memref<1x36xf32, #tpu.memory_space<hbm>>
      %dma_start3A_491 = tpu.memref_squeeze %dma_start3A_490 : memref<1x36xf32, #tpu.memory_space<hbm>> -> memref<36xf32, #tpu.memory_space<hbm>>
      %dma_start3A_492 = arith.constant 0 : i32
      %dma_start3A_493 = tpu.memref_slice %arg9[%add3A_485, %dma_start3A_492] : memref<256x36xf32, #tpu.memory_space<vmem>> -> memref<1x36xf32, #tpu.memory_space<vmem>>
      %dma_start3A_494 = tpu.memref_squeeze %dma_start3A_493 : memref<1x36xf32, #tpu.memory_space<vmem>> -> memref<36xf32, #tpu.memory_space<vmem>>
      %dma_start3A_495 = arith.constant 0 : i32
      %dma_start3A_496 = tpu.memref_slice %arg2[%squeeze3A_481, %dma_start3A_495] : memref<1000000x36xf32, #tpu.memory_space<hbm>> -> memref<1x36xf32, #tpu.memory_space<hbm>>
      %dma_start3A_497 = tpu.memref_squeeze %dma_start3A_496 : memref<1x36xf32, #tpu.memory_space<hbm>> -> memref<36xf32, #tpu.memory_space<hbm>>
      tpu.enqueue_dma source(%dma_start3A_497 : memref<36xf32, #tpu.memory_space<hbm>>) target(%dma_start3A_494 : memref<36xf32, #tpu.memory_space<vmem>>) target_semaphore(%arg11 : memref<!tpu.dma_semaphore, #tpu.memory_space<semaphore_mem>>)
      %slice3A_498 = vector.extract_strided_slice %get3A_194 {offsets = [8], sizes = [1], strides = [1]} : vector<16xi32> to vector<1xi32>
      %squeeze3A_499 = vector.extract %slice3A_498[0] : i32 from vector<1xi32>
      %mul3A_500 = arith.constant 16 : i32
      %mul3A_501 = arith.muli %scan3A_181, %mul3A_500 : i32
      %add3A_502 = arith.constant 8 : i32
      %add3A_503 = arith.addi %mul3A_501, %add3A_502 : i32
      %dma_start3A_504 = arith.constant 0 : i32
      %dma_start3A_505 = tpu.memref_slice %arg10[%add3A_503, %dma_start3A_504] : memref<256x36xf32, #tpu.memory_space<vmem>> -> memref<1x36xf32, #tpu.memory_space<vmem>>
      %dma_start3A_506 = tpu.memref_squeeze %dma_start3A_505 : memref<1x36xf32, #tpu.memory_space<vmem>> -> memref<36xf32, #tpu.memory_space<vmem>>
      %dma_start3A_507 = arith.constant 0 : i32
      %dma_start3A_508 = tpu.memref_slice %arg2[%squeeze3A_499, %dma_start3A_507] : memref<1000000x36xf32, #tpu.memory_space<hbm>> -> memref<1x36xf32, #tpu.memory_space<hbm>>
      %dma_start3A_509 = tpu.memref_squeeze %dma_start3A_508 : memref<1x36xf32, #tpu.memory_space<hbm>> -> memref<36xf32, #tpu.memory_space<hbm>>
      %dma_start3A_510 = arith.constant 0 : i32
      %dma_start3A_511 = tpu.memref_slice %arg10[%add3A_503, %dma_start3A_510] : memref<256x36xf32, #tpu.memory_space<vmem>> -> memref<1x36xf32, #tpu.memory_space<vmem>>
      %dma_start3A_512 = tpu.memref_squeeze %dma_start3A_511 : memref<1x36xf32, #tpu.memory_space<vmem>> -> memref<36xf32, #tpu.memory_space<vmem>>
      %dma_start3A_513 = arith.constant 0 : i32
      %dma_start3A_514 = tpu.memref_slice %arg2[%squeeze3A_499, %dma_start3A_513] : memref<1000000x36xf32, #tpu.memory_space<hbm>> -> memref<1x36xf32, #tpu.memory_space<hbm>>
      %dma_start3A_515 = tpu.memref_squeeze %dma_start3A_514 : memref<1x36xf32, #tpu.memory_space<hbm>> -> memref<36xf32, #tpu.memory_space<hbm>>
      tpu.enqueue_dma source(%dma_start3A_515 : memref<36xf32, #tpu.memory_space<hbm>>) target(%dma_start3A_512 : memref<36xf32, #tpu.memory_space<vmem>>) target_semaphore(%arg15 : memref<!tpu.dma_semaphore, #tpu.memory_space<semaphore_mem>>)
      %slice3A_516 = vector.extract_strided_slice %get3A_187 {offsets = [9], sizes = [1], strides = [1]} : vector<16xi32> to vector<1xi32>
      %squeeze3A_517 = vector.extract %slice3A_516[0] : i32 from vector<1xi32>
      %mul3A_518 = arith.constant 16 : i32
      %mul3A_519 = arith.muli %scan3A_181, %mul3A_518 : i32
      %add3A_520 = arith.constant 9 : i32
      %add3A_521 = arith.addi %mul3A_519, %add3A_520 : i32
      %dma_start3A_522 = arith.constant 0 : i32
      %dma_start3A_523 = tpu.memref_slice %arg9[%add3A_521, %dma_start3A_522] : memref<256x36xf32, #tpu.memory_space<vmem>> -> memref<1x36xf32, #tpu.memory_space<vmem>>
      %dma_start3A_524 = tpu.memref_squeeze %dma_start3A_523 : memref<1x36xf32, #tpu.memory_space<vmem>> -> memref<36xf32, #tpu.memory_space<vmem>>
      %dma_start3A_525 = arith.constant 0 : i32
      %dma_start3A_526 = tpu.memref_slice %arg2[%squeeze3A_517, %dma_start3A_525] : memref<1000000x36xf32, #tpu.memory_space<hbm>> -> memref<1x36xf32, #tpu.memory_space<hbm>>
      %dma_start3A_527 = tpu.memref_squeeze %dma_start3A_526 : memref<1x36xf32, #tpu.memory_space<hbm>> -> memref<36xf32, #tpu.memory_space<hbm>>
      %dma_start3A_528 = arith.constant 0 : i32
      %dma_start3A_529 = tpu.memref_slice %arg9[%add3A_521, %dma_start3A_528] : memref<256x36xf32, #tpu.memory_space<vmem>> -> memref<1x36xf32, #tpu.memory_space<vmem>>
      %dma_start3A_530 = tpu.memref_squeeze %dma_start3A_529 : memref<1x36xf32, #tpu.memory_space<vmem>> -> memref<36xf32, #tpu.memory_space<vmem>>
      %dma_start3A_531 = arith.constant 0 : i32
      %dma_start3A_532 = tpu.memref_slice %arg2[%squeeze3A_517, %dma_start3A_531] : memref<1000000x36xf32, #tpu.memory_space<hbm>> -> memref<1x36xf32, #tpu.memory_space<hbm>>
      %dma_start3A_533 = tpu.memref_squeeze %dma_start3A_532 : memref<1x36xf32, #tpu.memory_space<hbm>> -> memref<36xf32, #tpu.memory_space<hbm>>
      tpu.enqueue_dma source(%dma_start3A_533 : memref<36xf32, #tpu.memory_space<hbm>>) target(%dma_start3A_530 : memref<36xf32, #tpu.memory_space<vmem>>) target_semaphore(%arg12 : memref<!tpu.dma_semaphore, #tpu.memory_space<semaphore_mem>>)
      %slice3A_534 = vector.extract_strided_slice %get3A_194 {offsets = [9], sizes = [1], strides = [1]} : vector<16xi32> to vector<1xi32>
      %squeeze3A_535 = vector.extract %slice3A_534[0] : i32 from vector<1xi32>
      %mul3A_536 = arith.constant 16 : i32
      %mul3A_537 = arith.muli %scan3A_181, %mul3A_536 : i32
      %add3A_538 = arith.constant 9 : i32
      %add3A_539 = arith.addi %mul3A_537, %add3A_538 : i32
      %dma_start3A_540 = arith.constant 0 : i32
      %dma_start3A_541 = tpu.memref_slice %arg10[%add3A_539, %dma_start3A_540] : memref<256x36xf32, #tpu.memory_space<vmem>> -> memref<1x36xf32, #tpu.memory_space<vmem>>
      %dma_start3A_542 = tpu.memref_squeeze %dma_start3A_541 : memref<1x36xf32, #tpu.memory_space<vmem>> -> memref<36xf32, #tpu.memory_space<vmem>>
      %dma_start3A_543 = arith.constant 0 : i32
      %dma_start3A_544 = tpu.memref_slice %arg2[%squeeze3A_535, %dma_start3A_543] : memref<1000000x36xf32, #tpu.memory_space<hbm>> -> memref<1x36xf32, #tpu.memory_space<hbm>>
      %dma_start3A_545 = tpu.memref_squeeze %dma_start3A_544 : memref<1x36xf32, #tpu.memory_space<hbm>> -> memref<36xf32, #tpu.memory_space<hbm>>
      %dma_start3A_546 = arith.constant 0 : i32
      %dma_start3A_547 = tpu.memref_slice %arg10[%add3A_539, %dma_start3A_546] : memref<256x36xf32, #tpu.memory_space<vmem>> -> memref<1x36xf32, #tpu.memory_space<vmem>>
      %dma_start3A_548 = tpu.memref_squeeze %dma_start3A_547 : memref<1x36xf32, #tpu.memory_space<vmem>> -> memref<36xf32, #tpu.memory_space<vmem>>
      %dma_start3A_549 = arith.constant 0 : i32
      %dma_start3A_550 = tpu.memref_slice %arg2[%squeeze3A_535, %dma_start3A_549] : memref<1000000x36xf32, #tpu.memory_space<hbm>> -> memref<1x36xf32, #tpu.memory_space<hbm>>
      %dma_start3A_551 = tpu.memref_squeeze %dma_start3A_550 : memref<1x36xf32, #tpu.memory_space<hbm>> -> memref<36xf32, #tpu.memory_space<hbm>>
      tpu.enqueue_dma source(%dma_start3A_551 : memref<36xf32, #tpu.memory_space<hbm>>) target(%dma_start3A_548 : memref<36xf32, #tpu.memory_space<vmem>>) target_semaphore(%arg16 : memref<!tpu.dma_semaphore, #tpu.memory_space<semaphore_mem>>)
      %slice3A_552 = vector.extract_strided_slice %get3A_187 {offsets = [10], sizes = [1], strides = [1]} : vector<16xi32> to vector<1xi32>
      %squeeze3A_553 = vector.extract %slice3A_552[0] : i32 from vector<1xi32>
      %mul3A_554 = arith.constant 16 : i32
      %mul3A_555 = arith.muli %scan3A_181, %mul3A_554 : i32
      %add3A_556 = arith.constant 10 : i32
      %add3A_557 = arith.addi %mul3A_555, %add3A_556 : i32
      %dma_start3A_558 = arith.constant 0 : i32
      %dma_start3A_559 = tpu.memref_slice %arg9[%add3A_557, %dma_start3A_558] : memref<256x36xf32, #tpu.memory_space<vmem>> -> memref<1x36xf32, #tpu.memory_space<vmem>>
      %dma_start3A_560 = tpu.memref_squeeze %dma_start3A_559 : memref<1x36xf32, #tpu.memory_space<vmem>> -> memref<36xf32, #tpu.memory_space<vmem>>
      %dma_start3A_561 = arith.constant 0 : i32
      %dma_start3A_562 = tpu.memref_slice %arg2[%squeeze3A_553, %dma_start3A_561] : memref<1000000x36xf32, #tpu.memory_space<hbm>> -> memref<1x36xf32, #tpu.memory_space<hbm>>
      %dma_start3A_563 = tpu.memref_squeeze %dma_start3A_562 : memref<1x36xf32, #tpu.memory_space<hbm>> -> memref<36xf32, #tpu.memory_space<hbm>>
      %dma_start3A_564 = arith.constant 0 : i32
      %dma_start3A_565 = tpu.memref_slice %arg9[%add3A_557, %dma_start3A_564] : memref<256x36xf32, #tpu.memory_space<vmem>> -> memref<1x36xf32, #tpu.memory_space<vmem>>
      %dma_start3A_566 = tpu.memref_squeeze %dma_start3A_565 : memref<1x36xf32, #tpu.memory_space<vmem>> -> memref<36xf32, #tpu.memory_space<vmem>>
      %dma_start3A_567 = arith.constant 0 : i32
      %dma_start3A_568 = tpu.memref_slice %arg2[%squeeze3A_553, %dma_start3A_567] : memref<1000000x36xf32, #tpu.memory_space<hbm>> -> memref<1x36xf32, #tpu.memory_space<hbm>>
      %dma_start3A_569 = tpu.memref_squeeze %dma_start3A_568 : memref<1x36xf32, #tpu.memory_space<hbm>> -> memref<36xf32, #tpu.memory_space<hbm>>
      tpu.enqueue_dma source(%dma_start3A_569 : memref<36xf32, #tpu.memory_space<hbm>>) target(%dma_start3A_566 : memref<36xf32, #tpu.memory_space<vmem>>) target_semaphore(%arg13 : memref<!tpu.dma_semaphore, #tpu.memory_space<semaphore_mem>>)
      %slice3A_570 = vector.extract_strided_slice %get3A_194 {offsets = [10], sizes = [1], strides = [1]} : vector<16xi32> to vector<1xi32>
      %squeeze3A_571 = vector.extract %slice3A_570[0] : i32 from vector<1xi32>
      %mul3A_572 = arith.constant 16 : i32
      %mul3A_573 = arith.muli %scan3A_181, %mul3A_572 : i32
      %add3A_574 = arith.constant 10 : i32
      %add3A_575 = arith.addi %mul3A_573, %add3A_574 : i32
      %dma_start3A_576 = arith.constant 0 : i32
      %dma_start3A_577 = tpu.memref_slice %arg10[%add3A_575, %dma_start3A_576] : memref<256x36xf32, #tpu.memory_space<vmem>> -> memref<1x36xf32, #tpu.memory_space<vmem>>
      %dma_start3A_578 = tpu.memref_squeeze %dma_start3A_577 : memref<1x36xf32, #tpu.memory_space<vmem>> -> memref<36xf32, #tpu.memory_space<vmem>>
      %dma_start3A_579 = arith.constant 0 : i32
      %dma_start3A_580 = tpu.memref_slice %arg2[%squeeze3A_571, %dma_start3A_579] : memref<1000000x36xf32, #tpu.memory_space<hbm>> -> memref<1x36xf32, #tpu.memory_space<hbm>>
      %dma_start3A_581 = tpu.memref_squeeze %dma_start3A_580 : memref<1x36xf32, #tpu.memory_space<hbm>> -> memref<36xf32, #tpu.memory_space<hbm>>
      %dma_start3A_582 = arith.constant 0 : i32
      %dma_start3A_583 = tpu.memref_slice %arg10[%add3A_575, %dma_start3A_582] : memref<256x36xf32, #tpu.memory_space<vmem>> -> memref<1x36xf32, #tpu.memory_space<vmem>>
      %dma_start3A_584 = tpu.memref_squeeze %dma_start3A_583 : memref<1x36xf32, #tpu.memory_space<vmem>> -> memref<36xf32, #tpu.memory_space<vmem>>
      %dma_start3A_585 = arith.constant 0 : i32
      %dma_start3A_586 = tpu.memref_slice %arg2[%squeeze3A_571, %dma_start3A_585] : memref<1000000x36xf32, #tpu.memory_space<hbm>> -> memref<1x36xf32, #tpu.memory_space<hbm>>
      %dma_start3A_587 = tpu.memref_squeeze %dma_start3A_586 : memref<1x36xf32, #tpu.memory_space<hbm>> -> memref<36xf32, #tpu.memory_space<hbm>>
      tpu.enqueue_dma source(%dma_start3A_587 : memref<36xf32, #tpu.memory_space<hbm>>) target(%dma_start3A_584 : memref<36xf32, #tpu.memory_space<vmem>>) target_semaphore(%arg17 : memref<!tpu.dma_semaphore, #tpu.memory_space<semaphore_mem>>)
      %slice3A_588 = vector.extract_strided_slice %get3A_187 {offsets = [11], sizes = [1], strides = [1]} : vector<16xi32> to vector<1xi32>
      %squeeze3A_589 = vector.extract %slice3A_588[0] : i32 from vector<1xi32>
      %mul3A_590 = arith.constant 16 : i32
      %mul3A_591 = arith.muli %scan3A_181, %mul3A_590 : i32
      %add3A_592 = arith.constant 11 : i32
      %add3A_593 = arith.addi %mul3A_591, %add3A_592 : i32
      %dma_start3A_594 = arith.constant 0 : i32
      %dma_start3A_595 = tpu.memref_slice %arg9[%add3A_593, %dma_start3A_594] : memref<256x36xf32, #tpu.memory_space<vmem>> -> memref<1x36xf32, #tpu.memory_space<vmem>>
      %dma_start3A_596 = tpu.memref_squeeze %dma_start3A_595 : memref<1x36xf32, #tpu.memory_space<vmem>> -> memref<36xf32, #tpu.memory_space<vmem>>
      %dma_start3A_597 = arith.constant 0 : i32
      %dma_start3A_598 = tpu.memref_slice %arg2[%squeeze3A_589, %dma_start3A_597] : memref<1000000x36xf32, #tpu.memory_space<hbm>> -> memref<1x36xf32, #tpu.memory_space<hbm>>
      %dma_start3A_599 = tpu.memref_squeeze %dma_start3A_598 : memref<1x36xf32, #tpu.memory_space<hbm>> -> memref<36xf32, #tpu.memory_space<hbm>>
      %dma_start3A_600 = arith.constant 0 : i32
      %dma_start3A_601 = tpu.memref_slice %arg9[%add3A_593, %dma_start3A_600] : memref<256x36xf32, #tpu.memory_space<vmem>> -> memref<1x36xf32, #tpu.memory_space<vmem>>
      %dma_start3A_602 = tpu.memref_squeeze %dma_start3A_601 : memref<1x36xf32, #tpu.memory_space<vmem>> -> memref<36xf32, #tpu.memory_space<vmem>>
      %dma_start3A_603 = arith.constant 0 : i32
      %dma_start3A_604 = tpu.memref_slice %arg2[%squeeze3A_589, %dma_start3A_603] : memref<1000000x36xf32, #tpu.memory_space<hbm>> -> memref<1x36xf32, #tpu.memory_space<hbm>>
      %dma_start3A_605 = tpu.memref_squeeze %dma_start3A_604 : memref<1x36xf32, #tpu.memory_space<hbm>> -> memref<36xf32, #tpu.memory_space<hbm>>
      tpu.enqueue_dma source(%dma_start3A_605 : memref<36xf32, #tpu.memory_space<hbm>>) target(%dma_start3A_602 : memref<36xf32, #tpu.memory_space<vmem>>) target_semaphore(%arg14 : memref<!tpu.dma_semaphore, #tpu.memory_space<semaphore_mem>>)
      %slice3A_606 = vector.extract_strided_slice %get3A_194 {offsets = [11], sizes = [1], strides = [1]} : vector<16xi32> to vector<1xi32>
      %squeeze3A_607 = vector.extract %slice3A_606[0] : i32 from vector<1xi32>
      %mul3A_608 = arith.constant 16 : i32
      %mul3A_609 = arith.muli %scan3A_181, %mul3A_608 : i32
      %add3A_610 = arith.constant 11 : i32
      %add3A_611 = arith.addi %mul3A_609, %add3A_610 : i32
      %dma_start3A_612 = arith.constant 0 : i32
      %dma_start3A_613 = tpu.memref_slice %arg10[%add3A_611, %dma_start3A_612] : memref<256x36xf32, #tpu.memory_space<vmem>> -> memref<1x36xf32, #tpu.memory_space<vmem>>
      %dma_start3A_614 = tpu.memref_squeeze %dma_start3A_613 : memref<1x36xf32, #tpu.memory_space<vmem>> -> memref<36xf32, #tpu.memory_space<vmem>>
      %dma_start3A_615 = arith.constant 0 : i32
      %dma_start3A_616 = tpu.memref_slice %arg2[%squeeze3A_607, %dma_start3A_615] : memref<1000000x36xf32, #tpu.memory_space<hbm>> -> memref<1x36xf32, #tpu.memory_space<hbm>>
      %dma_start3A_617 = tpu.memref_squeeze %dma_start3A_616 : memref<1x36xf32, #tpu.memory_space<hbm>> -> memref<36xf32, #tpu.memory_space<hbm>>
      %dma_start3A_618 = arith.constant 0 : i32
      %dma_start3A_619 = tpu.memref_slice %arg10[%add3A_611, %dma_start3A_618] : memref<256x36xf32, #tpu.memory_space<vmem>> -> memref<1x36xf32, #tpu.memory_space<vmem>>
      %dma_start3A_620 = tpu.memref_squeeze %dma_start3A_619 : memref<1x36xf32, #tpu.memory_space<vmem>> -> memref<36xf32, #tpu.memory_space<vmem>>
      %dma_start3A_621 = arith.constant 0 : i32
      %dma_start3A_622 = tpu.memref_slice %arg2[%squeeze3A_607, %dma_start3A_621] : memref<1000000x36xf32, #tpu.memory_space<hbm>> -> memref<1x36xf32, #tpu.memory_space<hbm>>
      %dma_start3A_623 = tpu.memref_squeeze %dma_start3A_622 : memref<1x36xf32, #tpu.memory_space<hbm>> -> memref<36xf32, #tpu.memory_space<hbm>>
      tpu.enqueue_dma source(%dma_start3A_623 : memref<36xf32, #tpu.memory_space<hbm>>) target(%dma_start3A_620 : memref<36xf32, #tpu.memory_space<vmem>>) target_semaphore(%arg18 : memref<!tpu.dma_semaphore, #tpu.memory_space<semaphore_mem>>)
      %slice3A_624 = vector.extract_strided_slice %get3A_187 {offsets = [12], sizes = [1], strides = [1]} : vector<16xi32> to vector<1xi32>
      %squeeze3A_625 = vector.extract %slice3A_624[0] : i32 from vector<1xi32>
      %mul3A_626 = arith.constant 16 : i32
      %mul3A_627 = arith.muli %scan3A_181, %mul3A_626 : i32
      %add3A_628 = arith.constant 12 : i32
      %add3A_629 = arith.addi %mul3A_627, %add3A_628 : i32
      %dma_start3A_630 = arith.constant 0 : i32
      %dma_start3A_631 = tpu.memref_slice %arg9[%add3A_629, %dma_start3A_630] : memref<256x36xf32, #tpu.memory_space<vmem>> -> memref<1x36xf32, #tpu.memory_space<vmem>>
      %dma_start3A_632 = tpu.memref_squeeze %dma_start3A_631 : memref<1x36xf32, #tpu.memory_space<vmem>> -> memref<36xf32, #tpu.memory_space<vmem>>
      %dma_start3A_633 = arith.constant 0 : i32
      %dma_start3A_634 = tpu.memref_slice %arg2[%squeeze3A_625, %dma_start3A_633] : memref<1000000x36xf32, #tpu.memory_space<hbm>> -> memref<1x36xf32, #tpu.memory_space<hbm>>
      %dma_start3A_635 = tpu.memref_squeeze %dma_start3A_634 : memref<1x36xf32, #tpu.memory_space<hbm>> -> memref<36xf32, #tpu.memory_space<hbm>>
      %dma_start3A_636 = arith.constant 0 : i32
      %dma_start3A_637 = tpu.memref_slice %arg9[%add3A_629, %dma_start3A_636] : memref<256x36xf32, #tpu.memory_space<vmem>> -> memref<1x36xf32, #tpu.memory_space<vmem>>
      %dma_start3A_638 = tpu.memref_squeeze %dma_start3A_637 : memref<1x36xf32, #tpu.memory_space<vmem>> -> memref<36xf32, #tpu.memory_space<vmem>>
      %dma_start3A_639 = arith.constant 0 : i32
      %dma_start3A_640 = tpu.memref_slice %arg2[%squeeze3A_625, %dma_start3A_639] : memref<1000000x36xf32, #tpu.memory_space<hbm>> -> memref<1x36xf32, #tpu.memory_space<hbm>>
      %dma_start3A_641 = tpu.memref_squeeze %dma_start3A_640 : memref<1x36xf32, #tpu.memory_space<hbm>> -> memref<36xf32, #tpu.memory_space<hbm>>
      tpu.enqueue_dma source(%dma_start3A_641 : memref<36xf32, #tpu.memory_space<hbm>>) target(%dma_start3A_638 : memref<36xf32, #tpu.memory_space<vmem>>) target_semaphore(%arg11 : memref<!tpu.dma_semaphore, #tpu.memory_space<semaphore_mem>>)
      %slice3A_642 = vector.extract_strided_slice %get3A_194 {offsets = [12], sizes = [1], strides = [1]} : vector<16xi32> to vector<1xi32>
      %squeeze3A_643 = vector.extract %slice3A_642[0] : i32 from vector<1xi32>
      %mul3A_644 = arith.constant 16 : i32
      %mul3A_645 = arith.muli %scan3A_181, %mul3A_644 : i32
      %add3A_646 = arith.constant 12 : i32
      %add3A_647 = arith.addi %mul3A_645, %add3A_646 : i32
      %dma_start3A_648 = arith.constant 0 : i32
      %dma_start3A_649 = tpu.memref_slice %arg10[%add3A_647, %dma_start3A_648] : memref<256x36xf32, #tpu.memory_space<vmem>> -> memref<1x36xf32, #tpu.memory_space<vmem>>
      %dma_start3A_650 = tpu.memref_squeeze %dma_start3A_649 : memref<1x36xf32, #tpu.memory_space<vmem>> -> memref<36xf32, #tpu.memory_space<vmem>>
      %dma_start3A_651 = arith.constant 0 : i32
      %dma_start3A_652 = tpu.memref_slice %arg2[%squeeze3A_643, %dma_start3A_651] : memref<1000000x36xf32, #tpu.memory_space<hbm>> -> memref<1x36xf32, #tpu.memory_space<hbm>>
      %dma_start3A_653 = tpu.memref_squeeze %dma_start3A_652 : memref<1x36xf32, #tpu.memory_space<hbm>> -> memref<36xf32, #tpu.memory_space<hbm>>
      %dma_start3A_654 = arith.constant 0 : i32
      %dma_start3A_655 = tpu.memref_slice %arg10[%add3A_647, %dma_start3A_654] : memref<256x36xf32, #tpu.memory_space<vmem>> -> memref<1x36xf32, #tpu.memory_space<vmem>>
      %dma_start3A_656 = tpu.memref_squeeze %dma_start3A_655 : memref<1x36xf32, #tpu.memory_space<vmem>> -> memref<36xf32, #tpu.memory_space<vmem>>
      %dma_start3A_657 = arith.constant 0 : i32
      %dma_start3A_658 = tpu.memref_slice %arg2[%squeeze3A_643, %dma_start3A_657] : memref<1000000x36xf32, #tpu.memory_space<hbm>> -> memref<1x36xf32, #tpu.memory_space<hbm>>
      %dma_start3A_659 = tpu.memref_squeeze %dma_start3A_658 : memref<1x36xf32, #tpu.memory_space<hbm>> -> memref<36xf32, #tpu.memory_space<hbm>>
      tpu.enqueue_dma source(%dma_start3A_659 : memref<36xf32, #tpu.memory_space<hbm>>) target(%dma_start3A_656 : memref<36xf32, #tpu.memory_space<vmem>>) target_semaphore(%arg15 : memref<!tpu.dma_semaphore, #tpu.memory_space<semaphore_mem>>)
      %slice3A_660 = vector.extract_strided_slice %get3A_187 {offsets = [13], sizes = [1], strides = [1]} : vector<16xi32> to vector<1xi32>
      %squeeze3A_661 = vector.extract %slice3A_660[0] : i32 from vector<1xi32>
      %mul3A_662 = arith.constant 16 : i32
      %mul3A_663 = arith.muli %scan3A_181, %mul3A_662 : i32
      %add3A_664 = arith.constant 13 : i32
      %add3A_665 = arith.addi %mul3A_663, %add3A_664 : i32
      %dma_start3A_666 = arith.constant 0 : i32
      %dma_start3A_667 = tpu.memref_slice %arg9[%add3A_665, %dma_start3A_666] : memref<256x36xf32, #tpu.memory_space<vmem>> -> memref<1x36xf32, #tpu.memory_space<vmem>>
      %dma_start3A_668 = tpu.memref_squeeze %dma_start3A_667 : memref<1x36xf32, #tpu.memory_space<vmem>> -> memref<36xf32, #tpu.memory_space<vmem>>
      %dma_start3A_669 = arith.constant 0 : i32
      %dma_start3A_670 = tpu.memref_slice %arg2[%squeeze3A_661, %dma_start3A_669] : memref<1000000x36xf32, #tpu.memory_space<hbm>> -> memref<1x36xf32, #tpu.memory_space<hbm>>
      %dma_start3A_671 = tpu.memref_squeeze %dma_start3A_670 : memref<1x36xf32, #tpu.memory_space<hbm>> -> memref<36xf32, #tpu.memory_space<hbm>>
      %dma_start3A_672 = arith.constant 0 : i32
      %dma_start3A_673 = tpu.memref_slice %arg9[%add3A_665, %dma_start3A_672] : memref<256x36xf32, #tpu.memory_space<vmem>> -> memref<1x36xf32, #tpu.memory_space<vmem>>
      %dma_start3A_674 = tpu.memref_squeeze %dma_start3A_673 : memref<1x36xf32, #tpu.memory_space<vmem>> -> memref<36xf32, #tpu.memory_space<vmem>>
      %dma_start3A_675 = arith.constant 0 : i32
      %dma_start3A_676 = tpu.memref_slice %arg2[%squeeze3A_661, %dma_start3A_675] : memref<1000000x36xf32, #tpu.memory_space<hbm>> -> memref<1x36xf32, #tpu.memory_space<hbm>>
      %dma_start3A_677 = tpu.memref_squeeze %dma_start3A_676 : memref<1x36xf32, #tpu.memory_space<hbm>> -> memref<36xf32, #tpu.memory_space<hbm>>
      tpu.enqueue_dma source(%dma_start3A_677 : memref<36xf32, #tpu.memory_space<hbm>>) target(%dma_start3A_674 : memref<36xf32, #tpu.memory_space<vmem>>) target_semaphore(%arg12 : memref<!tpu.dma_semaphore, #tpu.memory_space<semaphore_mem>>)
      %slice3A_678 = vector.extract_strided_slice %get3A_194 {offsets = [13], sizes = [1], strides = [1]} : vector<16xi32> to vector<1xi32>
      %squeeze3A_679 = vector.extract %slice3A_678[0] : i32 from vector<1xi32>
      %mul3A_680 = arith.constant 16 : i32
      %mul3A_681 = arith.muli %scan3A_181, %mul3A_680 : i32
      %add3A_682 = arith.constant 13 : i32
      %add3A_683 = arith.addi %mul3A_681, %add3A_682 : i32
      %dma_start3A_684 = arith.constant 0 : i32
      %dma_start3A_685 = tpu.memref_slice %arg10[%add3A_683, %dma_start3A_684] : memref<256x36xf32, #tpu.memory_space<vmem>> -> memref<1x36xf32, #tpu.memory_space<vmem>>
      %dma_start3A_686 = tpu.memref_squeeze %dma_start3A_685 : memref<1x36xf32, #tpu.memory_space<vmem>> -> memref<36xf32, #tpu.memory_space<vmem>>
      %dma_start3A_687 = arith.constant 0 : i32
      %dma_start3A_688 = tpu.memref_slice %arg2[%squeeze3A_679, %dma_start3A_687] : memref<1000000x36xf32, #tpu.memory_space<hbm>> -> memref<1x36xf32, #tpu.memory_space<hbm>>
      %dma_start3A_689 = tpu.memref_squeeze %dma_start3A_688 : memref<1x36xf32, #tpu.memory_space<hbm>> -> memref<36xf32, #tpu.memory_space<hbm>>
      %dma_start3A_690 = arith.constant 0 : i32
      %dma_start3A_691 = tpu.memref_slice %arg10[%add3A_683, %dma_start3A_690] : memref<256x36xf32, #tpu.memory_space<vmem>> -> memref<1x36xf32, #tpu.memory_space<vmem>>
      %dma_start3A_692 = tpu.memref_squeeze %dma_start3A_691 : memref<1x36xf32, #tpu.memory_space<vmem>> -> memref<36xf32, #tpu.memory_space<vmem>>
      %dma_start3A_693 = arith.constant 0 : i32
      %dma_start3A_694 = tpu.memref_slice %arg2[%squeeze3A_679, %dma_start3A_693] : memref<1000000x36xf32, #tpu.memory_space<hbm>> -> memref<1x36xf32, #tpu.memory_space<hbm>>
      %dma_start3A_695 = tpu.memref_squeeze %dma_start3A_694 : memref<1x36xf32, #tpu.memory_space<hbm>> -> memref<36xf32, #tpu.memory_space<hbm>>
      tpu.enqueue_dma source(%dma_start3A_695 : memref<36xf32, #tpu.memory_space<hbm>>) target(%dma_start3A_692 : memref<36xf32, #tpu.memory_space<vmem>>) target_semaphore(%arg16 : memref<!tpu.dma_semaphore, #tpu.memory_space<semaphore_mem>>)
      %slice3A_696 = vector.extract_strided_slice %get3A_187 {offsets = [14], sizes = [1], strides = [1]} : vector<16xi32> to vector<1xi32>
      %squeeze3A_697 = vector.extract %slice3A_696[0] : i32 from vector<1xi32>
      %mul3A_698 = arith.constant 16 : i32
      %mul3A_699 = arith.muli %scan3A_181, %mul3A_698 : i32
      %add3A_700 = arith.constant 14 : i32
      %add3A_701 = arith.addi %mul3A_699, %add3A_700 : i32
      %dma_start3A_702 = arith.constant 0 : i32
      %dma_start3A_703 = tpu.memref_slice %arg9[%add3A_701, %dma_start3A_702] : memref<256x36xf32, #tpu.memory_space<vmem>> -> memref<1x36xf32, #tpu.memory_space<vmem>>
      %dma_start3A_704 = tpu.memref_squeeze %dma_start3A_703 : memref<1x36xf32, #tpu.memory_space<vmem>> -> memref<36xf32, #tpu.memory_space<vmem>>
      %dma_start3A_705 = arith.constant 0 : i32
      %dma_start3A_706 = tpu.memref_slice %arg2[%squeeze3A_697, %dma_start3A_705] : memref<1000000x36xf32, #tpu.memory_space<hbm>> -> memref<1x36xf32, #tpu.memory_space<hbm>>
      %dma_start3A_707 = tpu.memref_squeeze %dma_start3A_706 : memref<1x36xf32, #tpu.memory_space<hbm>> -> memref<36xf32, #tpu.memory_space<hbm>>
      %dma_start3A_708 = arith.constant 0 : i32
      %dma_start3A_709 = tpu.memref_slice %arg9[%add3A_701, %dma_start3A_708] : memref<256x36xf32, #tpu.memory_space<vmem>> -> memref<1x36xf32, #tpu.memory_space<vmem>>
      %dma_start3A_710 = tpu.memref_squeeze %dma_start3A_709 : memref<1x36xf32, #tpu.memory_space<vmem>> -> memref<36xf32, #tpu.memory_space<vmem>>
      %dma_start3A_711 = arith.constant 0 : i32
      %dma_start3A_712 = tpu.memref_slice %arg2[%squeeze3A_697, %dma_start3A_711] : memref<1000000x36xf32, #tpu.memory_space<hbm>> -> memref<1x36xf32, #tpu.memory_space<hbm>>
      %dma_start3A_713 = tpu.memref_squeeze %dma_start3A_712 : memref<1x36xf32, #tpu.memory_space<hbm>> -> memref<36xf32, #tpu.memory_space<hbm>>
      tpu.enqueue_dma source(%dma_start3A_713 : memref<36xf32, #tpu.memory_space<hbm>>) target(%dma_start3A_710 : memref<36xf32, #tpu.memory_space<vmem>>) target_semaphore(%arg13 : memref<!tpu.dma_semaphore, #tpu.memory_space<semaphore_mem>>)
      %slice3A_714 = vector.extract_strided_slice %get3A_194 {offsets = [14], sizes = [1], strides = [1]} : vector<16xi32> to vector<1xi32>
      %squeeze3A_715 = vector.extract %slice3A_714[0] : i32 from vector<1xi32>
      %mul3A_716 = arith.constant 16 : i32
      %mul3A_717 = arith.muli %scan3A_181, %mul3A_716 : i32
      %add3A_718 = arith.constant 14 : i32
      %add3A_719 = arith.addi %mul3A_717, %add3A_718 : i32
      %dma_start3A_720 = arith.constant 0 : i32
      %dma_start3A_721 = tpu.memref_slice %arg10[%add3A_719, %dma_start3A_720] : memref<256x36xf32, #tpu.memory_space<vmem>> -> memref<1x36xf32, #tpu.memory_space<vmem>>
      %dma_start3A_722 = tpu.memref_squeeze %dma_start3A_721 : memref<1x36xf32, #tpu.memory_space<vmem>> -> memref<36xf32, #tpu.memory_space<vmem>>
      %dma_start3A_723 = arith.constant 0 : i32
      %dma_start3A_724 = tpu.memref_slice %arg2[%squeeze3A_715, %dma_start3A_723] : memref<1000000x36xf32, #tpu.memory_space<hbm>> -> memref<1x36xf32, #tpu.memory_space<hbm>>
      %dma_start3A_725 = tpu.memref_squeeze %dma_start3A_724 : memref<1x36xf32, #tpu.memory_space<hbm>> -> memref<36xf32, #tpu.memory_space<hbm>>
      %dma_start3A_726 = arith.constant 0 : i32
      %dma_start3A_727 = tpu.memref_slice %arg10[%add3A_719, %dma_start3A_726] : memref<256x36xf32, #tpu.memory_space<vmem>> -> memref<1x36xf32, #tpu.memory_space<vmem>>
      %dma_start3A_728 = tpu.memref_squeeze %dma_start3A_727 : memref<1x36xf32, #tpu.memory_space<vmem>> -> memref<36xf32, #tpu.memory_space<vmem>>
      %dma_start3A_729 = arith.constant 0 : i32
      %dma_start3A_730 = tpu.memref_slice %arg2[%squeeze3A_715, %dma_start3A_729] : memref<1000000x36xf32, #tpu.memory_space<hbm>> -> memref<1x36xf32, #tpu.memory_space<hbm>>
      %dma_start3A_731 = tpu.memref_squeeze %dma_start3A_730 : memref<1x36xf32, #tpu.memory_space<hbm>> -> memref<36xf32, #tpu.memory_space<hbm>>
      tpu.enqueue_dma source(%dma_start3A_731 : memref<36xf32, #tpu.memory_space<hbm>>) target(%dma_start3A_728 : memref<36xf32, #tpu.memory_space<vmem>>) target_semaphore(%arg17 : memref<!tpu.dma_semaphore, #tpu.memory_space<semaphore_mem>>)
      %slice3A_732 = vector.extract_strided_slice %get3A_187 {offsets = [15], sizes = [1], strides = [1]} : vector<16xi32> to vector<1xi32>
      %squeeze3A_733 = vector.extract %slice3A_732[0] : i32 from vector<1xi32>
      %mul3A_734 = arith.constant 16 : i32
      %mul3A_735 = arith.muli %scan3A_181, %mul3A_734 : i32
      %add3A_736 = arith.constant 15 : i32
      %add3A_737 = arith.addi %mul3A_735, %add3A_736 : i32
      %dma_start3A_738 = arith.constant 0 : i32
      %dma_start3A_739 = tpu.memref_slice %arg9[%add3A_737, %dma_start3A_738] : memref<256x36xf32, #tpu.memory_space<vmem>> -> memref<1x36xf32, #tpu.memory_space<vmem>>
      %dma_start3A_740 = tpu.memref_squeeze %dma_start3A_739 : memref<1x36xf32, #tpu.memory_space<vmem>> -> memref<36xf32, #tpu.memory_space<vmem>>
      %dma_start3A_741 = arith.constant 0 : i32
      %dma_start3A_742 = tpu.memref_slice %arg2[%squeeze3A_733, %dma_start3A_741] : memref<1000000x36xf32, #tpu.memory_space<hbm>> -> memref<1x36xf32, #tpu.memory_space<hbm>>
      %dma_start3A_743 = tpu.memref_squeeze %dma_start3A_742 : memref<1x36xf32, #tpu.memory_space<hbm>> -> memref<36xf32, #tpu.memory_space<hbm>>
      %dma_start3A_744 = arith.constant 0 : i32
      %dma_start3A_745 = tpu.memref_slice %arg9[%add3A_737, %dma_start3A_744] : memref<256x36xf32, #tpu.memory_space<vmem>> -> memref<1x36xf32, #tpu.memory_space<vmem>>
      %dma_start3A_746 = tpu.memref_squeeze %dma_start3A_745 : memref<1x36xf32, #tpu.memory_space<vmem>> -> memref<36xf32, #tpu.memory_space<vmem>>
      %dma_start3A_747 = arith.constant 0 : i32
      %dma_start3A_748 = tpu.memref_slice %arg2[%squeeze3A_733, %dma_start3A_747] : memref<1000000x36xf32, #tpu.memory_space<hbm>> -> memref<1x36xf32, #tpu.memory_space<hbm>>
      %dma_start3A_749 = tpu.memref_squeeze %dma_start3A_748 : memref<1x36xf32, #tpu.memory_space<hbm>> -> memref<36xf32, #tpu.memory_space<hbm>>
      tpu.enqueue_dma source(%dma_start3A_749 : memref<36xf32, #tpu.memory_space<hbm>>) target(%dma_start3A_746 : memref<36xf32, #tpu.memory_space<vmem>>) target_semaphore(%arg14 : memref<!tpu.dma_semaphore, #tpu.memory_space<semaphore_mem>>)
      %slice3A_750 = vector.extract_strided_slice %get3A_194 {offsets = [15], sizes = [1], strides = [1]} : vector<16xi32> to vector<1xi32>
      %squeeze3A_751 = vector.extract %slice3A_750[0] : i32 from vector<1xi32>
      %mul3A_752 = arith.constant 16 : i32
      %mul3A_753 = arith.muli %scan3A_181, %mul3A_752 : i32
      %add3A_754 = arith.constant 15 : i32
      %add3A_755 = arith.addi %mul3A_753, %add3A_754 : i32
      %dma_start3A_756 = arith.constant 0 : i32
      %dma_start3A_757 = tpu.memref_slice %arg10[%add3A_755, %dma_start3A_756] : memref<256x36xf32, #tpu.memory_space<vmem>> -> memref<1x36xf32, #tpu.memory_space<vmem>>
      %dma_start3A_758 = tpu.memref_squeeze %dma_start3A_757 : memref<1x36xf32, #tpu.memory_space<vmem>> -> memref<36xf32, #tpu.memory_space<vmem>>
      %dma_start3A_759 = arith.constant 0 : i32
      %dma_start3A_760 = tpu.memref_slice %arg2[%squeeze3A_751, %dma_start3A_759] : memref<1000000x36xf32, #tpu.memory_space<hbm>> -> memref<1x36xf32, #tpu.memory_space<hbm>>
      %dma_start3A_761 = tpu.memref_squeeze %dma_start3A_760 : memref<1x36xf32, #tpu.memory_space<hbm>> -> memref<36xf32, #tpu.memory_space<hbm>>
      %dma_start3A_762 = arith.constant 0 : i32
      %dma_start3A_763 = tpu.memref_slice %arg10[%add3A_755, %dma_start3A_762] : memref<256x36xf32, #tpu.memory_space<vmem>> -> memref<1x36xf32, #tpu.memory_space<vmem>>
      %dma_start3A_764 = tpu.memref_squeeze %dma_start3A_763 : memref<1x36xf32, #tpu.memory_space<vmem>> -> memref<36xf32, #tpu.memory_space<vmem>>
      %dma_start3A_765 = arith.constant 0 : i32
      %dma_start3A_766 = tpu.memref_slice %arg2[%squeeze3A_751, %dma_start3A_765] : memref<1000000x36xf32, #tpu.memory_space<hbm>> -> memref<1x36xf32, #tpu.memory_space<hbm>>
      %dma_start3A_767 = tpu.memref_squeeze %dma_start3A_766 : memref<1x36xf32, #tpu.memory_space<hbm>> -> memref<36xf32, #tpu.memory_space<hbm>>
      tpu.enqueue_dma source(%dma_start3A_767 : memref<36xf32, #tpu.memory_space<hbm>>) target(%dma_start3A_764 : memref<36xf32, #tpu.memory_space<vmem>>) target_semaphore(%arg18 : memref<!tpu.dma_semaphore, #tpu.memory_space<semaphore_mem>>)
    }
    %scan3A_7 = arith.constant 16 : i32
    %add3A_8 = arith.constant 0 : i32
    %add3A_9 = arith.addi %mul3A_2, %add3A_8 : i32
    %add3A_10 = arith.constant 0 : i32
    %add3A_11 = arith.addi %mul3A_2, %add3A_10 : i32
    %dma_wait3A = arith.constant 0 : i32
    %dma_wait3A_12 = arith.constant 0 : i32
    %dma_wait3A_13 = tpu.memref_slice %arg9[%dma_wait3A, %dma_wait3A_12] : memref<256x36xf32, #tpu.memory_space<vmem>> -> memref<64x36xf32, #tpu.memory_space<vmem>>
    %dma_wait3A_14 = arith.constant 0 : i32
    %dma_wait3A_15 = tpu.memref_slice %arg5[%mul3A_2, %dma_wait3A_14] : memref<16384x36xf32, #tpu.memory_space<hbm>> -> memref<64x36xf32, #tpu.memory_space<hbm>>
    %dma_wait3A_16 = arith.constant 0 : i32
    %dma_wait3A_17 = arith.constant 0 : i32
    %dma_wait3A_18 = tpu.memref_slice %arg9[%dma_wait3A_16, %dma_wait3A_17] : memref<256x36xf32, #tpu.memory_space<vmem>> -> memref<64x36xf32, #tpu.memory_space<vmem>>
    %dma_wait3A_19 = arith.constant 0 : i32
    %dma_wait3A_20 = tpu.memref_slice %arg5[%mul3A_2, %dma_wait3A_19] : memref<16384x36xf32, #tpu.memory_space<hbm>> -> memref<64x36xf32, #tpu.memory_space<hbm>>
    tpu.wait_dma2 semaphore(%arg11 : memref<!tpu.dma_semaphore, #tpu.memory_space<semaphore_mem>>) src(%dma_wait3A_20 : memref<64x36xf32, #tpu.memory_space<hbm>>) dst(%dma_wait3A_18 : memref<64x36xf32, #tpu.memory_space<vmem>>)
    %dma_wait3A_21 = arith.constant 0 : i32
    %dma_wait3A_22 = arith.constant 0 : i32
    %dma_wait3A_23 = tpu.memref_slice %arg10[%dma_wait3A_21, %dma_wait3A_22] : memref<256x36xf32, #tpu.memory_space<vmem>> -> memref<64x36xf32, #tpu.memory_space<vmem>>
    %dma_wait3A_24 = arith.constant 0 : i32
    %dma_wait3A_25 = tpu.memref_slice %arg6[%mul3A_2, %dma_wait3A_24] : memref<16384x36xf32, #tpu.memory_space<hbm>> -> memref<64x36xf32, #tpu.memory_space<hbm>>
    %dma_wait3A_26 = arith.constant 0 : i32
    %dma_wait3A_27 = arith.constant 0 : i32
    %dma_wait3A_28 = tpu.memref_slice %arg10[%dma_wait3A_26, %dma_wait3A_27] : memref<256x36xf32, #tpu.memory_space<vmem>> -> memref<64x36xf32, #tpu.memory_space<vmem>>
    %dma_wait3A_29 = arith.constant 0 : i32
    %dma_wait3A_30 = tpu.memref_slice %arg6[%mul3A_2, %dma_wait3A_29] : memref<16384x36xf32, #tpu.memory_space<hbm>> -> memref<64x36xf32, #tpu.memory_space<hbm>>
    tpu.wait_dma2 semaphore(%arg15 : memref<!tpu.dma_semaphore, #tpu.memory_space<semaphore_mem>>) src(%dma_wait3A_30 : memref<64x36xf32, #tpu.memory_space<hbm>>) dst(%dma_wait3A_28 : memref<64x36xf32, #tpu.memory_space<vmem>>)
    %dma_wait3A_31 = arith.constant 0 : i32
    %dma_wait3A_32 = arith.constant 0 : i32
    %dma_wait3A_33 = tpu.memref_slice %arg9[%dma_wait3A_31, %dma_wait3A_32] : memref<256x36xf32, #tpu.memory_space<vmem>> -> memref<64x36xf32, #tpu.memory_space<vmem>>
    %dma_wait3A_34 = arith.constant 0 : i32
    %dma_wait3A_35 = tpu.memref_slice %arg5[%mul3A_2, %dma_wait3A_34] : memref<16384x36xf32, #tpu.memory_space<hbm>> -> memref<64x36xf32, #tpu.memory_space<hbm>>
    %dma_wait3A_36 = arith.constant 0 : i32
    %dma_wait3A_37 = arith.constant 0 : i32
    %dma_wait3A_38 = tpu.memref_slice %arg9[%dma_wait3A_36, %dma_wait3A_37] : memref<256x36xf32, #tpu.memory_space<vmem>> -> memref<64x36xf32, #tpu.memory_space<vmem>>
    %dma_wait3A_39 = arith.constant 0 : i32
    %dma_wait3A_40 = tpu.memref_slice %arg5[%mul3A_2, %dma_wait3A_39] : memref<16384x36xf32, #tpu.memory_space<hbm>> -> memref<64x36xf32, #tpu.memory_space<hbm>>
    tpu.wait_dma2 semaphore(%arg12 : memref<!tpu.dma_semaphore, #tpu.memory_space<semaphore_mem>>) src(%dma_wait3A_40 : memref<64x36xf32, #tpu.memory_space<hbm>>) dst(%dma_wait3A_38 : memref<64x36xf32, #tpu.memory_space<vmem>>)
    %dma_wait3A_41 = arith.constant 0 : i32
    %dma_wait3A_42 = arith.constant 0 : i32
    %dma_wait3A_43 = tpu.memref_slice %arg10[%dma_wait3A_41, %dma_wait3A_42] : memref<256x36xf32, #tpu.memory_space<vmem>> -> memref<64x36xf32, #tpu.memory_space<vmem>>
    %dma_wait3A_44 = arith.constant 0 : i32
    %dma_wait3A_45 = tpu.memref_slice %arg6[%mul3A_2, %dma_wait3A_44] : memref<16384x36xf32, #tpu.memory_space<hbm>> -> memref<64x36xf32, #tpu.memory_space<hbm>>
    %dma_wait3A_46 = arith.constant 0 : i32
    %dma_wait3A_47 = arith.constant 0 : i32
    %dma_wait3A_48 = tpu.memref_slice %arg10[%dma_wait3A_46, %dma_wait3A_47] : memref<256x36xf32, #tpu.memory_space<vmem>> -> memref<64x36xf32, #tpu.memory_space<vmem>>
    %dma_wait3A_49 = arith.constant 0 : i32
    %dma_wait3A_50 = tpu.memref_slice %arg6[%mul3A_2, %dma_wait3A_49] : memref<16384x36xf32, #tpu.memory_space<hbm>> -> memref<64x36xf32, #tpu.memory_space<hbm>>
    tpu.wait_dma2 semaphore(%arg16 : memref<!tpu.dma_semaphore, #tpu.memory_space<semaphore_mem>>) src(%dma_wait3A_50 : memref<64x36xf32, #tpu.memory_space<hbm>>) dst(%dma_wait3A_48 : memref<64x36xf32, #tpu.memory_space<vmem>>)
    %dma_wait3A_51 = arith.constant 0 : i32
    %dma_wait3A_52 = arith.constant 0 : i32
    %dma_wait3A_53 = tpu.memref_slice %arg9[%dma_wait3A_51, %dma_wait3A_52] : memref<256x36xf32, #tpu.memory_space<vmem>> -> memref<64x36xf32, #tpu.memory_space<vmem>>
    %dma_wait3A_54 = arith.constant 0 : i32
    %dma_wait3A_55 = tpu.memref_slice %arg5[%mul3A_2, %dma_wait3A_54] : memref<16384x36xf32, #tpu.memory_space<hbm>> -> memref<64x36xf32, #tpu.memory_space<hbm>>
    %dma_wait3A_56 = arith.constant 0 : i32
    %dma_wait3A_57 = arith.constant 0 : i32
    %dma_wait3A_58 = tpu.memref_slice %arg9[%dma_wait3A_56, %dma_wait3A_57] : memref<256x36xf32, #tpu.memory_space<vmem>> -> memref<64x36xf32, #tpu.memory_space<vmem>>
    %dma_wait3A_59 = arith.constant 0 : i32
    %dma_wait3A_60 = tpu.memref_slice %arg5[%mul3A_2, %dma_wait3A_59] : memref<16384x36xf32, #tpu.memory_space<hbm>> -> memref<64x36xf32, #tpu.memory_space<hbm>>
    tpu.wait_dma2 semaphore(%arg13 : memref<!tpu.dma_semaphore, #tpu.memory_space<semaphore_mem>>) src(%dma_wait3A_60 : memref<64x36xf32, #tpu.memory_space<hbm>>) dst(%dma_wait3A_58 : memref<64x36xf32, #tpu.memory_space<vmem>>)
    %dma_wait3A_61 = arith.constant 0 : i32
    %dma_wait3A_62 = arith.constant 0 : i32
    %dma_wait3A_63 = tpu.memref_slice %arg10[%dma_wait3A_61, %dma_wait3A_62] : memref<256x36xf32, #tpu.memory_space<vmem>> -> memref<64x36xf32, #tpu.memory_space<vmem>>
    %dma_wait3A_64 = arith.constant 0 : i32
    %dma_wait3A_65 = tpu.memref_slice %arg6[%mul3A_2, %dma_wait3A_64] : memref<16384x36xf32, #tpu.memory_space<hbm>> -> memref<64x36xf32, #tpu.memory_space<hbm>>
    %dma_wait3A_66 = arith.constant 0 : i32
    %dma_wait3A_67 = arith.constant 0 : i32
    %dma_wait3A_68 = tpu.memref_slice %arg10[%dma_wait3A_66, %dma_wait3A_67] : memref<256x36xf32, #tpu.memory_space<vmem>> -> memref<64x36xf32, #tpu.memory_space<vmem>>
    %dma_wait3A_69 = arith.constant 0 : i32
    %dma_wait3A_70 = tpu.memref_slice %arg6[%mul3A_2, %dma_wait3A_69] : memref<16384x36xf32, #tpu.memory_space<hbm>> -> memref<64x36xf32, #tpu.memory_space<hbm>>
    tpu.wait_dma2 semaphore(%arg17 : memref<!tpu.dma_semaphore, #tpu.memory_space<semaphore_mem>>) src(%dma_wait3A_70 : memref<64x36xf32, #tpu.memory_space<hbm>>) dst(%dma_wait3A_68 : memref<64x36xf32, #tpu.memory_space<vmem>>)
    %dma_wait3A_71 = arith.constant 0 : i32
    %dma_wait3A_72 = arith.constant 0 : i32
    %dma_wait3A_73 = tpu.memref_slice %arg9[%dma_wait3A_71, %dma_wait3A_72] : memref<256x36xf32, #tpu.memory_space<vmem>> -> memref<64x36xf32, #tpu.memory_space<vmem>>
    %dma_wait3A_74 = arith.constant 0 : i32
    %dma_wait3A_75 = tpu.memref_slice %arg5[%mul3A_2, %dma_wait3A_74] : memref<16384x36xf32, #tpu.memory_space<hbm>> -> memref<64x36xf32, #tpu.memory_space<hbm>>
    %dma_wait3A_76 = arith.constant 0 : i32
    %dma_wait3A_77 = arith.constant 0 : i32
    %dma_wait3A_78 = tpu.memref_slice %arg9[%dma_wait3A_76, %dma_wait3A_77] : memref<256x36xf32, #tpu.memory_space<vmem>> -> memref<64x36xf32, #tpu.memory_space<vmem>>
    %dma_wait3A_79 = arith.constant 0 : i32
    %dma_wait3A_80 = tpu.memref_slice %arg5[%mul3A_2, %dma_wait3A_79] : memref<16384x36xf32, #tpu.memory_space<hbm>> -> memref<64x36xf32, #tpu.memory_space<hbm>>
    tpu.wait_dma2 semaphore(%arg14 : memref<!tpu.dma_semaphore, #tpu.memory_space<semaphore_mem>>) src(%dma_wait3A_80 : memref<64x36xf32, #tpu.memory_space<hbm>>) dst(%dma_wait3A_78 : memref<64x36xf32, #tpu.memory_space<vmem>>)
    %dma_wait3A_81 = arith.constant 0 : i32
    %dma_wait3A_82 = arith.constant 0 : i32
    %dma_wait3A_83 = tpu.memref_slice %arg10[%dma_wait3A_81, %dma_wait3A_82] : memref<256x36xf32, #tpu.memory_space<vmem>> -> memref<64x36xf32, #tpu.memory_space<vmem>>
    %dma_wait3A_84 = arith.constant 0 : i32
    %dma_wait3A_85 = tpu.memref_slice %arg6[%mul3A_2, %dma_wait3A_84] : memref<16384x36xf32, #tpu.memory_space<hbm>> -> memref<64x36xf32, #tpu.memory_space<hbm>>
    %dma_wait3A_86 = arith.constant 0 : i32
    %dma_wait3A_87 = arith.constant 0 : i32
    %dma_wait3A_88 = tpu.memref_slice %arg10[%dma_wait3A_86, %dma_wait3A_87] : memref<256x36xf32, #tpu.memory_space<vmem>> -> memref<64x36xf32, #tpu.memory_space<vmem>>
    %dma_wait3A_89 = arith.constant 0 : i32
    %dma_wait3A_90 = tpu.memref_slice %arg6[%mul3A_2, %dma_wait3A_89] : memref<16384x36xf32, #tpu.memory_space<hbm>> -> memref<64x36xf32, #tpu.memory_space<hbm>>
    tpu.wait_dma2 semaphore(%arg18 : memref<!tpu.dma_semaphore, #tpu.memory_space<semaphore_mem>>) src(%dma_wait3A_90 : memref<64x36xf32, #tpu.memory_space<hbm>>) dst(%dma_wait3A_88 : memref<64x36xf32, #tpu.memory_space<vmem>>)
    "tpu.region"() ({
      %run_scoped3A = tpu.sem_alloc : memref<!tpu.dma_semaphore, #tpu.memory_space<semaphore_mem>>
      %dma_start3A = arith.constant 0 : i32
      %dma_start3A_181 = tpu.memref_slice %arg5[%add3A_9, %dma_start3A] : memref<16384x36xf32, #tpu.memory_space<hbm>> -> memref<256x36xf32, #tpu.memory_space<hbm>>
      %dma_start3A_182 = arith.constant 0 : i32
      %dma_start3A_183 = tpu.memref_slice %arg5[%add3A_9, %dma_start3A_182] : memref<16384x36xf32, #tpu.memory_space<hbm>> -> memref<256x36xf32, #tpu.memory_space<hbm>>
      tpu.enqueue_dma source(%arg9 : memref<256x36xf32, #tpu.memory_space<vmem>>) target(%dma_start3A_183 : memref<256x36xf32, #tpu.memory_space<hbm>>) target_semaphore(%run_scoped3A : memref<!tpu.dma_semaphore, #tpu.memory_space<semaphore_mem>>)
      %dma_wait3A_184 = arith.constant 0 : i32
      %dma_wait3A_185 = tpu.memref_slice %arg5[%add3A_9, %dma_wait3A_184] : memref<16384x36xf32, #tpu.memory_space<hbm>> -> memref<256x36xf32, #tpu.memory_space<hbm>>
      %dma_wait3A_186 = arith.constant 0 : i32
      %dma_wait3A_187 = tpu.memref_slice %arg5[%add3A_9, %dma_wait3A_186] : memref<16384x36xf32, #tpu.memory_space<hbm>> -> memref<256x36xf32, #tpu.memory_space<hbm>>
      tpu.wait_dma2 semaphore(%run_scoped3A : memref<!tpu.dma_semaphore, #tpu.memory_space<semaphore_mem>>) src(%arg9 : memref<256x36xf32, #tpu.memory_space<vmem>>) dst(%dma_wait3A_187 : memref<256x36xf32, #tpu.memory_space<hbm>>)
      tpu.yield
    }) : () -> ()
    "tpu.region"() ({
      %run_scoped3A = tpu.sem_alloc : memref<!tpu.dma_semaphore, #tpu.memory_space<semaphore_mem>>
      %dma_start3A = arith.constant 0 : i32
      %dma_start3A_181 = tpu.memref_slice %arg6[%add3A_11, %dma_start3A] : memref<16384x36xf32, #tpu.memory_space<hbm>> -> memref<256x36xf32, #tpu.memory_space<hbm>>
      %dma_start3A_182 = arith.constant 0 : i32
      %dma_start3A_183 = tpu.memref_slice %arg6[%add3A_11, %dma_start3A_182] : memref<16384x36xf32, #tpu.memory_space<hbm>> -> memref<256x36xf32, #tpu.memory_space<hbm>>
      tpu.enqueue_dma source(%arg10 : memref<256x36xf32, #tpu.memory_space<vmem>>) target(%dma_start3A_183 : memref<256x36xf32, #tpu.memory_space<hbm>>) target_semaphore(%run_scoped3A : memref<!tpu.dma_semaphore, #tpu.memory_space<semaphore_mem>>)
      %dma_wait3A_184 = arith.constant 0 : i32
      %dma_wait3A_185 = tpu.memref_slice %arg6[%add3A_11, %dma_wait3A_184] : memref<16384x36xf32, #tpu.memory_space<hbm>> -> memref<256x36xf32, #tpu.memory_space<hbm>>
      %dma_wait3A_186 = arith.constant 0 : i32
      %dma_wait3A_187 = tpu.memref_slice %arg6[%add3A_11, %dma_wait3A_186] : memref<16384x36xf32, #tpu.memory_space<hbm>> -> memref<256x36xf32, #tpu.memory_space<hbm>>
      tpu.wait_dma2 semaphore(%run_scoped3A : memref<!tpu.dma_semaphore, #tpu.memory_space<semaphore_mem>>) src(%arg10 : memref<256x36xf32, #tpu.memory_space<vmem>>) dst(%dma_wait3A_187 : memref<256x36xf32, #tpu.memory_space<hbm>>)
      tpu.yield
    }) : () -> ()
    %scan3A_91 = arith.constant 0 : i32
    %scan3A_92 = arith.constant 0 : i32
    %scan3A_93 = arith.constant 16 : i32
    %scan3A_94 = arith.addi %scan3A_92, %scan3A_93 : i32
    %scan3A_95 = arith.constant 1 : i32
    scf.for %scan3A_181 = %scan3A_92 to %scan3A_94 step %scan3A_95  : i32 {
      %mul3A_182 = arith.constant 16 : i32
      %mul3A_183 = arith.muli %scan3A_181, %mul3A_182 : i32
      %add3A_184 = arith.constant 256 : i32
      %add3A_185 = arith.addi %add3A_184, %mul3A_183 : i32
      %get3A = arith.index_cast %add3A_185 : i32 to index
      %get3A_186 = tpu.vector_load %arg7[%get3A] {strides = array<i32>} : memref<512xi32, #tpu.memory_space<vmem>>, vector<16xi32>,
      %get3A_187 = vector.shape_cast %get3A_186 : vector<16xi32> to vector<16xi32>
      %mul3A_188 = arith.constant 16 : i32
      %mul3A_189 = arith.muli %scan3A_181, %mul3A_188 : i32
      %add3A_190 = arith.constant 256 : i32
      %add3A_191 = arith.addi %add3A_190, %mul3A_189 : i32
      %get3A_192 = arith.index_cast %add3A_191 : i32 to index
      %get3A_193 = tpu.vector_load %arg8[%get3A_192] {strides = array<i32>} : memref<512xi32, #tpu.memory_space<vmem>>, vector<16xi32>,
      %get3A_194 = vector.shape_cast %get3A_193 : vector<16xi32> to vector<16xi32>
      %slice3A = vector.extract_strided_slice %get3A_187 {offsets = [0], sizes = [1], strides = [1]} : vector<16xi32> to vector<1xi32>
      %squeeze3A = vector.extract %slice3A[0] : i32 from vector<1xi32>
      %mul3A_195 = arith.constant 16 : i32
      %mul3A_196 = arith.muli %scan3A_181, %mul3A_195 : i32
      %add3A_197 = arith.constant 0 : i32
      %add3A_198 = arith.addi %mul3A_196, %add3A_197 : i32
      %dma_start3A = arith.constant 0 : i32
      %dma_start3A_199 = tpu.memref_slice %arg9[%add3A_198, %dma_start3A] : memref<256x36xf32, #tpu.memory_space<vmem>> -> memref<1x36xf32, #tpu.memory_space<vmem>>
      %dma_start3A_200 = tpu.memref_squeeze %dma_start3A_199 : memref<1x36xf32, #tpu.memory_space<vmem>> -> memref<36xf32, #tpu.memory_space<vmem>>
      %dma_start3A_201 = arith.constant 0 : i32
      %dma_start3A_202 = tpu.memref_slice %arg2[%squeeze3A, %dma_start3A_201] : memref<1000000x36xf32, #tpu.memory_space<hbm>> -> memref<1x36xf32, #tpu.memory_space<hbm>>
      %dma_start3A_203 = tpu.memref_squeeze %dma_start3A_202 : memref<1x36xf32, #tpu.memory_space<hbm>> -> memref<36xf32, #tpu.memory_space<hbm>>
      %dma_start3A_204 = arith.constant 0 : i32
      %dma_start3A_205 = tpu.memref_slice %arg9[%add3A_198, %dma_start3A_204] : memref<256x36xf32, #tpu.memory_space<vmem>> -> memref<1x36xf32, #tpu.memory_space<vmem>>
      %dma_start3A_206 = tpu.memref_squeeze %dma_start3A_205 : memref<1x36xf32, #tpu.memory_space<vmem>> -> memref<36xf32, #tpu.memory_space<vmem>>
      %dma_start3A_207 = arith.constant 0 : i32
      %dma_start3A_208 = tpu.memref_slice %arg2[%squeeze3A, %dma_start3A_207] : memref<1000000x36xf32, #tpu.memory_space<hbm>> -> memref<1x36xf32, #tpu.memory_space<hbm>>
      %dma_start3A_209 = tpu.memref_squeeze %dma_start3A_208 : memref<1x36xf32, #tpu.memory_space<hbm>> -> memref<36xf32, #tpu.memory_space<hbm>>
      tpu.enqueue_dma source(%dma_start3A_209 : memref<36xf32, #tpu.memory_space<hbm>>) target(%dma_start3A_206 : memref<36xf32, #tpu.memory_space<vmem>>) target_semaphore(%arg11 : memref<!tpu.dma_semaphore, #tpu.memory_space<semaphore_mem>>)
      %slice3A_210 = vector.extract_strided_slice %get3A_194 {offsets = [0], sizes = [1], strides = [1]} : vector<16xi32> to vector<1xi32>
      %squeeze3A_211 = vector.extract %slice3A_210[0] : i32 from vector<1xi32>
      %mul3A_212 = arith.constant 16 : i32
      %mul3A_213 = arith.muli %scan3A_181, %mul3A_212 : i32
      %add3A_214 = arith.constant 0 : i32
      %add3A_215 = arith.addi %mul3A_213, %add3A_214 : i32
      %dma_start3A_216 = arith.constant 0 : i32
      %dma_start3A_217 = tpu.memref_slice %arg10[%add3A_215, %dma_start3A_216] : memref<256x36xf32, #tpu.memory_space<vmem>> -> memref<1x36xf32, #tpu.memory_space<vmem>>
      %dma_start3A_218 = tpu.memref_squeeze %dma_start3A_217 : memref<1x36xf32, #tpu.memory_space<vmem>> -> memref<36xf32, #tpu.memory_space<vmem>>
      %dma_start3A_219 = arith.constant 0 : i32
      %dma_start3A_220 = tpu.memref_slice %arg2[%squeeze3A_211, %dma_start3A_219] : memref<1000000x36xf32, #tpu.memory_space<hbm>> -> memref<1x36xf32, #tpu.memory_space<hbm>>
      %dma_start3A_221 = tpu.memref_squeeze %dma_start3A_220 : memref<1x36xf32, #tpu.memory_space<hbm>> -> memref<36xf32, #tpu.memory_space<hbm>>
      %dma_start3A_222 = arith.constant 0 : i32
      %dma_start3A_223 = tpu.memref_slice %arg10[%add3A_215, %dma_start3A_222] : memref<256x36xf32, #tpu.memory_space<vmem>> -> memref<1x36xf32, #tpu.memory_space<vmem>>
      %dma_start3A_224 = tpu.memref_squeeze %dma_start3A_223 : memref<1x36xf32, #tpu.memory_space<vmem>> -> memref<36xf32, #tpu.memory_space<vmem>>
      %dma_start3A_225 = arith.constant 0 : i32
      %dma_start3A_226 = tpu.memref_slice %arg2[%squeeze3A_211, %dma_start3A_225] : memref<1000000x36xf32, #tpu.memory_space<hbm>> -> memref<1x36xf32, #tpu.memory_space<hbm>>
      %dma_start3A_227 = tpu.memref_squeeze %dma_start3A_226 : memref<1x36xf32, #tpu.memory_space<hbm>> -> memref<36xf32, #tpu.memory_space<hbm>>
      tpu.enqueue_dma source(%dma_start3A_227 : memref<36xf32, #tpu.memory_space<hbm>>) target(%dma_start3A_224 : memref<36xf32, #tpu.memory_space<vmem>>) target_semaphore(%arg15 : memref<!tpu.dma_semaphore, #tpu.memory_space<semaphore_mem>>)
      %slice3A_228 = vector.extract_strided_slice %get3A_187 {offsets = [1], sizes = [1], strides = [1]} : vector<16xi32> to vector<1xi32>
      %squeeze3A_229 = vector.extract %slice3A_228[0] : i32 from vector<1xi32>
      %mul3A_230 = arith.constant 16 : i32
      %mul3A_231 = arith.muli %scan3A_181, %mul3A_230 : i32
      %add3A_232 = arith.constant 1 : i32
      %add3A_233 = arith.addi %mul3A_231, %add3A_232 : i32
      %dma_start3A_234 = arith.constant 0 : i32
      %dma_start3A_235 = tpu.memref_slice %arg9[%add3A_233, %dma_start3A_234] : memref<256x36xf32, #tpu.memory_space<vmem>> -> memref<1x36xf32, #tpu.memory_space<vmem>>
      %dma_start3A_236 = tpu.memref_squeeze %dma_start3A_235 : memref<1x36xf32, #tpu.memory_space<vmem>> -> memref<36xf32, #tpu.memory_space<vmem>>
      %dma_start3A_237 = arith.constant 0 : i32
      %dma_start3A_238 = tpu.memref_slice %arg2[%squeeze3A_229, %dma_start3A_237] : memref<1000000x36xf32, #tpu.memory_space<hbm>> -> memref<1x36xf32, #tpu.memory_space<hbm>>
      %dma_start3A_239 = tpu.memref_squeeze %dma_start3A_238 : memref<1x36xf32, #tpu.memory_space<hbm>> -> memref<36xf32, #tpu.memory_space<hbm>>
      %dma_start3A_240 = arith.constant 0 : i32
      %dma_start3A_241 = tpu.memref_slice %arg9[%add3A_233, %dma_start3A_240] : memref<256x36xf32, #tpu.memory_space<vmem>> -> memref<1x36xf32, #tpu.memory_space<vmem>>
      %dma_start3A_242 = tpu.memref_squeeze %dma_start3A_241 : memref<1x36xf32, #tpu.memory_space<vmem>> -> memref<36xf32, #tpu.memory_space<vmem>>
      %dma_start3A_243 = arith.constant 0 : i32
      %dma_start3A_244 = tpu.memref_slice %arg2[%squeeze3A_229, %dma_start3A_243] : memref<1000000x36xf32, #tpu.memory_space<hbm>> -> memref<1x36xf32, #tpu.memory_space<hbm>>
      %dma_start3A_245 = tpu.memref_squeeze %dma_start3A_244 : memref<1x36xf32, #tpu.memory_space<hbm>> -> memref<36xf32, #tpu.memory_space<hbm>>
      tpu.enqueue_dma source(%dma_start3A_245 : memref<36xf32, #tpu.memory_space<hbm>>) target(%dma_start3A_242 : memref<36xf32, #tpu.memory_space<vmem>>) target_semaphore(%arg12 : memref<!tpu.dma_semaphore, #tpu.memory_space<semaphore_mem>>)
      %slice3A_246 = vector.extract_strided_slice %get3A_194 {offsets = [1], sizes = [1], strides = [1]} : vector<16xi32> to vector<1xi32>
      %squeeze3A_247 = vector.extract %slice3A_246[0] : i32 from vector<1xi32>
      %mul3A_248 = arith.constant 16 : i32
      %mul3A_249 = arith.muli %scan3A_181, %mul3A_248 : i32
      %add3A_250 = arith.constant 1 : i32
      %add3A_251 = arith.addi %mul3A_249, %add3A_250 : i32
      %dma_start3A_252 = arith.constant 0 : i32
      %dma_start3A_253 = tpu.memref_slice %arg10[%add3A_251, %dma_start3A_252] : memref<256x36xf32, #tpu.memory_space<vmem>> -> memref<1x36xf32, #tpu.memory_space<vmem>>
      %dma_start3A_254 = tpu.memref_squeeze %dma_start3A_253 : memref<1x36xf32, #tpu.memory_space<vmem>> -> memref<36xf32, #tpu.memory_space<vmem>>
      %dma_start3A_255 = arith.constant 0 : i32
      %dma_start3A_256 = tpu.memref_slice %arg2[%squeeze3A_247, %dma_start3A_255] : memref<1000000x36xf32, #tpu.memory_space<hbm>> -> memref<1x36xf32, #tpu.memory_space<hbm>>
      %dma_start3A_257 = tpu.memref_squeeze %dma_start3A_256 : memref<1x36xf32, #tpu.memory_space<hbm>> -> memref<36xf32, #tpu.memory_space<hbm>>
      %dma_start3A_258 = arith.constant 0 : i32
      %dma_start3A_259 = tpu.memref_slice %arg10[%add3A_251, %dma_start3A_258] : memref<256x36xf32, #tpu.memory_space<vmem>> -> memref<1x36xf32, #tpu.memory_space<vmem>>
      %dma_start3A_260 = tpu.memref_squeeze %dma_start3A_259 : memref<1x36xf32, #tpu.memory_space<vmem>> -> memref<36xf32, #tpu.memory_space<vmem>>
      %dma_start3A_261 = arith.constant 0 : i32
      %dma_start3A_262 = tpu.memref_slice %arg2[%squeeze3A_247, %dma_start3A_261] : memref<1000000x36xf32, #tpu.memory_space<hbm>> -> memref<1x36xf32, #tpu.memory_space<hbm>>
      %dma_start3A_263 = tpu.memref_squeeze %dma_start3A_262 : memref<1x36xf32, #tpu.memory_space<hbm>> -> memref<36xf32, #tpu.memory_space<hbm>>
      tpu.enqueue_dma source(%dma_start3A_263 : memref<36xf32, #tpu.memory_space<hbm>>) target(%dma_start3A_260 : memref<36xf32, #tpu.memory_space<vmem>>) target_semaphore(%arg16 : memref<!tpu.dma_semaphore, #tpu.memory_space<semaphore_mem>>)
      %slice3A_264 = vector.extract_strided_slice %get3A_187 {offsets = [2], sizes = [1], strides = [1]} : vector<16xi32> to vector<1xi32>
      %squeeze3A_265 = vector.extract %slice3A_264[0] : i32 from vector<1xi32>
      %mul3A_266 = arith.constant 16 : i32
      %mul3A_267 = arith.muli %scan3A_181, %mul3A_266 : i32
      %add3A_268 = arith.constant 2 : i32
      %add3A_269 = arith.addi %mul3A_267, %add3A_268 : i32
      %dma_start3A_270 = arith.constant 0 : i32
      %dma_start3A_271 = tpu.memref_slice %arg9[%add3A_269, %dma_start3A_270] : memref<256x36xf32, #tpu.memory_space<vmem>> -> memref<1x36xf32, #tpu.memory_space<vmem>>
      %dma_start3A_272 = tpu.memref_squeeze %dma_start3A_271 : memref<1x36xf32, #tpu.memory_space<vmem>> -> memref<36xf32, #tpu.memory_space<vmem>>
      %dma_start3A_273 = arith.constant 0 : i32
      %dma_start3A_274 = tpu.memref_slice %arg2[%squeeze3A_265, %dma_start3A_273] : memref<1000000x36xf32, #tpu.memory_space<hbm>> -> memref<1x36xf32, #tpu.memory_space<hbm>>
      %dma_start3A_275 = tpu.memref_squeeze %dma_start3A_274 : memref<1x36xf32, #tpu.memory_space<hbm>> -> memref<36xf32, #tpu.memory_space<hbm>>
      %dma_start3A_276 = arith.constant 0 : i32
      %dma_start3A_277 = tpu.memref_slice %arg9[%add3A_269, %dma_start3A_276] : memref<256x36xf32, #tpu.memory_space<vmem>> -> memref<1x36xf32, #tpu.memory_space<vmem>>
      %dma_start3A_278 = tpu.memref_squeeze %dma_start3A_277 : memref<1x36xf32, #tpu.memory_space<vmem>> -> memref<36xf32, #tpu.memory_space<vmem>>
      %dma_start3A_279 = arith.constant 0 : i32
      %dma_start3A_280 = tpu.memref_slice %arg2[%squeeze3A_265, %dma_start3A_279] : memref<1000000x36xf32, #tpu.memory_space<hbm>> -> memref<1x36xf32, #tpu.memory_space<hbm>>
      %dma_start3A_281 = tpu.memref_squeeze %dma_start3A_280 : memref<1x36xf32, #tpu.memory_space<hbm>> -> memref<36xf32, #tpu.memory_space<hbm>>
      tpu.enqueue_dma source(%dma_start3A_281 : memref<36xf32, #tpu.memory_space<hbm>>) target(%dma_start3A_278 : memref<36xf32, #tpu.memory_space<vmem>>) target_semaphore(%arg13 : memref<!tpu.dma_semaphore, #tpu.memory_space<semaphore_mem>>)
      %slice3A_282 = vector.extract_strided_slice %get3A_194 {offsets = [2], sizes = [1], strides = [1]} : vector<16xi32> to vector<1xi32>
      %squeeze3A_283 = vector.extract %slice3A_282[0] : i32 from vector<1xi32>
      %mul3A_284 = arith.constant 16 : i32
      %mul3A_285 = arith.muli %scan3A_181, %mul3A_284 : i32
      %add3A_286 = arith.constant 2 : i32
      %add3A_287 = arith.addi %mul3A_285, %add3A_286 : i32
      %dma_start3A_288 = arith.constant 0 : i32
      %dma_start3A_289 = tpu.memref_slice %arg10[%add3A_287, %dma_start3A_288] : memref<256x36xf32, #tpu.memory_space<vmem>> -> memref<1x36xf32, #tpu.memory_space<vmem>>
      %dma_start3A_290 = tpu.memref_squeeze %dma_start3A_289 : memref<1x36xf32, #tpu.memory_space<vmem>> -> memref<36xf32, #tpu.memory_space<vmem>>
      %dma_start3A_291 = arith.constant 0 : i32
      %dma_start3A_292 = tpu.memref_slice %arg2[%squeeze3A_283, %dma_start3A_291] : memref<1000000x36xf32, #tpu.memory_space<hbm>> -> memref<1x36xf32, #tpu.memory_space<hbm>>
      %dma_start3A_293 = tpu.memref_squeeze %dma_start3A_292 : memref<1x36xf32, #tpu.memory_space<hbm>> -> memref<36xf32, #tpu.memory_space<hbm>>
      %dma_start3A_294 = arith.constant 0 : i32
      %dma_start3A_295 = tpu.memref_slice %arg10[%add3A_287, %dma_start3A_294] : memref<256x36xf32, #tpu.memory_space<vmem>> -> memref<1x36xf32, #tpu.memory_space<vmem>>
      %dma_start3A_296 = tpu.memref_squeeze %dma_start3A_295 : memref<1x36xf32, #tpu.memory_space<vmem>> -> memref<36xf32, #tpu.memory_space<vmem>>
      %dma_start3A_297 = arith.constant 0 : i32
      %dma_start3A_298 = tpu.memref_slice %arg2[%squeeze3A_283, %dma_start3A_297] : memref<1000000x36xf32, #tpu.memory_space<hbm>> -> memref<1x36xf32, #tpu.memory_space<hbm>>
      %dma_start3A_299 = tpu.memref_squeeze %dma_start3A_298 : memref<1x36xf32, #tpu.memory_space<hbm>> -> memref<36xf32, #tpu.memory_space<hbm>>
      tpu.enqueue_dma source(%dma_start3A_299 : memref<36xf32, #tpu.memory_space<hbm>>) target(%dma_start3A_296 : memref<36xf32, #tpu.memory_space<vmem>>) target_semaphore(%arg17 : memref<!tpu.dma_semaphore, #tpu.memory_space<semaphore_mem>>)
      %slice3A_300 = vector.extract_strided_slice %get3A_187 {offsets = [3], sizes = [1], strides = [1]} : vector<16xi32> to vector<1xi32>
      %squeeze3A_301 = vector.extract %slice3A_300[0] : i32 from vector<1xi32>
      %mul3A_302 = arith.constant 16 : i32
      %mul3A_303 = arith.muli %scan3A_181, %mul3A_302 : i32
      %add3A_304 = arith.constant 3 : i32
      %add3A_305 = arith.addi %mul3A_303, %add3A_304 : i32
      %dma_start3A_306 = arith.constant 0 : i32
      %dma_start3A_307 = tpu.memref_slice %arg9[%add3A_305, %dma_start3A_306] : memref<256x36xf32, #tpu.memory_space<vmem>> -> memref<1x36xf32, #tpu.memory_space<vmem>>
      %dma_start3A_308 = tpu.memref_squeeze %dma_start3A_307 : memref<1x36xf32, #tpu.memory_space<vmem>> -> memref<36xf32, #tpu.memory_space<vmem>>
      %dma_start3A_309 = arith.constant 0 : i32
      %dma_start3A_310 = tpu.memref_slice %arg2[%squeeze3A_301, %dma_start3A_309] : memref<1000000x36xf32, #tpu.memory_space<hbm>> -> memref<1x36xf32, #tpu.memory_space<hbm>>
      %dma_start3A_311 = tpu.memref_squeeze %dma_start3A_310 : memref<1x36xf32, #tpu.memory_space<hbm>> -> memref<36xf32, #tpu.memory_space<hbm>>
      %dma_start3A_312 = arith.constant 0 : i32
      %dma_start3A_313 = tpu.memref_slice %arg9[%add3A_305, %dma_start3A_312] : memref<256x36xf32, #tpu.memory_space<vmem>> -> memref<1x36xf32, #tpu.memory_space<vmem>>
      %dma_start3A_314 = tpu.memref_squeeze %dma_start3A_313 : memref<1x36xf32, #tpu.memory_space<vmem>> -> memref<36xf32, #tpu.memory_space<vmem>>
      %dma_start3A_315 = arith.constant 0 : i32
      %dma_start3A_316 = tpu.memref_slice %arg2[%squeeze3A_301, %dma_start3A_315] : memref<1000000x36xf32, #tpu.memory_space<hbm>> -> memref<1x36xf32, #tpu.memory_space<hbm>>
      %dma_start3A_317 = tpu.memref_squeeze %dma_start3A_316 : memref<1x36xf32, #tpu.memory_space<hbm>> -> memref<36xf32, #tpu.memory_space<hbm>>
      tpu.enqueue_dma source(%dma_start3A_317 : memref<36xf32, #tpu.memory_space<hbm>>) target(%dma_start3A_314 : memref<36xf32, #tpu.memory_space<vmem>>) target_semaphore(%arg14 : memref<!tpu.dma_semaphore, #tpu.memory_space<semaphore_mem>>)
      %slice3A_318 = vector.extract_strided_slice %get3A_194 {offsets = [3], sizes = [1], strides = [1]} : vector<16xi32> to vector<1xi32>
      %squeeze3A_319 = vector.extract %slice3A_318[0] : i32 from vector<1xi32>
      %mul3A_320 = arith.constant 16 : i32
      %mul3A_321 = arith.muli %scan3A_181, %mul3A_320 : i32
      %add3A_322 = arith.constant 3 : i32
      %add3A_323 = arith.addi %mul3A_321, %add3A_322 : i32
      %dma_start3A_324 = arith.constant 0 : i32
      %dma_start3A_325 = tpu.memref_slice %arg10[%add3A_323, %dma_start3A_324] : memref<256x36xf32, #tpu.memory_space<vmem>> -> memref<1x36xf32, #tpu.memory_space<vmem>>
      %dma_start3A_326 = tpu.memref_squeeze %dma_start3A_325 : memref<1x36xf32, #tpu.memory_space<vmem>> -> memref<36xf32, #tpu.memory_space<vmem>>
      %dma_start3A_327 = arith.constant 0 : i32
      %dma_start3A_328 = tpu.memref_slice %arg2[%squeeze3A_319, %dma_start3A_327] : memref<1000000x36xf32, #tpu.memory_space<hbm>> -> memref<1x36xf32, #tpu.memory_space<hbm>>
      %dma_start3A_329 = tpu.memref_squeeze %dma_start3A_328 : memref<1x36xf32, #tpu.memory_space<hbm>> -> memref<36xf32, #tpu.memory_space<hbm>>
      %dma_start3A_330 = arith.constant 0 : i32
      %dma_start3A_331 = tpu.memref_slice %arg10[%add3A_323, %dma_start3A_330] : memref<256x36xf32, #tpu.memory_space<vmem>> -> memref<1x36xf32, #tpu.memory_space<vmem>>
      %dma_start3A_332 = tpu.memref_squeeze %dma_start3A_331 : memref<1x36xf32, #tpu.memory_space<vmem>> -> memref<36xf32, #tpu.memory_space<vmem>>
      %dma_start3A_333 = arith.constant 0 : i32
      %dma_start3A_334 = tpu.memref_slice %arg2[%squeeze3A_319, %dma_start3A_333] : memref<1000000x36xf32, #tpu.memory_space<hbm>> -> memref<1x36xf32, #tpu.memory_space<hbm>>
      %dma_start3A_335 = tpu.memref_squeeze %dma_start3A_334 : memref<1x36xf32, #tpu.memory_space<hbm>> -> memref<36xf32, #tpu.memory_space<hbm>>
      tpu.enqueue_dma source(%dma_start3A_335 : memref<36xf32, #tpu.memory_space<hbm>>) target(%dma_start3A_332 : memref<36xf32, #tpu.memory_space<vmem>>) target_semaphore(%arg18 : memref<!tpu.dma_semaphore, #tpu.memory_space<semaphore_mem>>)
      %slice3A_336 = vector.extract_strided_slice %get3A_187 {offsets = [4], sizes = [1], strides = [1]} : vector<16xi32> to vector<1xi32>
      %squeeze3A_337 = vector.extract %slice3A_336[0] : i32 from vector<1xi32>
      %mul3A_338 = arith.constant 16 : i32
      %mul3A_339 = arith.muli %scan3A_181, %mul3A_338 : i32
      %add3A_340 = arith.constant 4 : i32
      %add3A_341 = arith.addi %mul3A_339, %add3A_340 : i32
      %dma_start3A_342 = arith.constant 0 : i32
      %dma_start3A_343 = tpu.memref_slice %arg9[%add3A_341, %dma_start3A_342] : memref<256x36xf32, #tpu.memory_space<vmem>> -> memref<1x36xf32, #tpu.memory_space<vmem>>
      %dma_start3A_344 = tpu.memref_squeeze %dma_start3A_343 : memref<1x36xf32, #tpu.memory_space<vmem>> -> memref<36xf32, #tpu.memory_space<vmem>>
      %dma_start3A_345 = arith.constant 0 : i32
      %dma_start3A_346 = tpu.memref_slice %arg2[%squeeze3A_337, %dma_start3A_345] : memref<1000000x36xf32, #tpu.memory_space<hbm>> -> memref<1x36xf32, #tpu.memory_space<hbm>>
      %dma_start3A_347 = tpu.memref_squeeze %dma_start3A_346 : memref<1x36xf32, #tpu.memory_space<hbm>> -> memref<36xf32, #tpu.memory_space<hbm>>
      %dma_start3A_348 = arith.constant 0 : i32
      %dma_start3A_349 = tpu.memref_slice %arg9[%add3A_341, %dma_start3A_348] : memref<256x36xf32, #tpu.memory_space<vmem>> -> memref<1x36xf32, #tpu.memory_space<vmem>>
      %dma_start3A_350 = tpu.memref_squeeze %dma_start3A_349 : memref<1x36xf32, #tpu.memory_space<vmem>> -> memref<36xf32, #tpu.memory_space<vmem>>
      %dma_start3A_351 = arith.constant 0 : i32
      %dma_start3A_352 = tpu.memref_slice %arg2[%squeeze3A_337, %dma_start3A_351] : memref<1000000x36xf32, #tpu.memory_space<hbm>> -> memref<1x36xf32, #tpu.memory_space<hbm>>
      %dma_start3A_353 = tpu.memref_squeeze %dma_start3A_352 : memref<1x36xf32, #tpu.memory_space<hbm>> -> memref<36xf32, #tpu.memory_space<hbm>>
      tpu.enqueue_dma source(%dma_start3A_353 : memref<36xf32, #tpu.memory_space<hbm>>) target(%dma_start3A_350 : memref<36xf32, #tpu.memory_space<vmem>>) target_semaphore(%arg11 : memref<!tpu.dma_semaphore, #tpu.memory_space<semaphore_mem>>)
      %slice3A_354 = vector.extract_strided_slice %get3A_194 {offsets = [4], sizes = [1], strides = [1]} : vector<16xi32> to vector<1xi32>
      %squeeze3A_355 = vector.extract %slice3A_354[0] : i32 from vector<1xi32>
      %mul3A_356 = arith.constant 16 : i32
      %mul3A_357 = arith.muli %scan3A_181, %mul3A_356 : i32
      %add3A_358 = arith.constant 4 : i32
      %add3A_359 = arith.addi %mul3A_357, %add3A_358 : i32
      %dma_start3A_360 = arith.constant 0 : i32
      %dma_start3A_361 = tpu.memref_slice %arg10[%add3A_359, %dma_start3A_360] : memref<256x36xf32, #tpu.memory_space<vmem>> -> memref<1x36xf32, #tpu.memory_space<vmem>>
      %dma_start3A_362 = tpu.memref_squeeze %dma_start3A_361 : memref<1x36xf32, #tpu.memory_space<vmem>> -> memref<36xf32, #tpu.memory_space<vmem>>
      %dma_start3A_363 = arith.constant 0 : i32
      %dma_start3A_364 = tpu.memref_slice %arg2[%squeeze3A_355, %dma_start3A_363] : memref<1000000x36xf32, #tpu.memory_space<hbm>> -> memref<1x36xf32, #tpu.memory_space<hbm>>
      %dma_start3A_365 = tpu.memref_squeeze %dma_start3A_364 : memref<1x36xf32, #tpu.memory_space<hbm>> -> memref<36xf32, #tpu.memory_space<hbm>>
      %dma_start3A_366 = arith.constant 0 : i32
      %dma_start3A_367 = tpu.memref_slice %arg10[%add3A_359, %dma_start3A_366] : memref<256x36xf32, #tpu.memory_space<vmem>> -> memref<1x36xf32, #tpu.memory_space<vmem>>
      %dma_start3A_368 = tpu.memref_squeeze %dma_start3A_367 : memref<1x36xf32, #tpu.memory_space<vmem>> -> memref<36xf32, #tpu.memory_space<vmem>>
      %dma_start3A_369 = arith.constant 0 : i32
      %dma_start3A_370 = tpu.memref_slice %arg2[%squeeze3A_355, %dma_start3A_369] : memref<1000000x36xf32, #tpu.memory_space<hbm>> -> memref<1x36xf32, #tpu.memory_space<hbm>>
      %dma_start3A_371 = tpu.memref_squeeze %dma_start3A_370 : memref<1x36xf32, #tpu.memory_space<hbm>> -> memref<36xf32, #tpu.memory_space<hbm>>
      tpu.enqueue_dma source(%dma_start3A_371 : memref<36xf32, #tpu.memory_space<hbm>>) target(%dma_start3A_368 : memref<36xf32, #tpu.memory_space<vmem>>) target_semaphore(%arg15 : memref<!tpu.dma_semaphore, #tpu.memory_space<semaphore_mem>>)
      %slice3A_372 = vector.extract_strided_slice %get3A_187 {offsets = [5], sizes = [1], strides = [1]} : vector<16xi32> to vector<1xi32>
      %squeeze3A_373 = vector.extract %slice3A_372[0] : i32 from vector<1xi32>
      %mul3A_374 = arith.constant 16 : i32
      %mul3A_375 = arith.muli %scan3A_181, %mul3A_374 : i32
      %add3A_376 = arith.constant 5 : i32
      %add3A_377 = arith.addi %mul3A_375, %add3A_376 : i32
      %dma_start3A_378 = arith.constant 0 : i32
      %dma_start3A_379 = tpu.memref_slice %arg9[%add3A_377, %dma_start3A_378] : memref<256x36xf32, #tpu.memory_space<vmem>> -> memref<1x36xf32, #tpu.memory_space<vmem>>
      %dma_start3A_380 = tpu.memref_squeeze %dma_start3A_379 : memref<1x36xf32, #tpu.memory_space<vmem>> -> memref<36xf32, #tpu.memory_space<vmem>>
      %dma_start3A_381 = arith.constant 0 : i32
      %dma_start3A_382 = tpu.memref_slice %arg2[%squeeze3A_373, %dma_start3A_381] : memref<1000000x36xf32, #tpu.memory_space<hbm>> -> memref<1x36xf32, #tpu.memory_space<hbm>>
      %dma_start3A_383 = tpu.memref_squeeze %dma_start3A_382 : memref<1x36xf32, #tpu.memory_space<hbm>> -> memref<36xf32, #tpu.memory_space<hbm>>
      %dma_start3A_384 = arith.constant 0 : i32
      %dma_start3A_385 = tpu.memref_slice %arg9[%add3A_377, %dma_start3A_384] : memref<256x36xf32, #tpu.memory_space<vmem>> -> memref<1x36xf32, #tpu.memory_space<vmem>>
      %dma_start3A_386 = tpu.memref_squeeze %dma_start3A_385 : memref<1x36xf32, #tpu.memory_space<vmem>> -> memref<36xf32, #tpu.memory_space<vmem>>
      %dma_start3A_387 = arith.constant 0 : i32
      %dma_start3A_388 = tpu.memref_slice %arg2[%squeeze3A_373, %dma_start3A_387] : memref<1000000x36xf32, #tpu.memory_space<hbm>> -> memref<1x36xf32, #tpu.memory_space<hbm>>
      %dma_start3A_389 = tpu.memref_squeeze %dma_start3A_388 : memref<1x36xf32, #tpu.memory_space<hbm>> -> memref<36xf32, #tpu.memory_space<hbm>>
      tpu.enqueue_dma source(%dma_start3A_389 : memref<36xf32, #tpu.memory_space<hbm>>) target(%dma_start3A_386 : memref<36xf32, #tpu.memory_space<vmem>>) target_semaphore(%arg12 : memref<!tpu.dma_semaphore, #tpu.memory_space<semaphore_mem>>)
      %slice3A_390 = vector.extract_strided_slice %get3A_194 {offsets = [5], sizes = [1], strides = [1]} : vector<16xi32> to vector<1xi32>
      %squeeze3A_391 = vector.extract %slice3A_390[0] : i32 from vector<1xi32>
      %mul3A_392 = arith.constant 16 : i32
      %mul3A_393 = arith.muli %scan3A_181, %mul3A_392 : i32
      %add3A_394 = arith.constant 5 : i32
      %add3A_395 = arith.addi %mul3A_393, %add3A_394 : i32
      %dma_start3A_396 = arith.constant 0 : i32
      %dma_start3A_397 = tpu.memref_slice %arg10[%add3A_395, %dma_start3A_396] : memref<256x36xf32, #tpu.memory_space<vmem>> -> memref<1x36xf32, #tpu.memory_space<vmem>>
      %dma_start3A_398 = tpu.memref_squeeze %dma_start3A_397 : memref<1x36xf32, #tpu.memory_space<vmem>> -> memref<36xf32, #tpu.memory_space<vmem>>
      %dma_start3A_399 = arith.constant 0 : i32
      %dma_start3A_400 = tpu.memref_slice %arg2[%squeeze3A_391, %dma_start3A_399] : memref<1000000x36xf32, #tpu.memory_space<hbm>> -> memref<1x36xf32, #tpu.memory_space<hbm>>
      %dma_start3A_401 = tpu.memref_squeeze %dma_start3A_400 : memref<1x36xf32, #tpu.memory_space<hbm>> -> memref<36xf32, #tpu.memory_space<hbm>>
      %dma_start3A_402 = arith.constant 0 : i32
      %dma_start3A_403 = tpu.memref_slice %arg10[%add3A_395, %dma_start3A_402] : memref<256x36xf32, #tpu.memory_space<vmem>> -> memref<1x36xf32, #tpu.memory_space<vmem>>
      %dma_start3A_404 = tpu.memref_squeeze %dma_start3A_403 : memref<1x36xf32, #tpu.memory_space<vmem>> -> memref<36xf32, #tpu.memory_space<vmem>>
      %dma_start3A_405 = arith.constant 0 : i32
      %dma_start3A_406 = tpu.memref_slice %arg2[%squeeze3A_391, %dma_start3A_405] : memref<1000000x36xf32, #tpu.memory_space<hbm>> -> memref<1x36xf32, #tpu.memory_space<hbm>>
      %dma_start3A_407 = tpu.memref_squeeze %dma_start3A_406 : memref<1x36xf32, #tpu.memory_space<hbm>> -> memref<36xf32, #tpu.memory_space<hbm>>
      tpu.enqueue_dma source(%dma_start3A_407 : memref<36xf32, #tpu.memory_space<hbm>>) target(%dma_start3A_404 : memref<36xf32, #tpu.memory_space<vmem>>) target_semaphore(%arg16 : memref<!tpu.dma_semaphore, #tpu.memory_space<semaphore_mem>>)
      %slice3A_408 = vector.extract_strided_slice %get3A_187 {offsets = [6], sizes = [1], strides = [1]} : vector<16xi32> to vector<1xi32>
      %squeeze3A_409 = vector.extract %slice3A_408[0] : i32 from vector<1xi32>
      %mul3A_410 = arith.constant 16 : i32
      %mul3A_411 = arith.muli %scan3A_181, %mul3A_410 : i32
      %add3A_412 = arith.constant 6 : i32
      %add3A_413 = arith.addi %mul3A_411, %add3A_412 : i32
      %dma_start3A_414 = arith.constant 0 : i32
      %dma_start3A_415 = tpu.memref_slice %arg9[%add3A_413, %dma_start3A_414] : memref<256x36xf32, #tpu.memory_space<vmem>> -> memref<1x36xf32, #tpu.memory_space<vmem>>
      %dma_start3A_416 = tpu.memref_squeeze %dma_start3A_415 : memref<1x36xf32, #tpu.memory_space<vmem>> -> memref<36xf32, #tpu.memory_space<vmem>>
      %dma_start3A_417 = arith.constant 0 : i32
      %dma_start3A_418 = tpu.memref_slice %arg2[%squeeze3A_409, %dma_start3A_417] : memref<1000000x36xf32, #tpu.memory_space<hbm>> -> memref<1x36xf32, #tpu.memory_space<hbm>>
      %dma_start3A_419 = tpu.memref_squeeze %dma_start3A_418 : memref<1x36xf32, #tpu.memory_space<hbm>> -> memref<36xf32, #tpu.memory_space<hbm>>
      %dma_start3A_420 = arith.constant 0 : i32
      %dma_start3A_421 = tpu.memref_slice %arg9[%add3A_413, %dma_start3A_420] : memref<256x36xf32, #tpu.memory_space<vmem>> -> memref<1x36xf32, #tpu.memory_space<vmem>>
      %dma_start3A_422 = tpu.memref_squeeze %dma_start3A_421 : memref<1x36xf32, #tpu.memory_space<vmem>> -> memref<36xf32, #tpu.memory_space<vmem>>
      %dma_start3A_423 = arith.constant 0 : i32
      %dma_start3A_424 = tpu.memref_slice %arg2[%squeeze3A_409, %dma_start3A_423] : memref<1000000x36xf32, #tpu.memory_space<hbm>> -> memref<1x36xf32, #tpu.memory_space<hbm>>
      %dma_start3A_425 = tpu.memref_squeeze %dma_start3A_424 : memref<1x36xf32, #tpu.memory_space<hbm>> -> memref<36xf32, #tpu.memory_space<hbm>>
      tpu.enqueue_dma source(%dma_start3A_425 : memref<36xf32, #tpu.memory_space<hbm>>) target(%dma_start3A_422 : memref<36xf32, #tpu.memory_space<vmem>>) target_semaphore(%arg13 : memref<!tpu.dma_semaphore, #tpu.memory_space<semaphore_mem>>)
      %slice3A_426 = vector.extract_strided_slice %get3A_194 {offsets = [6], sizes = [1], strides = [1]} : vector<16xi32> to vector<1xi32>
      %squeeze3A_427 = vector.extract %slice3A_426[0] : i32 from vector<1xi32>
      %mul3A_428 = arith.constant 16 : i32
      %mul3A_429 = arith.muli %scan3A_181, %mul3A_428 : i32
      %add3A_430 = arith.constant 6 : i32
      %add3A_431 = arith.addi %mul3A_429, %add3A_430 : i32
      %dma_start3A_432 = arith.constant 0 : i32
      %dma_start3A_433 = tpu.memref_slice %arg10[%add3A_431, %dma_start3A_432] : memref<256x36xf32, #tpu.memory_space<vmem>> -> memref<1x36xf32, #tpu.memory_space<vmem>>
      %dma_start3A_434 = tpu.memref_squeeze %dma_start3A_433 : memref<1x36xf32, #tpu.memory_space<vmem>> -> memref<36xf32, #tpu.memory_space<vmem>>
      %dma_start3A_435 = arith.constant 0 : i32
      %dma_start3A_436 = tpu.memref_slice %arg2[%squeeze3A_427, %dma_start3A_435] : memref<1000000x36xf32, #tpu.memory_space<hbm>> -> memref<1x36xf32, #tpu.memory_space<hbm>>
      %dma_start3A_437 = tpu.memref_squeeze %dma_start3A_436 : memref<1x36xf32, #tpu.memory_space<hbm>> -> memref<36xf32, #tpu.memory_space<hbm>>
      %dma_start3A_438 = arith.constant 0 : i32
      %dma_start3A_439 = tpu.memref_slice %arg10[%add3A_431, %dma_start3A_438] : memref<256x36xf32, #tpu.memory_space<vmem>> -> memref<1x36xf32, #tpu.memory_space<vmem>>
      %dma_start3A_440 = tpu.memref_squeeze %dma_start3A_439 : memref<1x36xf32, #tpu.memory_space<vmem>> -> memref<36xf32, #tpu.memory_space<vmem>>
      %dma_start3A_441 = arith.constant 0 : i32
      %dma_start3A_442 = tpu.memref_slice %arg2[%squeeze3A_427, %dma_start3A_441] : memref<1000000x36xf32, #tpu.memory_space<hbm>> -> memref<1x36xf32, #tpu.memory_space<hbm>>
      %dma_start3A_443 = tpu.memref_squeeze %dma_start3A_442 : memref<1x36xf32, #tpu.memory_space<hbm>> -> memref<36xf32, #tpu.memory_space<hbm>>
      tpu.enqueue_dma source(%dma_start3A_443 : memref<36xf32, #tpu.memory_space<hbm>>) target(%dma_start3A_440 : memref<36xf32, #tpu.memory_space<vmem>>) target_semaphore(%arg17 : memref<!tpu.dma_semaphore, #tpu.memory_space<semaphore_mem>>)
      %slice3A_444 = vector.extract_strided_slice %get3A_187 {offsets = [7], sizes = [1], strides = [1]} : vector<16xi32> to vector<1xi32>
      %squeeze3A_445 = vector.extract %slice3A_444[0] : i32 from vector<1xi32>
      %mul3A_446 = arith.constant 16 : i32
      %mul3A_447 = arith.muli %scan3A_181, %mul3A_446 : i32
      %add3A_448 = arith.constant 7 : i32
      %add3A_449 = arith.addi %mul3A_447, %add3A_448 : i32
      %dma_start3A_450 = arith.constant 0 : i32
      %dma_start3A_451 = tpu.memref_slice %arg9[%add3A_449, %dma_start3A_450] : memref<256x36xf32, #tpu.memory_space<vmem>> -> memref<1x36xf32, #tpu.memory_space<vmem>>
      %dma_start3A_452 = tpu.memref_squeeze %dma_start3A_451 : memref<1x36xf32, #tpu.memory_space<vmem>> -> memref<36xf32, #tpu.memory_space<vmem>>
      %dma_start3A_453 = arith.constant 0 : i32
      %dma_start3A_454 = tpu.memref_slice %arg2[%squeeze3A_445, %dma_start3A_453] : memref<1000000x36xf32, #tpu.memory_space<hbm>> -> memref<1x36xf32, #tpu.memory_space<hbm>>
      %dma_start3A_455 = tpu.memref_squeeze %dma_start3A_454 : memref<1x36xf32, #tpu.memory_space<hbm>> -> memref<36xf32, #tpu.memory_space<hbm>>
      %dma_start3A_456 = arith.constant 0 : i32
      %dma_start3A_457 = tpu.memref_slice %arg9[%add3A_449, %dma_start3A_456] : memref<256x36xf32, #tpu.memory_space<vmem>> -> memref<1x36xf32, #tpu.memory_space<vmem>>
      %dma_start3A_458 = tpu.memref_squeeze %dma_start3A_457 : memref<1x36xf32, #tpu.memory_space<vmem>> -> memref<36xf32, #tpu.memory_space<vmem>>
      %dma_start3A_459 = arith.constant 0 : i32
      %dma_start3A_460 = tpu.memref_slice %arg2[%squeeze3A_445, %dma_start3A_459] : memref<1000000x36xf32, #tpu.memory_space<hbm>> -> memref<1x36xf32, #tpu.memory_space<hbm>>
      %dma_start3A_461 = tpu.memref_squeeze %dma_start3A_460 : memref<1x36xf32, #tpu.memory_space<hbm>> -> memref<36xf32, #tpu.memory_space<hbm>>
      tpu.enqueue_dma source(%dma_start3A_461 : memref<36xf32, #tpu.memory_space<hbm>>) target(%dma_start3A_458 : memref<36xf32, #tpu.memory_space<vmem>>) target_semaphore(%arg14 : memref<!tpu.dma_semaphore, #tpu.memory_space<semaphore_mem>>)
      %slice3A_462 = vector.extract_strided_slice %get3A_194 {offsets = [7], sizes = [1], strides = [1]} : vector<16xi32> to vector<1xi32>
      %squeeze3A_463 = vector.extract %slice3A_462[0] : i32 from vector<1xi32>
      %mul3A_464 = arith.constant 16 : i32
      %mul3A_465 = arith.muli %scan3A_181, %mul3A_464 : i32
      %add3A_466 = arith.constant 7 : i32
      %add3A_467 = arith.addi %mul3A_465, %add3A_466 : i32
      %dma_start3A_468 = arith.constant 0 : i32
      %dma_start3A_469 = tpu.memref_slice %arg10[%add3A_467, %dma_start3A_468] : memref<256x36xf32, #tpu.memory_space<vmem>> -> memref<1x36xf32, #tpu.memory_space<vmem>>
      %dma_start3A_470 = tpu.memref_squeeze %dma_start3A_469 : memref<1x36xf32, #tpu.memory_space<vmem>> -> memref<36xf32, #tpu.memory_space<vmem>>
      %dma_start3A_471 = arith.constant 0 : i32
      %dma_start3A_472 = tpu.memref_slice %arg2[%squeeze3A_463, %dma_start3A_471] : memref<1000000x36xf32, #tpu.memory_space<hbm>> -> memref<1x36xf32, #tpu.memory_space<hbm>>
      %dma_start3A_473 = tpu.memref_squeeze %dma_start3A_472 : memref<1x36xf32, #tpu.memory_space<hbm>> -> memref<36xf32, #tpu.memory_space<hbm>>
      %dma_start3A_474 = arith.constant 0 : i32
      %dma_start3A_475 = tpu.memref_slice %arg10[%add3A_467, %dma_start3A_474] : memref<256x36xf32, #tpu.memory_space<vmem>> -> memref<1x36xf32, #tpu.memory_space<vmem>>
      %dma_start3A_476 = tpu.memref_squeeze %dma_start3A_475 : memref<1x36xf32, #tpu.memory_space<vmem>> -> memref<36xf32, #tpu.memory_space<vmem>>
      %dma_start3A_477 = arith.constant 0 : i32
      %dma_start3A_478 = tpu.memref_slice %arg2[%squeeze3A_463, %dma_start3A_477] : memref<1000000x36xf32, #tpu.memory_space<hbm>> -> memref<1x36xf32, #tpu.memory_space<hbm>>
      %dma_start3A_479 = tpu.memref_squeeze %dma_start3A_478 : memref<1x36xf32, #tpu.memory_space<hbm>> -> memref<36xf32, #tpu.memory_space<hbm>>
      tpu.enqueue_dma source(%dma_start3A_479 : memref<36xf32, #tpu.memory_space<hbm>>) target(%dma_start3A_476 : memref<36xf32, #tpu.memory_space<vmem>>) target_semaphore(%arg18 : memref<!tpu.dma_semaphore, #tpu.memory_space<semaphore_mem>>)
      %slice3A_480 = vector.extract_strided_slice %get3A_187 {offsets = [8], sizes = [1], strides = [1]} : vector<16xi32> to vector<1xi32>
      %squeeze3A_481 = vector.extract %slice3A_480[0] : i32 from vector<1xi32>
      %mul3A_482 = arith.constant 16 : i32
      %mul3A_483 = arith.muli %scan3A_181, %mul3A_482 : i32
      %add3A_484 = arith.constant 8 : i32
      %add3A_485 = arith.addi %mul3A_483, %add3A_484 : i32
      %dma_start3A_486 = arith.constant 0 : i32
      %dma_start3A_487 = tpu.memref_slice %arg9[%add3A_485, %dma_start3A_486] : memref<256x36xf32, #tpu.memory_space<vmem>> -> memref<1x36xf32, #tpu.memory_space<vmem>>
      %dma_start3A_488 = tpu.memref_squeeze %dma_start3A_487 : memref<1x36xf32, #tpu.memory_space<vmem>> -> memref<36xf32, #tpu.memory_space<vmem>>
      %dma_start3A_489 = arith.constant 0 : i32
      %dma_start3A_490 = tpu.memref_slice %arg2[%squeeze3A_481, %dma_start3A_489] : memref<1000000x36xf32, #tpu.memory_space<hbm>> -> memref<1x36xf32, #tpu.memory_space<hbm>>
      %dma_start3A_491 = tpu.memref_squeeze %dma_start3A_490 : memref<1x36xf32, #tpu.memory_space<hbm>> -> memref<36xf32, #tpu.memory_space<hbm>>
      %dma_start3A_492 = arith.constant 0 : i32
      %dma_start3A_493 = tpu.memref_slice %arg9[%add3A_485, %dma_start3A_492] : memref<256x36xf32, #tpu.memory_space<vmem>> -> memref<1x36xf32, #tpu.memory_space<vmem>>
      %dma_start3A_494 = tpu.memref_squeeze %dma_start3A_493 : memref<1x36xf32, #tpu.memory_space<vmem>> -> memref<36xf32, #tpu.memory_space<vmem>>
      %dma_start3A_495 = arith.constant 0 : i32
      %dma_start3A_496 = tpu.memref_slice %arg2[%squeeze3A_481, %dma_start3A_495] : memref<1000000x36xf32, #tpu.memory_space<hbm>> -> memref<1x36xf32, #tpu.memory_space<hbm>>
      %dma_start3A_497 = tpu.memref_squeeze %dma_start3A_496 : memref<1x36xf32, #tpu.memory_space<hbm>> -> memref<36xf32, #tpu.memory_space<hbm>>
      tpu.enqueue_dma source(%dma_start3A_497 : memref<36xf32, #tpu.memory_space<hbm>>) target(%dma_start3A_494 : memref<36xf32, #tpu.memory_space<vmem>>) target_semaphore(%arg11 : memref<!tpu.dma_semaphore, #tpu.memory_space<semaphore_mem>>)
      %slice3A_498 = vector.extract_strided_slice %get3A_194 {offsets = [8], sizes = [1], strides = [1]} : vector<16xi32> to vector<1xi32>
      %squeeze3A_499 = vector.extract %slice3A_498[0] : i32 from vector<1xi32>
      %mul3A_500 = arith.constant 16 : i32
      %mul3A_501 = arith.muli %scan3A_181, %mul3A_500 : i32
      %add3A_502 = arith.constant 8 : i32
      %add3A_503 = arith.addi %mul3A_501, %add3A_502 : i32
      %dma_start3A_504 = arith.constant 0 : i32
      %dma_start3A_505 = tpu.memref_slice %arg10[%add3A_503, %dma_start3A_504] : memref<256x36xf32, #tpu.memory_space<vmem>> -> memref<1x36xf32, #tpu.memory_space<vmem>>
      %dma_start3A_506 = tpu.memref_squeeze %dma_start3A_505 : memref<1x36xf32, #tpu.memory_space<vmem>> -> memref<36xf32, #tpu.memory_space<vmem>>
      %dma_start3A_507 = arith.constant 0 : i32
      %dma_start3A_508 = tpu.memref_slice %arg2[%squeeze3A_499, %dma_start3A_507] : memref<1000000x36xf32, #tpu.memory_space<hbm>> -> memref<1x36xf32, #tpu.memory_space<hbm>>
      %dma_start3A_509 = tpu.memref_squeeze %dma_start3A_508 : memref<1x36xf32, #tpu.memory_space<hbm>> -> memref<36xf32, #tpu.memory_space<hbm>>
      %dma_start3A_510 = arith.constant 0 : i32
      %dma_start3A_511 = tpu.memref_slice %arg10[%add3A_503, %dma_start3A_510] : memref<256x36xf32, #tpu.memory_space<vmem>> -> memref<1x36xf32, #tpu.memory_space<vmem>>
      %dma_start3A_512 = tpu.memref_squeeze %dma_start3A_511 : memref<1x36xf32, #tpu.memory_space<vmem>> -> memref<36xf32, #tpu.memory_space<vmem>>
      %dma_start3A_513 = arith.constant 0 : i32
      %dma_start3A_514 = tpu.memref_slice %arg2[%squeeze3A_499, %dma_start3A_513] : memref<1000000x36xf32, #tpu.memory_space<hbm>> -> memref<1x36xf32, #tpu.memory_space<hbm>>
      %dma_start3A_515 = tpu.memref_squeeze %dma_start3A_514 : memref<1x36xf32, #tpu.memory_space<hbm>> -> memref<36xf32, #tpu.memory_space<hbm>>
      tpu.enqueue_dma source(%dma_start3A_515 : memref<36xf32, #tpu.memory_space<hbm>>) target(%dma_start3A_512 : memref<36xf32, #tpu.memory_space<vmem>>) target_semaphore(%arg15 : memref<!tpu.dma_semaphore, #tpu.memory_space<semaphore_mem>>)
      %slice3A_516 = vector.extract_strided_slice %get3A_187 {offsets = [9], sizes = [1], strides = [1]} : vector<16xi32> to vector<1xi32>
      %squeeze3A_517 = vector.extract %slice3A_516[0] : i32 from vector<1xi32>
      %mul3A_518 = arith.constant 16 : i32
      %mul3A_519 = arith.muli %scan3A_181, %mul3A_518 : i32
      %add3A_520 = arith.constant 9 : i32
      %add3A_521 = arith.addi %mul3A_519, %add3A_520 : i32
      %dma_start3A_522 = arith.constant 0 : i32
      %dma_start3A_523 = tpu.memref_slice %arg9[%add3A_521, %dma_start3A_522] : memref<256x36xf32, #tpu.memory_space<vmem>> -> memref<1x36xf32, #tpu.memory_space<vmem>>
      %dma_start3A_524 = tpu.memref_squeeze %dma_start3A_523 : memref<1x36xf32, #tpu.memory_space<vmem>> -> memref<36xf32, #tpu.memory_space<vmem>>
      %dma_start3A_525 = arith.constant 0 : i32
      %dma_start3A_526 = tpu.memref_slice %arg2[%squeeze3A_517, %dma_start3A_525] : memref<1000000x36xf32, #tpu.memory_space<hbm>> -> memref<1x36xf32, #tpu.memory_space<hbm>>
      %dma_start3A_527 = tpu.memref_squeeze %dma_start3A_526 : memref<1x36xf32, #tpu.memory_space<hbm>> -> memref<36xf32, #tpu.memory_space<hbm>>
      %dma_start3A_528 = arith.constant 0 : i32
      %dma_start3A_529 = tpu.memref_slice %arg9[%add3A_521, %dma_start3A_528] : memref<256x36xf32, #tpu.memory_space<vmem>> -> memref<1x36xf32, #tpu.memory_space<vmem>>
      %dma_start3A_530 = tpu.memref_squeeze %dma_start3A_529 : memref<1x36xf32, #tpu.memory_space<vmem>> -> memref<36xf32, #tpu.memory_space<vmem>>
      %dma_start3A_531 = arith.constant 0 : i32
      %dma_start3A_532 = tpu.memref_slice %arg2[%squeeze3A_517, %dma_start3A_531] : memref<1000000x36xf32, #tpu.memory_space<hbm>> -> memref<1x36xf32, #tpu.memory_space<hbm>>
      %dma_start3A_533 = tpu.memref_squeeze %dma_start3A_532 : memref<1x36xf32, #tpu.memory_space<hbm>> -> memref<36xf32, #tpu.memory_space<hbm>>
      tpu.enqueue_dma source(%dma_start3A_533 : memref<36xf32, #tpu.memory_space<hbm>>) target(%dma_start3A_530 : memref<36xf32, #tpu.memory_space<vmem>>) target_semaphore(%arg12 : memref<!tpu.dma_semaphore, #tpu.memory_space<semaphore_mem>>)
      %slice3A_534 = vector.extract_strided_slice %get3A_194 {offsets = [9], sizes = [1], strides = [1]} : vector<16xi32> to vector<1xi32>
      %squeeze3A_535 = vector.extract %slice3A_534[0] : i32 from vector<1xi32>
      %mul3A_536 = arith.constant 16 : i32
      %mul3A_537 = arith.muli %scan3A_181, %mul3A_536 : i32
      %add3A_538 = arith.constant 9 : i32
      %add3A_539 = arith.addi %mul3A_537, %add3A_538 : i32
      %dma_start3A_540 = arith.constant 0 : i32
      %dma_start3A_541 = tpu.memref_slice %arg10[%add3A_539, %dma_start3A_540] : memref<256x36xf32, #tpu.memory_space<vmem>> -> memref<1x36xf32, #tpu.memory_space<vmem>>
      %dma_start3A_542 = tpu.memref_squeeze %dma_start3A_541 : memref<1x36xf32, #tpu.memory_space<vmem>> -> memref<36xf32, #tpu.memory_space<vmem>>
      %dma_start3A_543 = arith.constant 0 : i32
      %dma_start3A_544 = tpu.memref_slice %arg2[%squeeze3A_535, %dma_start3A_543] : memref<1000000x36xf32, #tpu.memory_space<hbm>> -> memref<1x36xf32, #tpu.memory_space<hbm>>
      %dma_start3A_545 = tpu.memref_squeeze %dma_start3A_544 : memref<1x36xf32, #tpu.memory_space<hbm>> -> memref<36xf32, #tpu.memory_space<hbm>>
      %dma_start3A_546 = arith.constant 0 : i32
      %dma_start3A_547 = tpu.memref_slice %arg10[%add3A_539, %dma_start3A_546] : memref<256x36xf32, #tpu.memory_space<vmem>> -> memref<1x36xf32, #tpu.memory_space<vmem>>
      %dma_start3A_548 = tpu.memref_squeeze %dma_start3A_547 : memref<1x36xf32, #tpu.memory_space<vmem>> -> memref<36xf32, #tpu.memory_space<vmem>>
      %dma_start3A_549 = arith.constant 0 : i32
      %dma_start3A_550 = tpu.memref_slice %arg2[%squeeze3A_535, %dma_start3A_549] : memref<1000000x36xf32, #tpu.memory_space<hbm>> -> memref<1x36xf32, #tpu.memory_space<hbm>>
      %dma_start3A_551 = tpu.memref_squeeze %dma_start3A_550 : memref<1x36xf32, #tpu.memory_space<hbm>> -> memref<36xf32, #tpu.memory_space<hbm>>
      tpu.enqueue_dma source(%dma_start3A_551 : memref<36xf32, #tpu.memory_space<hbm>>) target(%dma_start3A_548 : memref<36xf32, #tpu.memory_space<vmem>>) target_semaphore(%arg16 : memref<!tpu.dma_semaphore, #tpu.memory_space<semaphore_mem>>)
      %slice3A_552 = vector.extract_strided_slice %get3A_187 {offsets = [10], sizes = [1], strides = [1]} : vector<16xi32> to vector<1xi32>
      %squeeze3A_553 = vector.extract %slice3A_552[0] : i32 from vector<1xi32>
      %mul3A_554 = arith.constant 16 : i32
      %mul3A_555 = arith.muli %scan3A_181, %mul3A_554 : i32
      %add3A_556 = arith.constant 10 : i32
      %add3A_557 = arith.addi %mul3A_555, %add3A_556 : i32
      %dma_start3A_558 = arith.constant 0 : i32
      %dma_start3A_559 = tpu.memref_slice %arg9[%add3A_557, %dma_start3A_558] : memref<256x36xf32, #tpu.memory_space<vmem>> -> memref<1x36xf32, #tpu.memory_space<vmem>>
      %dma_start3A_560 = tpu.memref_squeeze %dma_start3A_559 : memref<1x36xf32, #tpu.memory_space<vmem>> -> memref<36xf32, #tpu.memory_space<vmem>>
      %dma_start3A_561 = arith.constant 0 : i32
      %dma_start3A_562 = tpu.memref_slice %arg2[%squeeze3A_553, %dma_start3A_561] : memref<1000000x36xf32, #tpu.memory_space<hbm>> -> memref<1x36xf32, #tpu.memory_space<hbm>>
      %dma_start3A_563 = tpu.memref_squeeze %dma_start3A_562 : memref<1x36xf32, #tpu.memory_space<hbm>> -> memref<36xf32, #tpu.memory_space<hbm>>
      %dma_start3A_564 = arith.constant 0 : i32
      %dma_start3A_565 = tpu.memref_slice %arg9[%add3A_557, %dma_start3A_564] : memref<256x36xf32, #tpu.memory_space<vmem>> -> memref<1x36xf32, #tpu.memory_space<vmem>>
      %dma_start3A_566 = tpu.memref_squeeze %dma_start3A_565 : memref<1x36xf32, #tpu.memory_space<vmem>> -> memref<36xf32, #tpu.memory_space<vmem>>
      %dma_start3A_567 = arith.constant 0 : i32
      %dma_start3A_568 = tpu.memref_slice %arg2[%squeeze3A_553, %dma_start3A_567] : memref<1000000x36xf32, #tpu.memory_space<hbm>> -> memref<1x36xf32, #tpu.memory_space<hbm>>
      %dma_start3A_569 = tpu.memref_squeeze %dma_start3A_568 : memref<1x36xf32, #tpu.memory_space<hbm>> -> memref<36xf32, #tpu.memory_space<hbm>>
      tpu.enqueue_dma source(%dma_start3A_569 : memref<36xf32, #tpu.memory_space<hbm>>) target(%dma_start3A_566 : memref<36xf32, #tpu.memory_space<vmem>>) target_semaphore(%arg13 : memref<!tpu.dma_semaphore, #tpu.memory_space<semaphore_mem>>)
      %slice3A_570 = vector.extract_strided_slice %get3A_194 {offsets = [10], sizes = [1], strides = [1]} : vector<16xi32> to vector<1xi32>
      %squeeze3A_571 = vector.extract %slice3A_570[0] : i32 from vector<1xi32>
      %mul3A_572 = arith.constant 16 : i32
      %mul3A_573 = arith.muli %scan3A_181, %mul3A_572 : i32
      %add3A_574 = arith.constant 10 : i32
      %add3A_575 = arith.addi %mul3A_573, %add3A_574 : i32
      %dma_start3A_576 = arith.constant 0 : i32
      %dma_start3A_577 = tpu.memref_slice %arg10[%add3A_575, %dma_start3A_576] : memref<256x36xf32, #tpu.memory_space<vmem>> -> memref<1x36xf32, #tpu.memory_space<vmem>>
      %dma_start3A_578 = tpu.memref_squeeze %dma_start3A_577 : memref<1x36xf32, #tpu.memory_space<vmem>> -> memref<36xf32, #tpu.memory_space<vmem>>
      %dma_start3A_579 = arith.constant 0 : i32
      %dma_start3A_580 = tpu.memref_slice %arg2[%squeeze3A_571, %dma_start3A_579] : memref<1000000x36xf32, #tpu.memory_space<hbm>> -> memref<1x36xf32, #tpu.memory_space<hbm>>
      %dma_start3A_581 = tpu.memref_squeeze %dma_start3A_580 : memref<1x36xf32, #tpu.memory_space<hbm>> -> memref<36xf32, #tpu.memory_space<hbm>>
      %dma_start3A_582 = arith.constant 0 : i32
      %dma_start3A_583 = tpu.memref_slice %arg10[%add3A_575, %dma_start3A_582] : memref<256x36xf32, #tpu.memory_space<vmem>> -> memref<1x36xf32, #tpu.memory_space<vmem>>
      %dma_start3A_584 = tpu.memref_squeeze %dma_start3A_583 : memref<1x36xf32, #tpu.memory_space<vmem>> -> memref<36xf32, #tpu.memory_space<vmem>>
      %dma_start3A_585 = arith.constant 0 : i32
      %dma_start3A_586 = tpu.memref_slice %arg2[%squeeze3A_571, %dma_start3A_585] : memref<1000000x36xf32, #tpu.memory_space<hbm>> -> memref<1x36xf32, #tpu.memory_space<hbm>>
      %dma_start3A_587 = tpu.memref_squeeze %dma_start3A_586 : memref<1x36xf32, #tpu.memory_space<hbm>> -> memref<36xf32, #tpu.memory_space<hbm>>
      tpu.enqueue_dma source(%dma_start3A_587 : memref<36xf32, #tpu.memory_space<hbm>>) target(%dma_start3A_584 : memref<36xf32, #tpu.memory_space<vmem>>) target_semaphore(%arg17 : memref<!tpu.dma_semaphore, #tpu.memory_space<semaphore_mem>>)
      %slice3A_588 = vector.extract_strided_slice %get3A_187 {offsets = [11], sizes = [1], strides = [1]} : vector<16xi32> to vector<1xi32>
      %squeeze3A_589 = vector.extract %slice3A_588[0] : i32 from vector<1xi32>
      %mul3A_590 = arith.constant 16 : i32
      %mul3A_591 = arith.muli %scan3A_181, %mul3A_590 : i32
      %add3A_592 = arith.constant 11 : i32
      %add3A_593 = arith.addi %mul3A_591, %add3A_592 : i32
      %dma_start3A_594 = arith.constant 0 : i32
      %dma_start3A_595 = tpu.memref_slice %arg9[%add3A_593, %dma_start3A_594] : memref<256x36xf32, #tpu.memory_space<vmem>> -> memref<1x36xf32, #tpu.memory_space<vmem>>
      %dma_start3A_596 = tpu.memref_squeeze %dma_start3A_595 : memref<1x36xf32, #tpu.memory_space<vmem>> -> memref<36xf32, #tpu.memory_space<vmem>>
      %dma_start3A_597 = arith.constant 0 : i32
      %dma_start3A_598 = tpu.memref_slice %arg2[%squeeze3A_589, %dma_start3A_597] : memref<1000000x36xf32, #tpu.memory_space<hbm>> -> memref<1x36xf32, #tpu.memory_space<hbm>>
      %dma_start3A_599 = tpu.memref_squeeze %dma_start3A_598 : memref<1x36xf32, #tpu.memory_space<hbm>> -> memref<36xf32, #tpu.memory_space<hbm>>
      %dma_start3A_600 = arith.constant 0 : i32
      %dma_start3A_601 = tpu.memref_slice %arg9[%add3A_593, %dma_start3A_600] : memref<256x36xf32, #tpu.memory_space<vmem>> -> memref<1x36xf32, #tpu.memory_space<vmem>>
      %dma_start3A_602 = tpu.memref_squeeze %dma_start3A_601 : memref<1x36xf32, #tpu.memory_space<vmem>> -> memref<36xf32, #tpu.memory_space<vmem>>
      %dma_start3A_603 = arith.constant 0 : i32
      %dma_start3A_604 = tpu.memref_slice %arg2[%squeeze3A_589, %dma_start3A_603] : memref<1000000x36xf32, #tpu.memory_space<hbm>> -> memref<1x36xf32, #tpu.memory_space<hbm>>
      %dma_start3A_605 = tpu.memref_squeeze %dma_start3A_604 : memref<1x36xf32, #tpu.memory_space<hbm>> -> memref<36xf32, #tpu.memory_space<hbm>>
      tpu.enqueue_dma source(%dma_start3A_605 : memref<36xf32, #tpu.memory_space<hbm>>) target(%dma_start3A_602 : memref<36xf32, #tpu.memory_space<vmem>>) target_semaphore(%arg14 : memref<!tpu.dma_semaphore, #tpu.memory_space<semaphore_mem>>)
      %slice3A_606 = vector.extract_strided_slice %get3A_194 {offsets = [11], sizes = [1], strides = [1]} : vector<16xi32> to vector<1xi32>
      %squeeze3A_607 = vector.extract %slice3A_606[0] : i32 from vector<1xi32>
      %mul3A_608 = arith.constant 16 : i32
      %mul3A_609 = arith.muli %scan3A_181, %mul3A_608 : i32
      %add3A_610 = arith.constant 11 : i32
      %add3A_611 = arith.addi %mul3A_609, %add3A_610 : i32
      %dma_start3A_612 = arith.constant 0 : i32
      %dma_start3A_613 = tpu.memref_slice %arg10[%add3A_611, %dma_start3A_612] : memref<256x36xf32, #tpu.memory_space<vmem>> -> memref<1x36xf32, #tpu.memory_space<vmem>>
      %dma_start3A_614 = tpu.memref_squeeze %dma_start3A_613 : memref<1x36xf32, #tpu.memory_space<vmem>> -> memref<36xf32, #tpu.memory_space<vmem>>
      %dma_start3A_615 = arith.constant 0 : i32
      %dma_start3A_616 = tpu.memref_slice %arg2[%squeeze3A_607, %dma_start3A_615] : memref<1000000x36xf32, #tpu.memory_space<hbm>> -> memref<1x36xf32, #tpu.memory_space<hbm>>
      %dma_start3A_617 = tpu.memref_squeeze %dma_start3A_616 : memref<1x36xf32, #tpu.memory_space<hbm>> -> memref<36xf32, #tpu.memory_space<hbm>>
      %dma_start3A_618 = arith.constant 0 : i32
      %dma_start3A_619 = tpu.memref_slice %arg10[%add3A_611, %dma_start3A_618] : memref<256x36xf32, #tpu.memory_space<vmem>> -> memref<1x36xf32, #tpu.memory_space<vmem>>
      %dma_start3A_620 = tpu.memref_squeeze %dma_start3A_619 : memref<1x36xf32, #tpu.memory_space<vmem>> -> memref<36xf32, #tpu.memory_space<vmem>>
      %dma_start3A_621 = arith.constant 0 : i32
      %dma_start3A_622 = tpu.memref_slice %arg2[%squeeze3A_607, %dma_start3A_621] : memref<1000000x36xf32, #tpu.memory_space<hbm>> -> memref<1x36xf32, #tpu.memory_space<hbm>>
      %dma_start3A_623 = tpu.memref_squeeze %dma_start3A_622 : memref<1x36xf32, #tpu.memory_space<hbm>> -> memref<36xf32, #tpu.memory_space<hbm>>
      tpu.enqueue_dma source(%dma_start3A_623 : memref<36xf32, #tpu.memory_space<hbm>>) target(%dma_start3A_620 : memref<36xf32, #tpu.memory_space<vmem>>) target_semaphore(%arg18 : memref<!tpu.dma_semaphore, #tpu.memory_space<semaphore_mem>>)
      %slice3A_624 = vector.extract_strided_slice %get3A_187 {offsets = [12], sizes = [1], strides = [1]} : vector<16xi32> to vector<1xi32>
      %squeeze3A_625 = vector.extract %slice3A_624[0] : i32 from vector<1xi32>
      %mul3A_626 = arith.constant 16 : i32
      %mul3A_627 = arith.muli %scan3A_181, %mul3A_626 : i32
      %add3A_628 = arith.constant 12 : i32
      %add3A_629 = arith.addi %mul3A_627, %add3A_628 : i32
      %dma_start3A_630 = arith.constant 0 : i32
      %dma_start3A_631 = tpu.memref_slice %arg9[%add3A_629, %dma_start3A_630] : memref<256x36xf32, #tpu.memory_space<vmem>> -> memref<1x36xf32, #tpu.memory_space<vmem>>
      %dma_start3A_632 = tpu.memref_squeeze %dma_start3A_631 : memref<1x36xf32, #tpu.memory_space<vmem>> -> memref<36xf32, #tpu.memory_space<vmem>>
      %dma_start3A_633 = arith.constant 0 : i32
      %dma_start3A_634 = tpu.memref_slice %arg2[%squeeze3A_625, %dma_start3A_633] : memref<1000000x36xf32, #tpu.memory_space<hbm>> -> memref<1x36xf32, #tpu.memory_space<hbm>>
      %dma_start3A_635 = tpu.memref_squeeze %dma_start3A_634 : memref<1x36xf32, #tpu.memory_space<hbm>> -> memref<36xf32, #tpu.memory_space<hbm>>
      %dma_start3A_636 = arith.constant 0 : i32
      %dma_start3A_637 = tpu.memref_slice %arg9[%add3A_629, %dma_start3A_636] : memref<256x36xf32, #tpu.memory_space<vmem>> -> memref<1x36xf32, #tpu.memory_space<vmem>>
      %dma_start3A_638 = tpu.memref_squeeze %dma_start3A_637 : memref<1x36xf32, #tpu.memory_space<vmem>> -> memref<36xf32, #tpu.memory_space<vmem>>
      %dma_start3A_639 = arith.constant 0 : i32
      %dma_start3A_640 = tpu.memref_slice %arg2[%squeeze3A_625, %dma_start3A_639] : memref<1000000x36xf32, #tpu.memory_space<hbm>> -> memref<1x36xf32, #tpu.memory_space<hbm>>
      %dma_start3A_641 = tpu.memref_squeeze %dma_start3A_640 : memref<1x36xf32, #tpu.memory_space<hbm>> -> memref<36xf32, #tpu.memory_space<hbm>>
      tpu.enqueue_dma source(%dma_start3A_641 : memref<36xf32, #tpu.memory_space<hbm>>) target(%dma_start3A_638 : memref<36xf32, #tpu.memory_space<vmem>>) target_semaphore(%arg11 : memref<!tpu.dma_semaphore, #tpu.memory_space<semaphore_mem>>)
      %slice3A_642 = vector.extract_strided_slice %get3A_194 {offsets = [12], sizes = [1], strides = [1]} : vector<16xi32> to vector<1xi32>
      %squeeze3A_643 = vector.extract %slice3A_642[0] : i32 from vector<1xi32>
      %mul3A_644 = arith.constant 16 : i32
      %mul3A_645 = arith.muli %scan3A_181, %mul3A_644 : i32
      %add3A_646 = arith.constant 12 : i32
      %add3A_647 = arith.addi %mul3A_645, %add3A_646 : i32
      %dma_start3A_648 = arith.constant 0 : i32
      %dma_start3A_649 = tpu.memref_slice %arg10[%add3A_647, %dma_start3A_648] : memref<256x36xf32, #tpu.memory_space<vmem>> -> memref<1x36xf32, #tpu.memory_space<vmem>>
      %dma_start3A_650 = tpu.memref_squeeze %dma_start3A_649 : memref<1x36xf32, #tpu.memory_space<vmem>> -> memref<36xf32, #tpu.memory_space<vmem>>
      %dma_start3A_651 = arith.constant 0 : i32
      %dma_start3A_652 = tpu.memref_slice %arg2[%squeeze3A_643, %dma_start3A_651] : memref<1000000x36xf32, #tpu.memory_space<hbm>> -> memref<1x36xf32, #tpu.memory_space<hbm>>
      %dma_start3A_653 = tpu.memref_squeeze %dma_start3A_652 : memref<1x36xf32, #tpu.memory_space<hbm>> -> memref<36xf32, #tpu.memory_space<hbm>>
      %dma_start3A_654 = arith.constant 0 : i32
      %dma_start3A_655 = tpu.memref_slice %arg10[%add3A_647, %dma_start3A_654] : memref<256x36xf32, #tpu.memory_space<vmem>> -> memref<1x36xf32, #tpu.memory_space<vmem>>
      %dma_start3A_656 = tpu.memref_squeeze %dma_start3A_655 : memref<1x36xf32, #tpu.memory_space<vmem>> -> memref<36xf32, #tpu.memory_space<vmem>>
      %dma_start3A_657 = arith.constant 0 : i32
      %dma_start3A_658 = tpu.memref_slice %arg2[%squeeze3A_643, %dma_start3A_657] : memref<1000000x36xf32, #tpu.memory_space<hbm>> -> memref<1x36xf32, #tpu.memory_space<hbm>>
      %dma_start3A_659 = tpu.memref_squeeze %dma_start3A_658 : memref<1x36xf32, #tpu.memory_space<hbm>> -> memref<36xf32, #tpu.memory_space<hbm>>
      tpu.enqueue_dma source(%dma_start3A_659 : memref<36xf32, #tpu.memory_space<hbm>>) target(%dma_start3A_656 : memref<36xf32, #tpu.memory_space<vmem>>) target_semaphore(%arg15 : memref<!tpu.dma_semaphore, #tpu.memory_space<semaphore_mem>>)
      %slice3A_660 = vector.extract_strided_slice %get3A_187 {offsets = [13], sizes = [1], strides = [1]} : vector<16xi32> to vector<1xi32>
      %squeeze3A_661 = vector.extract %slice3A_660[0] : i32 from vector<1xi32>
      %mul3A_662 = arith.constant 16 : i32
      %mul3A_663 = arith.muli %scan3A_181, %mul3A_662 : i32
      %add3A_664 = arith.constant 13 : i32
      %add3A_665 = arith.addi %mul3A_663, %add3A_664 : i32
      %dma_start3A_666 = arith.constant 0 : i32
      %dma_start3A_667 = tpu.memref_slice %arg9[%add3A_665, %dma_start3A_666] : memref<256x36xf32, #tpu.memory_space<vmem>> -> memref<1x36xf32, #tpu.memory_space<vmem>>
      %dma_start3A_668 = tpu.memref_squeeze %dma_start3A_667 : memref<1x36xf32, #tpu.memory_space<vmem>> -> memref<36xf32, #tpu.memory_space<vmem>>
      %dma_start3A_669 = arith.constant 0 : i32
      %dma_start3A_670 = tpu.memref_slice %arg2[%squeeze3A_661, %dma_start3A_669] : memref<1000000x36xf32, #tpu.memory_space<hbm>> -> memref<1x36xf32, #tpu.memory_space<hbm>>
      %dma_start3A_671 = tpu.memref_squeeze %dma_start3A_670 : memref<1x36xf32, #tpu.memory_space<hbm>> -> memref<36xf32, #tpu.memory_space<hbm>>
      %dma_start3A_672 = arith.constant 0 : i32
      %dma_start3A_673 = tpu.memref_slice %arg9[%add3A_665, %dma_start3A_672] : memref<256x36xf32, #tpu.memory_space<vmem>> -> memref<1x36xf32, #tpu.memory_space<vmem>>
      %dma_start3A_674 = tpu.memref_squeeze %dma_start3A_673 : memref<1x36xf32, #tpu.memory_space<vmem>> -> memref<36xf32, #tpu.memory_space<vmem>>
      %dma_start3A_675 = arith.constant 0 : i32
      %dma_start3A_676 = tpu.memref_slice %arg2[%squeeze3A_661, %dma_start3A_675] : memref<1000000x36xf32, #tpu.memory_space<hbm>> -> memref<1x36xf32, #tpu.memory_space<hbm>>
      %dma_start3A_677 = tpu.memref_squeeze %dma_start3A_676 : memref<1x36xf32, #tpu.memory_space<hbm>> -> memref<36xf32, #tpu.memory_space<hbm>>
      tpu.enqueue_dma source(%dma_start3A_677 : memref<36xf32, #tpu.memory_space<hbm>>) target(%dma_start3A_674 : memref<36xf32, #tpu.memory_space<vmem>>) target_semaphore(%arg12 : memref<!tpu.dma_semaphore, #tpu.memory_space<semaphore_mem>>)
      %slice3A_678 = vector.extract_strided_slice %get3A_194 {offsets = [13], sizes = [1], strides = [1]} : vector<16xi32> to vector<1xi32>
      %squeeze3A_679 = vector.extract %slice3A_678[0] : i32 from vector<1xi32>
      %mul3A_680 = arith.constant 16 : i32
      %mul3A_681 = arith.muli %scan3A_181, %mul3A_680 : i32
      %add3A_682 = arith.constant 13 : i32
      %add3A_683 = arith.addi %mul3A_681, %add3A_682 : i32
      %dma_start3A_684 = arith.constant 0 : i32
      %dma_start3A_685 = tpu.memref_slice %arg10[%add3A_683, %dma_start3A_684] : memref<256x36xf32, #tpu.memory_space<vmem>> -> memref<1x36xf32, #tpu.memory_space<vmem>>
      %dma_start3A_686 = tpu.memref_squeeze %dma_start3A_685 : memref<1x36xf32, #tpu.memory_space<vmem>> -> memref<36xf32, #tpu.memory_space<vmem>>
      %dma_start3A_687 = arith.constant 0 : i32
      %dma_start3A_688 = tpu.memref_slice %arg2[%squeeze3A_679, %dma_start3A_687] : memref<1000000x36xf32, #tpu.memory_space<hbm>> -> memref<1x36xf32, #tpu.memory_space<hbm>>
      %dma_start3A_689 = tpu.memref_squeeze %dma_start3A_688 : memref<1x36xf32, #tpu.memory_space<hbm>> -> memref<36xf32, #tpu.memory_space<hbm>>
      %dma_start3A_690 = arith.constant 0 : i32
      %dma_start3A_691 = tpu.memref_slice %arg10[%add3A_683, %dma_start3A_690] : memref<256x36xf32, #tpu.memory_space<vmem>> -> memref<1x36xf32, #tpu.memory_space<vmem>>
      %dma_start3A_692 = tpu.memref_squeeze %dma_start3A_691 : memref<1x36xf32, #tpu.memory_space<vmem>> -> memref<36xf32, #tpu.memory_space<vmem>>
      %dma_start3A_693 = arith.constant 0 : i32
      %dma_start3A_694 = tpu.memref_slice %arg2[%squeeze3A_679, %dma_start3A_693] : memref<1000000x36xf32, #tpu.memory_space<hbm>> -> memref<1x36xf32, #tpu.memory_space<hbm>>
      %dma_start3A_695 = tpu.memref_squeeze %dma_start3A_694 : memref<1x36xf32, #tpu.memory_space<hbm>> -> memref<36xf32, #tpu.memory_space<hbm>>
      tpu.enqueue_dma source(%dma_start3A_695 : memref<36xf32, #tpu.memory_space<hbm>>) target(%dma_start3A_692 : memref<36xf32, #tpu.memory_space<vmem>>) target_semaphore(%arg16 : memref<!tpu.dma_semaphore, #tpu.memory_space<semaphore_mem>>)
      %slice3A_696 = vector.extract_strided_slice %get3A_187 {offsets = [14], sizes = [1], strides = [1]} : vector<16xi32> to vector<1xi32>
      %squeeze3A_697 = vector.extract %slice3A_696[0] : i32 from vector<1xi32>
      %mul3A_698 = arith.constant 16 : i32
      %mul3A_699 = arith.muli %scan3A_181, %mul3A_698 : i32
      %add3A_700 = arith.constant 14 : i32
      %add3A_701 = arith.addi %mul3A_699, %add3A_700 : i32
      %dma_start3A_702 = arith.constant 0 : i32
      %dma_start3A_703 = tpu.memref_slice %arg9[%add3A_701, %dma_start3A_702] : memref<256x36xf32, #tpu.memory_space<vmem>> -> memref<1x36xf32, #tpu.memory_space<vmem>>
      %dma_start3A_704 = tpu.memref_squeeze %dma_start3A_703 : memref<1x36xf32, #tpu.memory_space<vmem>> -> memref<36xf32, #tpu.memory_space<vmem>>
      %dma_start3A_705 = arith.constant 0 : i32
      %dma_start3A_706 = tpu.memref_slice %arg2[%squeeze3A_697, %dma_start3A_705] : memref<1000000x36xf32, #tpu.memory_space<hbm>> -> memref<1x36xf32, #tpu.memory_space<hbm>>
      %dma_start3A_707 = tpu.memref_squeeze %dma_start3A_706 : memref<1x36xf32, #tpu.memory_space<hbm>> -> memref<36xf32, #tpu.memory_space<hbm>>
      %dma_start3A_708 = arith.constant 0 : i32
      %dma_start3A_709 = tpu.memref_slice %arg9[%add3A_701, %dma_start3A_708] : memref<256x36xf32, #tpu.memory_space<vmem>> -> memref<1x36xf32, #tpu.memory_space<vmem>>
      %dma_start3A_710 = tpu.memref_squeeze %dma_start3A_709 : memref<1x36xf32, #tpu.memory_space<vmem>> -> memref<36xf32, #tpu.memory_space<vmem>>
      %dma_start3A_711 = arith.constant 0 : i32
      %dma_start3A_712 = tpu.memref_slice %arg2[%squeeze3A_697, %dma_start3A_711] : memref<1000000x36xf32, #tpu.memory_space<hbm>> -> memref<1x36xf32, #tpu.memory_space<hbm>>
      %dma_start3A_713 = tpu.memref_squeeze %dma_start3A_712 : memref<1x36xf32, #tpu.memory_space<hbm>> -> memref<36xf32, #tpu.memory_space<hbm>>
      tpu.enqueue_dma source(%dma_start3A_713 : memref<36xf32, #tpu.memory_space<hbm>>) target(%dma_start3A_710 : memref<36xf32, #tpu.memory_space<vmem>>) target_semaphore(%arg13 : memref<!tpu.dma_semaphore, #tpu.memory_space<semaphore_mem>>)
      %slice3A_714 = vector.extract_strided_slice %get3A_194 {offsets = [14], sizes = [1], strides = [1]} : vector<16xi32> to vector<1xi32>
      %squeeze3A_715 = vector.extract %slice3A_714[0] : i32 from vector<1xi32>
      %mul3A_716 = arith.constant 16 : i32
      %mul3A_717 = arith.muli %scan3A_181, %mul3A_716 : i32
      %add3A_718 = arith.constant 14 : i32
      %add3A_719 = arith.addi %mul3A_717, %add3A_718 : i32
      %dma_start3A_720 = arith.constant 0 : i32
      %dma_start3A_721 = tpu.memref_slice %arg10[%add3A_719, %dma_start3A_720] : memref<256x36xf32, #tpu.memory_space<vmem>> -> memref<1x36xf32, #tpu.memory_space<vmem>>
      %dma_start3A_722 = tpu.memref_squeeze %dma_start3A_721 : memref<1x36xf32, #tpu.memory_space<vmem>> -> memref<36xf32, #tpu.memory_space<vmem>>
      %dma_start3A_723 = arith.constant 0 : i32
      %dma_start3A_724 = tpu.memref_slice %arg2[%squeeze3A_715, %dma_start3A_723] : memref<1000000x36xf32, #tpu.memory_space<hbm>> -> memref<1x36xf32, #tpu.memory_space<hbm>>
      %dma_start3A_725 = tpu.memref_squeeze %dma_start3A_724 : memref<1x36xf32, #tpu.memory_space<hbm>> -> memref<36xf32, #tpu.memory_space<hbm>>
      %dma_start3A_726 = arith.constant 0 : i32
      %dma_start3A_727 = tpu.memref_slice %arg10[%add3A_719, %dma_start3A_726] : memref<256x36xf32, #tpu.memory_space<vmem>> -> memref<1x36xf32, #tpu.memory_space<vmem>>
      %dma_start3A_728 = tpu.memref_squeeze %dma_start3A_727 : memref<1x36xf32, #tpu.memory_space<vmem>> -> memref<36xf32, #tpu.memory_space<vmem>>
      %dma_start3A_729 = arith.constant 0 : i32
      %dma_start3A_730 = tpu.memref_slice %arg2[%squeeze3A_715, %dma_start3A_729] : memref<1000000x36xf32, #tpu.memory_space<hbm>> -> memref<1x36xf32, #tpu.memory_space<hbm>>
      %dma_start3A_731 = tpu.memref_squeeze %dma_start3A_730 : memref<1x36xf32, #tpu.memory_space<hbm>> -> memref<36xf32, #tpu.memory_space<hbm>>
      tpu.enqueue_dma source(%dma_start3A_731 : memref<36xf32, #tpu.memory_space<hbm>>) target(%dma_start3A_728 : memref<36xf32, #tpu.memory_space<vmem>>) target_semaphore(%arg17 : memref<!tpu.dma_semaphore, #tpu.memory_space<semaphore_mem>>)
      %slice3A_732 = vector.extract_strided_slice %get3A_187 {offsets = [15], sizes = [1], strides = [1]} : vector<16xi32> to vector<1xi32>
      %squeeze3A_733 = vector.extract %slice3A_732[0] : i32 from vector<1xi32>
      %mul3A_734 = arith.constant 16 : i32
      %mul3A_735 = arith.muli %scan3A_181, %mul3A_734 : i32
      %add3A_736 = arith.constant 15 : i32
      %add3A_737 = arith.addi %mul3A_735, %add3A_736 : i32
      %dma_start3A_738 = arith.constant 0 : i32
      %dma_start3A_739 = tpu.memref_slice %arg9[%add3A_737, %dma_start3A_738] : memref<256x36xf32, #tpu.memory_space<vmem>> -> memref<1x36xf32, #tpu.memory_space<vmem>>
      %dma_start3A_740 = tpu.memref_squeeze %dma_start3A_739 : memref<1x36xf32, #tpu.memory_space<vmem>> -> memref<36xf32, #tpu.memory_space<vmem>>
      %dma_start3A_741 = arith.constant 0 : i32
      %dma_start3A_742 = tpu.memref_slice %arg2[%squeeze3A_733, %dma_start3A_741] : memref<1000000x36xf32, #tpu.memory_space<hbm>> -> memref<1x36xf32, #tpu.memory_space<hbm>>
      %dma_start3A_743 = tpu.memref_squeeze %dma_start3A_742 : memref<1x36xf32, #tpu.memory_space<hbm>> -> memref<36xf32, #tpu.memory_space<hbm>>
      %dma_start3A_744 = arith.constant 0 : i32
      %dma_start3A_745 = tpu.memref_slice %arg9[%add3A_737, %dma_start3A_744] : memref<256x36xf32, #tpu.memory_space<vmem>> -> memref<1x36xf32, #tpu.memory_space<vmem>>
      %dma_start3A_746 = tpu.memref_squeeze %dma_start3A_745 : memref<1x36xf32, #tpu.memory_space<vmem>> -> memref<36xf32, #tpu.memory_space<vmem>>
      %dma_start3A_747 = arith.constant 0 : i32
      %dma_start3A_748 = tpu.memref_slice %arg2[%squeeze3A_733, %dma_start3A_747] : memref<1000000x36xf32, #tpu.memory_space<hbm>> -> memref<1x36xf32, #tpu.memory_space<hbm>>
      %dma_start3A_749 = tpu.memref_squeeze %dma_start3A_748 : memref<1x36xf32, #tpu.memory_space<hbm>> -> memref<36xf32, #tpu.memory_space<hbm>>
      tpu.enqueue_dma source(%dma_start3A_749 : memref<36xf32, #tpu.memory_space<hbm>>) target(%dma_start3A_746 : memref<36xf32, #tpu.memory_space<vmem>>) target_semaphore(%arg14 : memref<!tpu.dma_semaphore, #tpu.memory_space<semaphore_mem>>)
      %slice3A_750 = vector.extract_strided_slice %get3A_194 {offsets = [15], sizes = [1], strides = [1]} : vector<16xi32> to vector<1xi32>
      %squeeze3A_751 = vector.extract %slice3A_750[0] : i32 from vector<1xi32>
      %mul3A_752 = arith.constant 16 : i32
      %mul3A_753 = arith.muli %scan3A_181, %mul3A_752 : i32
      %add3A_754 = arith.constant 15 : i32
      %add3A_755 = arith.addi %mul3A_753, %add3A_754 : i32
      %dma_start3A_756 = arith.constant 0 : i32
      %dma_start3A_757 = tpu.memref_slice %arg10[%add3A_755, %dma_start3A_756] : memref<256x36xf32, #tpu.memory_space<vmem>> -> memref<1x36xf32, #tpu.memory_space<vmem>>
      %dma_start3A_758 = tpu.memref_squeeze %dma_start3A_757 : memref<1x36xf32, #tpu.memory_space<vmem>> -> memref<36xf32, #tpu.memory_space<vmem>>
      %dma_start3A_759 = arith.constant 0 : i32
      %dma_start3A_760 = tpu.memref_slice %arg2[%squeeze3A_751, %dma_start3A_759] : memref<1000000x36xf32, #tpu.memory_space<hbm>> -> memref<1x36xf32, #tpu.memory_space<hbm>>
      %dma_start3A_761 = tpu.memref_squeeze %dma_start3A_760 : memref<1x36xf32, #tpu.memory_space<hbm>> -> memref<36xf32, #tpu.memory_space<hbm>>
      %dma_start3A_762 = arith.constant 0 : i32
      %dma_start3A_763 = tpu.memref_slice %arg10[%add3A_755, %dma_start3A_762] : memref<256x36xf32, #tpu.memory_space<vmem>> -> memref<1x36xf32, #tpu.memory_space<vmem>>
      %dma_start3A_764 = tpu.memref_squeeze %dma_start3A_763 : memref<1x36xf32, #tpu.memory_space<vmem>> -> memref<36xf32, #tpu.memory_space<vmem>>
      %dma_start3A_765 = arith.constant 0 : i32
      %dma_start3A_766 = tpu.memref_slice %arg2[%squeeze3A_751, %dma_start3A_765] : memref<1000000x36xf32, #tpu.memory_space<hbm>> -> memref<1x36xf32, #tpu.memory_space<hbm>>
      %dma_start3A_767 = tpu.memref_squeeze %dma_start3A_766 : memref<1x36xf32, #tpu.memory_space<hbm>> -> memref<36xf32, #tpu.memory_space<hbm>>
      tpu.enqueue_dma source(%dma_start3A_767 : memref<36xf32, #tpu.memory_space<hbm>>) target(%dma_start3A_764 : memref<36xf32, #tpu.memory_space<vmem>>) target_semaphore(%arg18 : memref<!tpu.dma_semaphore, #tpu.memory_space<semaphore_mem>>)
    }
    %scan3A_96 = arith.constant 16 : i32
    %add3A_97 = arith.constant 256 : i32
    %add3A_98 = arith.addi %mul3A_2, %add3A_97 : i32
    %add3A_99 = arith.constant 256 : i32
    %add3A_100 = arith.addi %mul3A_2, %add3A_99 : i32
    %dma_wait3A_101 = arith.constant 0 : i32
    %dma_wait3A_102 = arith.constant 0 : i32
    %dma_wait3A_103 = tpu.memref_slice %arg9[%dma_wait3A_101, %dma_wait3A_102] : memref<256x36xf32, #tpu.memory_space<vmem>> -> memref<64x36xf32, #tpu.memory_space<vmem>>
    %dma_wait3A_104 = arith.constant 0 : i32
    %dma_wait3A_105 = tpu.memref_slice %arg5[%mul3A_2, %dma_wait3A_104] : memref<16384x36xf32, #tpu.memory_space<hbm>> -> memref<64x36xf32, #tpu.memory_space<hbm>>
    %dma_wait3A_106 = arith.constant 0 : i32
    %dma_wait3A_107 = arith.constant 0 : i32
    %dma_wait3A_108 = tpu.memref_slice %arg9[%dma_wait3A_106, %dma_wait3A_107] : memref<256x36xf32, #tpu.memory_space<vmem>> -> memref<64x36xf32, #tpu.memory_space<vmem>>
    %dma_wait3A_109 = arith.constant 0 : i32
    %dma_wait3A_110 = tpu.memref_slice %arg5[%mul3A_2, %dma_wait3A_109] : memref<16384x36xf32, #tpu.memory_space<hbm>> -> memref<64x36xf32, #tpu.memory_space<hbm>>
    tpu.wait_dma2 semaphore(%arg11 : memref<!tpu.dma_semaphore, #tpu.memory_space<semaphore_mem>>) src(%dma_wait3A_110 : memref<64x36xf32, #tpu.memory_space<hbm>>) dst(%dma_wait3A_108 : memref<64x36xf32, #tpu.memory_space<vmem>>)
    %dma_wait3A_111 = arith.constant 0 : i32
    %dma_wait3A_112 = arith.constant 0 : i32
    %dma_wait3A_113 = tpu.memref_slice %arg10[%dma_wait3A_111, %dma_wait3A_112] : memref<256x36xf32, #tpu.memory_space<vmem>> -> memref<64x36xf32, #tpu.memory_space<vmem>>
    %dma_wait3A_114 = arith.constant 0 : i32
    %dma_wait3A_115 = tpu.memref_slice %arg6[%mul3A_2, %dma_wait3A_114] : memref<16384x36xf32, #tpu.memory_space<hbm>> -> memref<64x36xf32, #tpu.memory_space<hbm>>
    %dma_wait3A_116 = arith.constant 0 : i32
    %dma_wait3A_117 = arith.constant 0 : i32
    %dma_wait3A_118 = tpu.memref_slice %arg10[%dma_wait3A_116, %dma_wait3A_117] : memref<256x36xf32, #tpu.memory_space<vmem>> -> memref<64x36xf32, #tpu.memory_space<vmem>>
    %dma_wait3A_119 = arith.constant 0 : i32
    %dma_wait3A_120 = tpu.memref_slice %arg6[%mul3A_2, %dma_wait3A_119] : memref<16384x36xf32, #tpu.memory_space<hbm>> -> memref<64x36xf32, #tpu.memory_space<hbm>>
    tpu.wait_dma2 semaphore(%arg15 : memref<!tpu.dma_semaphore, #tpu.memory_space<semaphore_mem>>) src(%dma_wait3A_120 : memref<64x36xf32, #tpu.memory_space<hbm>>) dst(%dma_wait3A_118 : memref<64x36xf32, #tpu.memory_space<vmem>>)
    %dma_wait3A_121 = arith.constant 0 : i32
    %dma_wait3A_122 = arith.constant 0 : i32
    %dma_wait3A_123 = tpu.memref_slice %arg9[%dma_wait3A_121, %dma_wait3A_122] : memref<256x36xf32, #tpu.memory_space<vmem>> -> memref<64x36xf32, #tpu.memory_space<vmem>>
    %dma_wait3A_124 = arith.constant 0 : i32
    %dma_wait3A_125 = tpu.memref_slice %arg5[%mul3A_2, %dma_wait3A_124] : memref<16384x36xf32, #tpu.memory_space<hbm>> -> memref<64x36xf32, #tpu.memory_space<hbm>>
    %dma_wait3A_126 = arith.constant 0 : i32
    %dma_wait3A_127 = arith.constant 0 : i32
    %dma_wait3A_128 = tpu.memref_slice %arg9[%dma_wait3A_126, %dma_wait3A_127] : memref<256x36xf32, #tpu.memory_space<vmem>> -> memref<64x36xf32, #tpu.memory_space<vmem>>
    %dma_wait3A_129 = arith.constant 0 : i32
    %dma_wait3A_130 = tpu.memref_slice %arg5[%mul3A_2, %dma_wait3A_129] : memref<16384x36xf32, #tpu.memory_space<hbm>> -> memref<64x36xf32, #tpu.memory_space<hbm>>
    tpu.wait_dma2 semaphore(%arg12 : memref<!tpu.dma_semaphore, #tpu.memory_space<semaphore_mem>>) src(%dma_wait3A_130 : memref<64x36xf32, #tpu.memory_space<hbm>>) dst(%dma_wait3A_128 : memref<64x36xf32, #tpu.memory_space<vmem>>)
    %dma_wait3A_131 = arith.constant 0 : i32
    %dma_wait3A_132 = arith.constant 0 : i32
    %dma_wait3A_133 = tpu.memref_slice %arg10[%dma_wait3A_131, %dma_wait3A_132] : memref<256x36xf32, #tpu.memory_space<vmem>> -> memref<64x36xf32, #tpu.memory_space<vmem>>
    %dma_wait3A_134 = arith.constant 0 : i32
    %dma_wait3A_135 = tpu.memref_slice %arg6[%mul3A_2, %dma_wait3A_134] : memref<16384x36xf32, #tpu.memory_space<hbm>> -> memref<64x36xf32, #tpu.memory_space<hbm>>
    %dma_wait3A_136 = arith.constant 0 : i32
    %dma_wait3A_137 = arith.constant 0 : i32
    %dma_wait3A_138 = tpu.memref_slice %arg10[%dma_wait3A_136, %dma_wait3A_137] : memref<256x36xf32, #tpu.memory_space<vmem>> -> memref<64x36xf32, #tpu.memory_space<vmem>>
    %dma_wait3A_139 = arith.constant 0 : i32
    %dma_wait3A_140 = tpu.memref_slice %arg6[%mul3A_2, %dma_wait3A_139] : memref<16384x36xf32, #tpu.memory_space<hbm>> -> memref<64x36xf32, #tpu.memory_space<hbm>>
    tpu.wait_dma2 semaphore(%arg16 : memref<!tpu.dma_semaphore, #tpu.memory_space<semaphore_mem>>) src(%dma_wait3A_140 : memref<64x36xf32, #tpu.memory_space<hbm>>) dst(%dma_wait3A_138 : memref<64x36xf32, #tpu.memory_space<vmem>>)
    %dma_wait3A_141 = arith.constant 0 : i32
    %dma_wait3A_142 = arith.constant 0 : i32
    %dma_wait3A_143 = tpu.memref_slice %arg9[%dma_wait3A_141, %dma_wait3A_142] : memref<256x36xf32, #tpu.memory_space<vmem>> -> memref<64x36xf32, #tpu.memory_space<vmem>>
    %dma_wait3A_144 = arith.constant 0 : i32
    %dma_wait3A_145 = tpu.memref_slice %arg5[%mul3A_2, %dma_wait3A_144] : memref<16384x36xf32, #tpu.memory_space<hbm>> -> memref<64x36xf32, #tpu.memory_space<hbm>>
    %dma_wait3A_146 = arith.constant 0 : i32
    %dma_wait3A_147 = arith.constant 0 : i32
    %dma_wait3A_148 = tpu.memref_slice %arg9[%dma_wait3A_146, %dma_wait3A_147] : memref<256x36xf32, #tpu.memory_space<vmem>> -> memref<64x36xf32, #tpu.memory_space<vmem>>
    %dma_wait3A_149 = arith.constant 0 : i32
    %dma_wait3A_150 = tpu.memref_slice %arg5[%mul3A_2, %dma_wait3A_149] : memref<16384x36xf32, #tpu.memory_space<hbm>> -> memref<64x36xf32, #tpu.memory_space<hbm>>
    tpu.wait_dma2 semaphore(%arg13 : memref<!tpu.dma_semaphore, #tpu.memory_space<semaphore_mem>>) src(%dma_wait3A_150 : memref<64x36xf32, #tpu.memory_space<hbm>>) dst(%dma_wait3A_148 : memref<64x36xf32, #tpu.memory_space<vmem>>)
    %dma_wait3A_151 = arith.constant 0 : i32
    %dma_wait3A_152 = arith.constant 0 : i32
    %dma_wait3A_153 = tpu.memref_slice %arg10[%dma_wait3A_151, %dma_wait3A_152] : memref<256x36xf32, #tpu.memory_space<vmem>> -> memref<64x36xf32, #tpu.memory_space<vmem>>
    %dma_wait3A_154 = arith.constant 0 : i32
    %dma_wait3A_155 = tpu.memref_slice %arg6[%mul3A_2, %dma_wait3A_154] : memref<16384x36xf32, #tpu.memory_space<hbm>> -> memref<64x36xf32, #tpu.memory_space<hbm>>
    %dma_wait3A_156 = arith.constant 0 : i32
    %dma_wait3A_157 = arith.constant 0 : i32
    %dma_wait3A_158 = tpu.memref_slice %arg10[%dma_wait3A_156, %dma_wait3A_157] : memref<256x36xf32, #tpu.memory_space<vmem>> -> memref<64x36xf32, #tpu.memory_space<vmem>>
    %dma_wait3A_159 = arith.constant 0 : i32
    %dma_wait3A_160 = tpu.memref_slice %arg6[%mul3A_2, %dma_wait3A_159] : memref<16384x36xf32, #tpu.memory_space<hbm>> -> memref<64x36xf32, #tpu.memory_space<hbm>>
    tpu.wait_dma2 semaphore(%arg17 : memref<!tpu.dma_semaphore, #tpu.memory_space<semaphore_mem>>) src(%dma_wait3A_160 : memref<64x36xf32, #tpu.memory_space<hbm>>) dst(%dma_wait3A_158 : memref<64x36xf32, #tpu.memory_space<vmem>>)
    %dma_wait3A_161 = arith.constant 0 : i32
    %dma_wait3A_162 = arith.constant 0 : i32
    %dma_wait3A_163 = tpu.memref_slice %arg9[%dma_wait3A_161, %dma_wait3A_162] : memref<256x36xf32, #tpu.memory_space<vmem>> -> memref<64x36xf32, #tpu.memory_space<vmem>>
    %dma_wait3A_164 = arith.constant 0 : i32
    %dma_wait3A_165 = tpu.memref_slice %arg5[%mul3A_2, %dma_wait3A_164] : memref<16384x36xf32, #tpu.memory_space<hbm>> -> memref<64x36xf32, #tpu.memory_space<hbm>>
    %dma_wait3A_166 = arith.constant 0 : i32
    %dma_wait3A_167 = arith.constant 0 : i32
    %dma_wait3A_168 = tpu.memref_slice %arg9[%dma_wait3A_166, %dma_wait3A_167] : memref<256x36xf32, #tpu.memory_space<vmem>> -> memref<64x36xf32, #tpu.memory_space<vmem>>
    %dma_wait3A_169 = arith.constant 0 : i32
    %dma_wait3A_170 = tpu.memref_slice %arg5[%mul3A_2, %dma_wait3A_169] : memref<16384x36xf32, #tpu.memory_space<hbm>> -> memref<64x36xf32, #tpu.memory_space<hbm>>
    tpu.wait_dma2 semaphore(%arg14 : memref<!tpu.dma_semaphore, #tpu.memory_space<semaphore_mem>>) src(%dma_wait3A_170 : memref<64x36xf32, #tpu.memory_space<hbm>>) dst(%dma_wait3A_168 : memref<64x36xf32, #tpu.memory_space<vmem>>)
    %dma_wait3A_171 = arith.constant 0 : i32
    %dma_wait3A_172 = arith.constant 0 : i32
    %dma_wait3A_173 = tpu.memref_slice %arg10[%dma_wait3A_171, %dma_wait3A_172] : memref<256x36xf32, #tpu.memory_space<vmem>> -> memref<64x36xf32, #tpu.memory_space<vmem>>
    %dma_wait3A_174 = arith.constant 0 : i32
    %dma_wait3A_175 = tpu.memref_slice %arg6[%mul3A_2, %dma_wait3A_174] : memref<16384x36xf32, #tpu.memory_space<hbm>> -> memref<64x36xf32, #tpu.memory_space<hbm>>
    %dma_wait3A_176 = arith.constant 0 : i32
    %dma_wait3A_177 = arith.constant 0 : i32
    %dma_wait3A_178 = tpu.memref_slice %arg10[%dma_wait3A_176, %dma_wait3A_177] : memref<256x36xf32, #tpu.memory_space<vmem>> -> memref<64x36xf32, #tpu.memory_space<vmem>>
    %dma_wait3A_179 = arith.constant 0 : i32
    %dma_wait3A_180 = tpu.memref_slice %arg6[%mul3A_2, %dma_wait3A_179] : memref<16384x36xf32, #tpu.memory_space<hbm>> -> memref<64x36xf32, #tpu.memory_space<hbm>>
    tpu.wait_dma2 semaphore(%arg18 : memref<!tpu.dma_semaphore, #tpu.memory_space<semaphore_mem>>) src(%dma_wait3A_180 : memref<64x36xf32, #tpu.memory_space<hbm>>) dst(%dma_wait3A_178 : memref<64x36xf32, #tpu.memory_space<vmem>>)
    "tpu.region"() ({
      %run_scoped3A = tpu.sem_alloc : memref<!tpu.dma_semaphore, #tpu.memory_space<semaphore_mem>>
      %dma_start3A = arith.constant 0 : i32
      %dma_start3A_181 = tpu.memref_slice %arg5[%add3A_98, %dma_start3A] : memref<16384x36xf32, #tpu.memory_space<hbm>> -> memref<256x36xf32, #tpu.memory_space<hbm>>
      %dma_start3A_182 = arith.constant 0 : i32
      %dma_start3A_183 = tpu.memref_slice %arg5[%add3A_98, %dma_start3A_182] : memref<16384x36xf32, #tpu.memory_space<hbm>> -> memref<256x36xf32, #tpu.memory_space<hbm>>
      tpu.enqueue_dma source(%arg9 : memref<256x36xf32, #tpu.memory_space<vmem>>) target(%dma_start3A_183 : memref<256x36xf32, #tpu.memory_space<hbm>>) target_semaphore(%run_scoped3A : memref<!tpu.dma_semaphore, #tpu.memory_space<semaphore_mem>>)
      %dma_wait3A_184 = arith.constant 0 : i32
      %dma_wait3A_185 = tpu.memref_slice %arg5[%add3A_98, %dma_wait3A_184] : memref<16384x36xf32, #tpu.memory_space<hbm>> -> memref<256x36xf32, #tpu.memory_space<hbm>>
      %dma_wait3A_186 = arith.constant 0 : i32
      %dma_wait3A_187 = tpu.memref_slice %arg5[%add3A_98, %dma_wait3A_186] : memref<16384x36xf32, #tpu.memory_space<hbm>> -> memref<256x36xf32, #tpu.memory_space<hbm>>
      tpu.wait_dma2 semaphore(%run_scoped3A : memref<!tpu.dma_semaphore, #tpu.memory_space<semaphore_mem>>) src(%arg9 : memref<256x36xf32, #tpu.memory_space<vmem>>) dst(%dma_wait3A_187 : memref<256x36xf32, #tpu.memory_space<hbm>>)
      tpu.yield
    }) : () -> ()
    "tpu.region"() ({
      %run_scoped3A = tpu.sem_alloc : memref<!tpu.dma_semaphore, #tpu.memory_space<semaphore_mem>>
      %dma_start3A = arith.constant 0 : i32
      %dma_start3A_181 = tpu.memref_slice %arg6[%add3A_100, %dma_start3A] : memref<16384x36xf32, #tpu.memory_space<hbm>> -> memref<256x36xf32, #tpu.memory_space<hbm>>
      %dma_start3A_182 = arith.constant 0 : i32
      %dma_start3A_183 = tpu.memref_slice %arg6[%add3A_100, %dma_start3A_182] : memref<16384x36xf32, #tpu.memory_space<hbm>> -> memref<256x36xf32, #tpu.memory_space<hbm>>
      tpu.enqueue_dma source(%arg10 : memref<256x36xf32, #tpu.memory_space<vmem>>) target(%dma_start3A_183 : memref<256x36xf32, #tpu.memory_space<hbm>>) target_semaphore(%run_scoped3A : memref<!tpu.dma_semaphore, #tpu.memory_space<semaphore_mem>>)
      %dma_wait3A_184 = arith.constant 0 : i32
      %dma_wait3A_185 = tpu.memref_slice %arg6[%add3A_100, %dma_wait3A_184] : memref<16384x36xf32, #tpu.memory_space<hbm>> -> memref<256x36xf32, #tpu.memory_space<hbm>>
      %dma_wait3A_186 = arith.constant 0 : i32
      %dma_wait3A_187 = tpu.memref_slice %arg6[%add3A_100, %dma_wait3A_186] : memref<16384x36xf32, #tpu.memory_space<hbm>> -> memref<256x36xf32, #tpu.memory_space<hbm>>
      tpu.wait_dma2 semaphore(%run_scoped3A : memref<!tpu.dma_semaphore, #tpu.memory_space<semaphore_mem>>) src(%arg10 : memref<256x36xf32, #tpu.memory_space<vmem>>) dst(%dma_wait3A_187 : memref<256x36xf32, #tpu.memory_space<hbm>>)
      tpu.yield
    }) : () -> ()
    return
  }
}

module attributes {stable_mosaic.version = 14 : i64} {
  func.func @_tc_body(%arg0: i32, %arg1: memref<1x1x256xi32, #tpu.memory_space<vmem>>, %arg2: memref<1x1x256xf32, #tpu.memory_space<vmem>>, %arg3: memref<1x1x256xf32, #tpu.memory_space<vmem>>, %arg4: memref<1x1x256xf32, #tpu.memory_space<vmem>>, %arg5: memref<1x1x256xf32, #tpu.memory_space<vmem>>, %arg6: memref<1x1x256xf32, #tpu.memory_space<vmem>>, %arg7: memref<1792x512xf32, #tpu.memory_space<vmem>>, %arg8: memref<1x1x256xf32, #tpu.memory_space<vmem>>) attributes {dimension_semantics = [#tpu.dimension_semantics<arbitrary>], iteration_bounds = array<i64: 64>, scalar_prefetch = 0 : i64, scratch_operands = 0 : i64, tpu.core_type = #tpu.core_type<tc>, window_params = [{transform_indices = @transform_0, window_bounds = array<i64: 1, 1, 256>}, {transform_indices = @transform_1, window_bounds = array<i64: 1, 1, 256>}, {transform_indices = @transform_2, window_bounds = array<i64: 1, 1, 256>}, {transform_indices = @transform_3, window_bounds = array<i64: 1, 1, 256>}, {transform_indices = @transform_4, window_bounds = array<i64: 1, 1, 256>}, {transform_indices = @transform_5, window_bounds = array<i64: 1, 1, 256>}, {pipeline_mode = #tpu.pipeline_mode<synchronous>, transform_indices = @transform_6, window_bounds = array<i64: 1792, 512>}, {transform_indices = @transform_7, window_bounds = array<i64: 1, 1, 256>}]} {
    %get3A = arith.constant 0 : index
    %get3A_0 = arith.constant 0 : index
    %get3A_1 = arith.constant 0 : index
    %get3A_2 = vector.load %arg1[%get3A, %get3A_0, %get3A_1] : memref<1x1x256xi32, #tpu.memory_space<vmem>>, vector<1x1x256xi32>
    %get3A_3 = vector.shape_cast %get3A_2 : vector<1x1x256xi32> to vector<256xi32>
    %iota3A = tpu.iota {dimensions = array<i32: 0>} : vector<512x256xi32>
    %broadcast_in_dim3A = vector.shape_cast %get3A_3 : vector<256xi32> to vector<1x256xi32>
    %eq3A = vector.broadcast %broadcast_in_dim3A : vector<1x256xi32> to vector<512x256xi32>
    %eq3A_4 = arith.cmpi eq, %iota3A, %eq3A : vector<512x256xi32>
    %convert_element_type3A = arith.extui %eq3A_4 : vector<512x256xi1> to vector<512x256xi32>
    %convert_element_type3A_5 = arith.sitofp %convert_element_type3A : vector<512x256xi32> to vector<512x256xf32>
    %get3A_6 = arith.constant 0 : index
    %get3A_7 = arith.constant 0 : index
    %get3A_8 = vector.load %arg7[%get3A_6, %get3A_7] : memref<1792x512xf32, #tpu.memory_space<vmem>>, vector<1792x512xf32>
    %dot_general3A = arith.constant dense<0.000000e+00> : vector<1792x256xf32>
    %dot_general3A_9 = tpu.matmul %get3A_8, %convert_element_type3A_5, %dot_general3A {dimension_numbers = #tpu.dot_dimension_numbers<[1], [0], [0], [1], [0, 0, 1, 1], [], []>, transpose_lhs_hint = false} : vector<1792x512xf32>, vector<512x256xf32>, vector<1792x256xf32> -> vector<1792x256xf32>
    %get3A_10 = arith.constant 0 : index
    %get3A_11 = arith.constant 0 : index
    %get3A_12 = arith.constant 0 : index
    %get3A_13 = vector.load %arg2[%get3A_10, %get3A_11, %get3A_12] : memref<1x1x256xf32, #tpu.memory_space<vmem>>, vector<1x1x256xf32>
    %get3A_14 = vector.shape_cast %get3A_13 : vector<1x1x256xf32> to vector<256xf32>
    %broadcast_in_dim3A_15 = vector.shape_cast %get3A_14 : vector<256xf32> to vector<1x256xf32>
    %get3A_16 = arith.constant 0 : index
    %get3A_17 = arith.constant 0 : index
    %get3A_18 = arith.constant 0 : index
    %get3A_19 = vector.load %arg3[%get3A_16, %get3A_17, %get3A_18] : memref<1x1x256xf32, #tpu.memory_space<vmem>>, vector<1x1x256xf32>
    %get3A_20 = vector.shape_cast %get3A_19 : vector<1x1x256xf32> to vector<256xf32>
    %broadcast_in_dim3A_21 = vector.shape_cast %get3A_20 : vector<256xf32> to vector<1x256xf32>
    %get3A_22 = arith.constant 0 : index
    %get3A_23 = arith.constant 0 : index
    %get3A_24 = arith.constant 0 : index
    %get3A_25 = vector.load %arg4[%get3A_22, %get3A_23, %get3A_24] : memref<1x1x256xf32, #tpu.memory_space<vmem>>, vector<1x1x256xf32>
    %get3A_26 = vector.shape_cast %get3A_25 : vector<1x1x256xf32> to vector<256xf32>
    %broadcast_in_dim3A_27 = vector.shape_cast %get3A_26 : vector<256xf32> to vector<1x256xf32>
    %get3A_28 = arith.constant 0 : index
    %get3A_29 = arith.constant 0 : index
    %get3A_30 = arith.constant 0 : index
    %get3A_31 = vector.load %arg5[%get3A_28, %get3A_29, %get3A_30] : memref<1x1x256xf32, #tpu.memory_space<vmem>>, vector<1x1x256xf32>
    %get3A_32 = vector.shape_cast %get3A_31 : vector<1x1x256xf32> to vector<256xf32>
    %broadcast_in_dim3A_33 = vector.shape_cast %get3A_32 : vector<256xf32> to vector<1x256xf32>
    %get3A_34 = arith.constant 0 : index
    %get3A_35 = arith.constant 0 : index
    %get3A_36 = arith.constant 0 : index
    %get3A_37 = vector.load %arg6[%get3A_34, %get3A_35, %get3A_36] : memref<1x1x256xf32, #tpu.memory_space<vmem>>, vector<1x1x256xf32>
    %get3A_38 = vector.shape_cast %get3A_37 : vector<1x1x256xf32> to vector<256xf32>
    %broadcast_in_dim3A_39 = vector.shape_cast %get3A_38 : vector<256xf32> to vector<1x256xf32>
    %slice3A = vector.extract_strided_slice %dot_general3A_9 {offsets = [0, 0], sizes = [64, 256], strides = [1, 1]} : vector<1792x256xf32> to vector<64x256xf32>
    %slice3A_40 = vector.extract_strided_slice %dot_general3A_9 {offsets = [64, 0], sizes = [64, 256], strides = [1, 1]} : vector<1792x256xf32> to vector<64x256xf32>
    %mul3A = vector.broadcast %broadcast_in_dim3A_15 : vector<1x256xf32> to vector<64x256xf32>
    %mul3A_41 = arith.mulf %slice3A_40, %mul3A : vector<64x256xf32>
    %slice3A_42 = vector.extract_strided_slice %dot_general3A_9 {offsets = [128, 0], sizes = [64, 256], strides = [1, 1]} : vector<1792x256xf32> to vector<64x256xf32>
    %add3A = arith.addf %mul3A_41, %slice3A_42 : vector<64x256xf32>
    %mul3A_43 = arith.mulf %add3A, %add3A : vector<64x256xf32>
    %mul3A_44 = arith.constant 1.44660867E-10 : f32
    %mul3A_45 = vector.broadcast %mul3A_44 : f32 to vector<64x256xf32>
    %mul3A_46 = arith.mulf %mul3A_45, %mul3A_43 : vector<64x256xf32>
    %add3A_47 = arith.constant -2.49174654E-8 : f32
    %add3A_48 = vector.broadcast %add3A_47 : f32 to vector<64x256xf32>
    %add3A_49 = arith.addf %mul3A_46, %add3A_48 : vector<64x256xf32>
    %mul3A_50 = arith.mulf %add3A_49, %mul3A_43 : vector<64x256xf32>
    %add3A_51 = arith.constant 2.755163E-6 : f32
    %add3A_52 = vector.broadcast %add3A_51 : f32 to vector<64x256xf32>
    %add3A_53 = arith.addf %mul3A_50, %add3A_52 : vector<64x256xf32>
    %mul3A_54 = arith.mulf %add3A_53, %mul3A_43 : vector<64x256xf32>
    %add3A_55 = arith.constant -1.98411464E-4 : f32
    %add3A_56 = vector.broadcast %add3A_55 : f32 to vector<64x256xf32>
    %add3A_57 = arith.addf %mul3A_54, %add3A_56 : vector<64x256xf32>
    %mul3A_58 = arith.mulf %add3A_57, %mul3A_43 : vector<64x256xf32>
    %add3A_59 = arith.constant 0.00833333191 : f32
    %add3A_60 = vector.broadcast %add3A_59 : f32 to vector<64x256xf32>
    %add3A_61 = arith.addf %mul3A_58, %add3A_60 : vector<64x256xf32>
    %mul3A_62 = arith.mulf %add3A_61, %mul3A_43 : vector<64x256xf32>
    %add3A_63 = arith.constant -0.166666672 : f32
    %add3A_64 = vector.broadcast %add3A_63 : f32 to vector<64x256xf32>
    %add3A_65 = arith.addf %mul3A_62, %add3A_64 : vector<64x256xf32>
    %mul3A_66 = arith.mulf %add3A_65, %mul3A_43 : vector<64x256xf32>
    %add3A_67 = arith.constant 1.000000e+00 : f32
    %add3A_68 = vector.broadcast %add3A_67 : f32 to vector<64x256xf32>
    %add3A_69 = arith.addf %mul3A_66, %add3A_68 : vector<64x256xf32>
    %mul3A_70 = arith.mulf %add3A, %add3A_69 : vector<64x256xf32>
    %mul3A_71 = arith.mulf %slice3A, %mul3A_70 : vector<64x256xf32>
    %slice3A_72 = vector.extract_strided_slice %dot_general3A_9 {offsets = [192, 0], sizes = [64, 256], strides = [1, 1]} : vector<1792x256xf32> to vector<64x256xf32>
    %slice3A_73 = vector.extract_strided_slice %dot_general3A_9 {offsets = [64, 0], sizes = [64, 256], strides = [1, 1]} : vector<1792x256xf32> to vector<64x256xf32>
    %mul3A_74 = vector.broadcast %broadcast_in_dim3A_21 : vector<1x256xf32> to vector<64x256xf32>
    %mul3A_75 = arith.mulf %slice3A_73, %mul3A_74 : vector<64x256xf32>
    %slice3A_76 = vector.extract_strided_slice %dot_general3A_9 {offsets = [256, 0], sizes = [64, 256], strides = [1, 1]} : vector<1792x256xf32> to vector<64x256xf32>
    %add3A_77 = arith.addf %mul3A_75, %slice3A_76 : vector<64x256xf32>
    %mul3A_78 = arith.mulf %add3A_77, %add3A_77 : vector<64x256xf32>
    %mul3A_79 = arith.constant 1.44660867E-10 : f32
    %mul3A_80 = vector.broadcast %mul3A_79 : f32 to vector<64x256xf32>
    %mul3A_81 = arith.mulf %mul3A_80, %mul3A_78 : vector<64x256xf32>
    %add3A_82 = arith.constant -2.49174654E-8 : f32
    %add3A_83 = vector.broadcast %add3A_82 : f32 to vector<64x256xf32>
    %add3A_84 = arith.addf %mul3A_81, %add3A_83 : vector<64x256xf32>
    %mul3A_85 = arith.mulf %add3A_84, %mul3A_78 : vector<64x256xf32>
    %add3A_86 = arith.constant 2.755163E-6 : f32
    %add3A_87 = vector.broadcast %add3A_86 : f32 to vector<64x256xf32>
    %add3A_88 = arith.addf %mul3A_85, %add3A_87 : vector<64x256xf32>
    %mul3A_89 = arith.mulf %add3A_88, %mul3A_78 : vector<64x256xf32>
    %add3A_90 = arith.constant -1.98411464E-4 : f32
    %add3A_91 = vector.broadcast %add3A_90 : f32 to vector<64x256xf32>
    %add3A_92 = arith.addf %mul3A_89, %add3A_91 : vector<64x256xf32>
    %mul3A_93 = arith.mulf %add3A_92, %mul3A_78 : vector<64x256xf32>
    %add3A_94 = arith.constant 0.00833333191 : f32
    %add3A_95 = vector.broadcast %add3A_94 : f32 to vector<64x256xf32>
    %add3A_96 = arith.addf %mul3A_93, %add3A_95 : vector<64x256xf32>
    %mul3A_97 = arith.mulf %add3A_96, %mul3A_78 : vector<64x256xf32>
    %add3A_98 = arith.constant -0.166666672 : f32
    %add3A_99 = vector.broadcast %add3A_98 : f32 to vector<64x256xf32>
    %add3A_100 = arith.addf %mul3A_97, %add3A_99 : vector<64x256xf32>
    %mul3A_101 = arith.mulf %add3A_100, %mul3A_78 : vector<64x256xf32>
    %add3A_102 = arith.constant 1.000000e+00 : f32
    %add3A_103 = vector.broadcast %add3A_102 : f32 to vector<64x256xf32>
    %add3A_104 = arith.addf %mul3A_101, %add3A_103 : vector<64x256xf32>
    %mul3A_105 = arith.mulf %add3A_77, %add3A_104 : vector<64x256xf32>
    %mul3A_106 = arith.mulf %slice3A_72, %mul3A_105 : vector<64x256xf32>
    %add3A_107 = arith.addf %mul3A_71, %mul3A_106 : vector<64x256xf32>
    %slice3A_108 = vector.extract_strided_slice %dot_general3A_9 {offsets = [320, 0], sizes = [64, 256], strides = [1, 1]} : vector<1792x256xf32> to vector<64x256xf32>
    %slice3A_109 = vector.extract_strided_slice %dot_general3A_9 {offsets = [384, 0], sizes = [64, 256], strides = [1, 1]} : vector<1792x256xf32> to vector<64x256xf32>
    %mul3A_110 = vector.broadcast %broadcast_in_dim3A_27 : vector<1x256xf32> to vector<64x256xf32>
    %mul3A_111 = arith.mulf %slice3A_109, %mul3A_110 : vector<64x256xf32>
    %slice3A_112 = vector.extract_strided_slice %dot_general3A_9 {offsets = [448, 0], sizes = [64, 256], strides = [1, 1]} : vector<1792x256xf32> to vector<64x256xf32>
    %add3A_113 = arith.addf %mul3A_111, %slice3A_112 : vector<64x256xf32>
    %mul3A_114 = arith.mulf %add3A_113, %add3A_113 : vector<64x256xf32>
    %mul3A_115 = arith.constant 1.44660867E-10 : f32
    %mul3A_116 = vector.broadcast %mul3A_115 : f32 to vector<64x256xf32>
    %mul3A_117 = arith.mulf %mul3A_116, %mul3A_114 : vector<64x256xf32>
    %add3A_118 = arith.constant -2.49174654E-8 : f32
    %add3A_119 = vector.broadcast %add3A_118 : f32 to vector<64x256xf32>
    %add3A_120 = arith.addf %mul3A_117, %add3A_119 : vector<64x256xf32>
    %mul3A_121 = arith.mulf %add3A_120, %mul3A_114 : vector<64x256xf32>
    %add3A_122 = arith.constant 2.755163E-6 : f32
    %add3A_123 = vector.broadcast %add3A_122 : f32 to vector<64x256xf32>
    %add3A_124 = arith.addf %mul3A_121, %add3A_123 : vector<64x256xf32>
    %mul3A_125 = arith.mulf %add3A_124, %mul3A_114 : vector<64x256xf32>
    %add3A_126 = arith.constant -1.98411464E-4 : f32
    %add3A_127 = vector.broadcast %add3A_126 : f32 to vector<64x256xf32>
    %add3A_128 = arith.addf %mul3A_125, %add3A_127 : vector<64x256xf32>
    %mul3A_129 = arith.mulf %add3A_128, %mul3A_114 : vector<64x256xf32>
    %add3A_130 = arith.constant 0.00833333191 : f32
    %add3A_131 = vector.broadcast %add3A_130 : f32 to vector<64x256xf32>
    %add3A_132 = arith.addf %mul3A_129, %add3A_131 : vector<64x256xf32>
    %mul3A_133 = arith.mulf %add3A_132, %mul3A_114 : vector<64x256xf32>
    %add3A_134 = arith.constant -0.166666672 : f32
    %add3A_135 = vector.broadcast %add3A_134 : f32 to vector<64x256xf32>
    %add3A_136 = arith.addf %mul3A_133, %add3A_135 : vector<64x256xf32>
    %mul3A_137 = arith.mulf %add3A_136, %mul3A_114 : vector<64x256xf32>
    %add3A_138 = arith.constant 1.000000e+00 : f32
    %add3A_139 = vector.broadcast %add3A_138 : f32 to vector<64x256xf32>
    %add3A_140 = arith.addf %mul3A_137, %add3A_139 : vector<64x256xf32>
    %mul3A_141 = arith.mulf %add3A_113, %add3A_140 : vector<64x256xf32>
    %mul3A_142 = arith.mulf %slice3A_108, %mul3A_141 : vector<64x256xf32>
    %add3A_143 = arith.addf %add3A_107, %mul3A_142 : vector<64x256xf32>
    %slice3A_144 = vector.extract_strided_slice %dot_general3A_9 {offsets = [512, 0], sizes = [64, 256], strides = [1, 1]} : vector<1792x256xf32> to vector<64x256xf32>
    %slice3A_145 = vector.extract_strided_slice %dot_general3A_9 {offsets = [576, 0], sizes = [64, 256], strides = [1, 1]} : vector<1792x256xf32> to vector<64x256xf32>
    %mul3A_146 = vector.broadcast %broadcast_in_dim3A_33 : vector<1x256xf32> to vector<64x256xf32>
    %mul3A_147 = arith.mulf %slice3A_145, %mul3A_146 : vector<64x256xf32>
    %slice3A_148 = vector.extract_strided_slice %dot_general3A_9 {offsets = [640, 0], sizes = [64, 256], strides = [1, 1]} : vector<1792x256xf32> to vector<64x256xf32>
    %add3A_149 = arith.addf %mul3A_147, %slice3A_148 : vector<64x256xf32>
    %mul3A_150 = arith.mulf %add3A_149, %add3A_149 : vector<64x256xf32>
    %mul3A_151 = arith.constant 1.44660867E-10 : f32
    %mul3A_152 = vector.broadcast %mul3A_151 : f32 to vector<64x256xf32>
    %mul3A_153 = arith.mulf %mul3A_152, %mul3A_150 : vector<64x256xf32>
    %add3A_154 = arith.constant -2.49174654E-8 : f32
    %add3A_155 = vector.broadcast %add3A_154 : f32 to vector<64x256xf32>
    %add3A_156 = arith.addf %mul3A_153, %add3A_155 : vector<64x256xf32>
    %mul3A_157 = arith.mulf %add3A_156, %mul3A_150 : vector<64x256xf32>
    %add3A_158 = arith.constant 2.755163E-6 : f32
    %add3A_159 = vector.broadcast %add3A_158 : f32 to vector<64x256xf32>
    %add3A_160 = arith.addf %mul3A_157, %add3A_159 : vector<64x256xf32>
    %mul3A_161 = arith.mulf %add3A_160, %mul3A_150 : vector<64x256xf32>
    %add3A_162 = arith.constant -1.98411464E-4 : f32
    %add3A_163 = vector.broadcast %add3A_162 : f32 to vector<64x256xf32>
    %add3A_164 = arith.addf %mul3A_161, %add3A_163 : vector<64x256xf32>
    %mul3A_165 = arith.mulf %add3A_164, %mul3A_150 : vector<64x256xf32>
    %add3A_166 = arith.constant 0.00833333191 : f32
    %add3A_167 = vector.broadcast %add3A_166 : f32 to vector<64x256xf32>
    %add3A_168 = arith.addf %mul3A_165, %add3A_167 : vector<64x256xf32>
    %mul3A_169 = arith.mulf %add3A_168, %mul3A_150 : vector<64x256xf32>
    %add3A_170 = arith.constant -0.166666672 : f32
    %add3A_171 = vector.broadcast %add3A_170 : f32 to vector<64x256xf32>
    %add3A_172 = arith.addf %mul3A_169, %add3A_171 : vector<64x256xf32>
    %mul3A_173 = arith.mulf %add3A_172, %mul3A_150 : vector<64x256xf32>
    %add3A_174 = arith.constant 1.000000e+00 : f32
    %add3A_175 = vector.broadcast %add3A_174 : f32 to vector<64x256xf32>
    %add3A_176 = arith.addf %mul3A_173, %add3A_175 : vector<64x256xf32>
    %mul3A_177 = arith.mulf %add3A_149, %add3A_176 : vector<64x256xf32>
    %mul3A_178 = arith.mulf %slice3A_144, %mul3A_177 : vector<64x256xf32>
    %add3A_179 = arith.addf %add3A_143, %mul3A_178 : vector<64x256xf32>
    %slice3A_180 = vector.extract_strided_slice %dot_general3A_9 {offsets = [704, 0], sizes = [64, 256], strides = [1, 1]} : vector<1792x256xf32> to vector<64x256xf32>
    %slice3A_181 = vector.extract_strided_slice %dot_general3A_9 {offsets = [768, 0], sizes = [64, 256], strides = [1, 1]} : vector<1792x256xf32> to vector<64x256xf32>
    %mul3A_182 = vector.broadcast %broadcast_in_dim3A_39 : vector<1x256xf32> to vector<64x256xf32>
    %mul3A_183 = arith.mulf %slice3A_181, %mul3A_182 : vector<64x256xf32>
    %slice3A_184 = vector.extract_strided_slice %dot_general3A_9 {offsets = [832, 0], sizes = [64, 256], strides = [1, 1]} : vector<1792x256xf32> to vector<64x256xf32>
    %add3A_185 = arith.addf %mul3A_183, %slice3A_184 : vector<64x256xf32>
    %mul3A_186 = arith.mulf %add3A_185, %add3A_185 : vector<64x256xf32>
    %mul3A_187 = arith.constant 1.44660867E-10 : f32
    %mul3A_188 = vector.broadcast %mul3A_187 : f32 to vector<64x256xf32>
    %mul3A_189 = arith.mulf %mul3A_188, %mul3A_186 : vector<64x256xf32>
    %add3A_190 = arith.constant -2.49174654E-8 : f32
    %add3A_191 = vector.broadcast %add3A_190 : f32 to vector<64x256xf32>
    %add3A_192 = arith.addf %mul3A_189, %add3A_191 : vector<64x256xf32>
    %mul3A_193 = arith.mulf %add3A_192, %mul3A_186 : vector<64x256xf32>
    %add3A_194 = arith.constant 2.755163E-6 : f32
    %add3A_195 = vector.broadcast %add3A_194 : f32 to vector<64x256xf32>
    %add3A_196 = arith.addf %mul3A_193, %add3A_195 : vector<64x256xf32>
    %mul3A_197 = arith.mulf %add3A_196, %mul3A_186 : vector<64x256xf32>
    %add3A_198 = arith.constant -1.98411464E-4 : f32
    %add3A_199 = vector.broadcast %add3A_198 : f32 to vector<64x256xf32>
    %add3A_200 = arith.addf %mul3A_197, %add3A_199 : vector<64x256xf32>
    %mul3A_201 = arith.mulf %add3A_200, %mul3A_186 : vector<64x256xf32>
    %add3A_202 = arith.constant 0.00833333191 : f32
    %add3A_203 = vector.broadcast %add3A_202 : f32 to vector<64x256xf32>
    %add3A_204 = arith.addf %mul3A_201, %add3A_203 : vector<64x256xf32>
    %mul3A_205 = arith.mulf %add3A_204, %mul3A_186 : vector<64x256xf32>
    %add3A_206 = arith.constant -0.166666672 : f32
    %add3A_207 = vector.broadcast %add3A_206 : f32 to vector<64x256xf32>
    %add3A_208 = arith.addf %mul3A_205, %add3A_207 : vector<64x256xf32>
    %mul3A_209 = arith.mulf %add3A_208, %mul3A_186 : vector<64x256xf32>
    %add3A_210 = arith.constant 1.000000e+00 : f32
    %add3A_211 = vector.broadcast %add3A_210 : f32 to vector<64x256xf32>
    %add3A_212 = arith.addf %mul3A_209, %add3A_211 : vector<64x256xf32>
    %mul3A_213 = arith.mulf %add3A_185, %add3A_212 : vector<64x256xf32>
    %mul3A_214 = arith.mulf %slice3A_180, %mul3A_213 : vector<64x256xf32>
    %add3A_215 = arith.addf %add3A_179, %mul3A_214 : vector<64x256xf32>
    %slice3A_216 = vector.extract_strided_slice %dot_general3A_9 {offsets = [896, 0], sizes = [64, 256], strides = [1, 1]} : vector<1792x256xf32> to vector<64x256xf32>
    %slice3A_217 = vector.extract_strided_slice %dot_general3A_9 {offsets = [960, 0], sizes = [64, 256], strides = [1, 1]} : vector<1792x256xf32> to vector<64x256xf32>
    %mul3A_218 = vector.broadcast %broadcast_in_dim3A_15 : vector<1x256xf32> to vector<64x256xf32>
    %mul3A_219 = arith.mulf %slice3A_217, %mul3A_218 : vector<64x256xf32>
    %slice3A_220 = vector.extract_strided_slice %dot_general3A_9 {offsets = [1024, 0], sizes = [64, 256], strides = [1, 1]} : vector<1792x256xf32> to vector<64x256xf32>
    %add3A_221 = arith.addf %mul3A_219, %slice3A_220 : vector<64x256xf32>
    %mul3A_222 = arith.mulf %add3A_221, %add3A_221 : vector<64x256xf32>
    %mul3A_223 = arith.constant 1.85028104E-9 : f32
    %mul3A_224 = vector.broadcast %mul3A_223 : f32 to vector<64x256xf32>
    %mul3A_225 = arith.mulf %mul3A_224, %mul3A_222 : vector<64x256xf32>
    %add3A_226 = arith.constant -2.73571175E-7 : f32
    %add3A_227 = vector.broadcast %add3A_226 : f32 to vector<64x256xf32>
    %add3A_228 = arith.addf %mul3A_225, %add3A_227 : vector<64x256xf32>
    %mul3A_229 = arith.mulf %add3A_228, %mul3A_222 : vector<64x256xf32>
    %add3A_230 = arith.constant 2.47931366E-5 : f32
    %add3A_231 = vector.broadcast %add3A_230 : f32 to vector<64x256xf32>
    %add3A_232 = arith.addf %mul3A_229, %add3A_231 : vector<64x256xf32>
    %mul3A_233 = arith.mulf %add3A_232, %mul3A_222 : vector<64x256xf32>
    %add3A_234 = arith.constant -0.00138887053 : f32
    %add3A_235 = vector.broadcast %add3A_234 : f32 to vector<64x256xf32>
    %add3A_236 = arith.addf %mul3A_233, %add3A_235 : vector<64x256xf32>
    %mul3A_237 = arith.mulf %add3A_236, %mul3A_222 : vector<64x256xf32>
    %add3A_238 = arith.constant 0.0416666493 : f32
    %add3A_239 = vector.broadcast %add3A_238 : f32 to vector<64x256xf32>
    %add3A_240 = arith.addf %mul3A_237, %add3A_239 : vector<64x256xf32>
    %mul3A_241 = arith.mulf %add3A_240, %mul3A_222 : vector<64x256xf32>
    %add3A_242 = arith.constant -5.000000e-01 : f32
    %add3A_243 = vector.broadcast %add3A_242 : f32 to vector<64x256xf32>
    %add3A_244 = arith.addf %mul3A_241, %add3A_243 : vector<64x256xf32>
    %mul3A_245 = arith.mulf %add3A_244, %mul3A_222 : vector<64x256xf32>
    %add3A_246 = arith.constant 1.000000e+00 : f32
    %add3A_247 = vector.broadcast %add3A_246 : f32 to vector<64x256xf32>
    %add3A_248 = arith.addf %mul3A_245, %add3A_247 : vector<64x256xf32>
    %mul3A_249 = arith.mulf %slice3A_216, %add3A_248 : vector<64x256xf32>
    %add3A_250 = arith.addf %add3A_215, %mul3A_249 : vector<64x256xf32>
    %slice3A_251 = vector.extract_strided_slice %dot_general3A_9 {offsets = [1088, 0], sizes = [64, 256], strides = [1, 1]} : vector<1792x256xf32> to vector<64x256xf32>
    %slice3A_252 = vector.extract_strided_slice %dot_general3A_9 {offsets = [960, 0], sizes = [64, 256], strides = [1, 1]} : vector<1792x256xf32> to vector<64x256xf32>
    %mul3A_253 = vector.broadcast %broadcast_in_dim3A_21 : vector<1x256xf32> to vector<64x256xf32>
    %mul3A_254 = arith.mulf %slice3A_252, %mul3A_253 : vector<64x256xf32>
    %slice3A_255 = vector.extract_strided_slice %dot_general3A_9 {offsets = [1152, 0], sizes = [64, 256], strides = [1, 1]} : vector<1792x256xf32> to vector<64x256xf32>
    %add3A_256 = arith.addf %mul3A_254, %slice3A_255 : vector<64x256xf32>
    %mul3A_257 = arith.mulf %add3A_256, %add3A_256 : vector<64x256xf32>
    %mul3A_258 = arith.constant 1.85028104E-9 : f32
    %mul3A_259 = vector.broadcast %mul3A_258 : f32 to vector<64x256xf32>
    %mul3A_260 = arith.mulf %mul3A_259, %mul3A_257 : vector<64x256xf32>
    %add3A_261 = arith.constant -2.73571175E-7 : f32
    %add3A_262 = vector.broadcast %add3A_261 : f32 to vector<64x256xf32>
    %add3A_263 = arith.addf %mul3A_260, %add3A_262 : vector<64x256xf32>
    %mul3A_264 = arith.mulf %add3A_263, %mul3A_257 : vector<64x256xf32>
    %add3A_265 = arith.constant 2.47931366E-5 : f32
    %add3A_266 = vector.broadcast %add3A_265 : f32 to vector<64x256xf32>
    %add3A_267 = arith.addf %mul3A_264, %add3A_266 : vector<64x256xf32>
    %mul3A_268 = arith.mulf %add3A_267, %mul3A_257 : vector<64x256xf32>
    %add3A_269 = arith.constant -0.00138887053 : f32
    %add3A_270 = vector.broadcast %add3A_269 : f32 to vector<64x256xf32>
    %add3A_271 = arith.addf %mul3A_268, %add3A_270 : vector<64x256xf32>
    %mul3A_272 = arith.mulf %add3A_271, %mul3A_257 : vector<64x256xf32>
    %add3A_273 = arith.constant 0.0416666493 : f32
    %add3A_274 = vector.broadcast %add3A_273 : f32 to vector<64x256xf32>
    %add3A_275 = arith.addf %mul3A_272, %add3A_274 : vector<64x256xf32>
    %mul3A_276 = arith.mulf %add3A_275, %mul3A_257 : vector<64x256xf32>
    %add3A_277 = arith.constant -5.000000e-01 : f32
    %add3A_278 = vector.broadcast %add3A_277 : f32 to vector<64x256xf32>
    %add3A_279 = arith.addf %mul3A_276, %add3A_278 : vector<64x256xf32>
    %mul3A_280 = arith.mulf %add3A_279, %mul3A_257 : vector<64x256xf32>
    %add3A_281 = arith.constant 1.000000e+00 : f32
    %add3A_282 = vector.broadcast %add3A_281 : f32 to vector<64x256xf32>
    %add3A_283 = arith.addf %mul3A_280, %add3A_282 : vector<64x256xf32>
    %mul3A_284 = arith.mulf %slice3A_251, %add3A_283 : vector<64x256xf32>
    %add3A_285 = arith.addf %add3A_250, %mul3A_284 : vector<64x256xf32>
    %slice3A_286 = vector.extract_strided_slice %dot_general3A_9 {offsets = [1216, 0], sizes = [64, 256], strides = [1, 1]} : vector<1792x256xf32> to vector<64x256xf32>
    %slice3A_287 = vector.extract_strided_slice %dot_general3A_9 {offsets = [1280, 0], sizes = [64, 256], strides = [1, 1]} : vector<1792x256xf32> to vector<64x256xf32>
    %mul3A_288 = vector.broadcast %broadcast_in_dim3A_27 : vector<1x256xf32> to vector<64x256xf32>
    %mul3A_289 = arith.mulf %slice3A_287, %mul3A_288 : vector<64x256xf32>
    %slice3A_290 = vector.extract_strided_slice %dot_general3A_9 {offsets = [1344, 0], sizes = [64, 256], strides = [1, 1]} : vector<1792x256xf32> to vector<64x256xf32>
    %add3A_291 = arith.addf %mul3A_289, %slice3A_290 : vector<64x256xf32>
    %mul3A_292 = arith.mulf %add3A_291, %add3A_291 : vector<64x256xf32>
    %mul3A_293 = arith.constant 1.85028104E-9 : f32
    %mul3A_294 = vector.broadcast %mul3A_293 : f32 to vector<64x256xf32>
    %mul3A_295 = arith.mulf %mul3A_294, %mul3A_292 : vector<64x256xf32>
    %add3A_296 = arith.constant -2.73571175E-7 : f32
    %add3A_297 = vector.broadcast %add3A_296 : f32 to vector<64x256xf32>
    %add3A_298 = arith.addf %mul3A_295, %add3A_297 : vector<64x256xf32>
    %mul3A_299 = arith.mulf %add3A_298, %mul3A_292 : vector<64x256xf32>
    %add3A_300 = arith.constant 2.47931366E-5 : f32
    %add3A_301 = vector.broadcast %add3A_300 : f32 to vector<64x256xf32>
    %add3A_302 = arith.addf %mul3A_299, %add3A_301 : vector<64x256xf32>
    %mul3A_303 = arith.mulf %add3A_302, %mul3A_292 : vector<64x256xf32>
    %add3A_304 = arith.constant -0.00138887053 : f32
    %add3A_305 = vector.broadcast %add3A_304 : f32 to vector<64x256xf32>
    %add3A_306 = arith.addf %mul3A_303, %add3A_305 : vector<64x256xf32>
    %mul3A_307 = arith.mulf %add3A_306, %mul3A_292 : vector<64x256xf32>
    %add3A_308 = arith.constant 0.0416666493 : f32
    %add3A_309 = vector.broadcast %add3A_308 : f32 to vector<64x256xf32>
    %add3A_310 = arith.addf %mul3A_307, %add3A_309 : vector<64x256xf32>
    %mul3A_311 = arith.mulf %add3A_310, %mul3A_292 : vector<64x256xf32>
    %add3A_312 = arith.constant -5.000000e-01 : f32
    %add3A_313 = vector.broadcast %add3A_312 : f32 to vector<64x256xf32>
    %add3A_314 = arith.addf %mul3A_311, %add3A_313 : vector<64x256xf32>
    %mul3A_315 = arith.mulf %add3A_314, %mul3A_292 : vector<64x256xf32>
    %add3A_316 = arith.constant 1.000000e+00 : f32
    %add3A_317 = vector.broadcast %add3A_316 : f32 to vector<64x256xf32>
    %add3A_318 = arith.addf %mul3A_315, %add3A_317 : vector<64x256xf32>
    %mul3A_319 = arith.mulf %slice3A_286, %add3A_318 : vector<64x256xf32>
    %add3A_320 = arith.addf %add3A_285, %mul3A_319 : vector<64x256xf32>
    %slice3A_321 = vector.extract_strided_slice %dot_general3A_9 {offsets = [1408, 0], sizes = [64, 256], strides = [1, 1]} : vector<1792x256xf32> to vector<64x256xf32>
    %slice3A_322 = vector.extract_strided_slice %dot_general3A_9 {offsets = [1472, 0], sizes = [64, 256], strides = [1, 1]} : vector<1792x256xf32> to vector<64x256xf32>
    %mul3A_323 = vector.broadcast %broadcast_in_dim3A_33 : vector<1x256xf32> to vector<64x256xf32>
    %mul3A_324 = arith.mulf %slice3A_322, %mul3A_323 : vector<64x256xf32>
    %slice3A_325 = vector.extract_strided_slice %dot_general3A_9 {offsets = [1536, 0], sizes = [64, 256], strides = [1, 1]} : vector<1792x256xf32> to vector<64x256xf32>
    %add3A_326 = arith.addf %mul3A_324, %slice3A_325 : vector<64x256xf32>
    %mul3A_327 = arith.mulf %add3A_326, %add3A_326 : vector<64x256xf32>
    %mul3A_328 = arith.constant 1.85028104E-9 : f32
    %mul3A_329 = vector.broadcast %mul3A_328 : f32 to vector<64x256xf32>
    %mul3A_330 = arith.mulf %mul3A_329, %mul3A_327 : vector<64x256xf32>
    %add3A_331 = arith.constant -2.73571175E-7 : f32
    %add3A_332 = vector.broadcast %add3A_331 : f32 to vector<64x256xf32>
    %add3A_333 = arith.addf %mul3A_330, %add3A_332 : vector<64x256xf32>
    %mul3A_334 = arith.mulf %add3A_333, %mul3A_327 : vector<64x256xf32>
    %add3A_335 = arith.constant 2.47931366E-5 : f32
    %add3A_336 = vector.broadcast %add3A_335 : f32 to vector<64x256xf32>
    %add3A_337 = arith.addf %mul3A_334, %add3A_336 : vector<64x256xf32>
    %mul3A_338 = arith.mulf %add3A_337, %mul3A_327 : vector<64x256xf32>
    %add3A_339 = arith.constant -0.00138887053 : f32
    %add3A_340 = vector.broadcast %add3A_339 : f32 to vector<64x256xf32>
    %add3A_341 = arith.addf %mul3A_338, %add3A_340 : vector<64x256xf32>
    %mul3A_342 = arith.mulf %add3A_341, %mul3A_327 : vector<64x256xf32>
    %add3A_343 = arith.constant 0.0416666493 : f32
    %add3A_344 = vector.broadcast %add3A_343 : f32 to vector<64x256xf32>
    %add3A_345 = arith.addf %mul3A_342, %add3A_344 : vector<64x256xf32>
    %mul3A_346 = arith.mulf %add3A_345, %mul3A_327 : vector<64x256xf32>
    %add3A_347 = arith.constant -5.000000e-01 : f32
    %add3A_348 = vector.broadcast %add3A_347 : f32 to vector<64x256xf32>
    %add3A_349 = arith.addf %mul3A_346, %add3A_348 : vector<64x256xf32>
    %mul3A_350 = arith.mulf %add3A_349, %mul3A_327 : vector<64x256xf32>
    %add3A_351 = arith.constant 1.000000e+00 : f32
    %add3A_352 = vector.broadcast %add3A_351 : f32 to vector<64x256xf32>
    %add3A_353 = arith.addf %mul3A_350, %add3A_352 : vector<64x256xf32>
    %mul3A_354 = arith.mulf %slice3A_321, %add3A_353 : vector<64x256xf32>
    %add3A_355 = arith.addf %add3A_320, %mul3A_354 : vector<64x256xf32>
    %slice3A_356 = vector.extract_strided_slice %dot_general3A_9 {offsets = [1600, 0], sizes = [64, 256], strides = [1, 1]} : vector<1792x256xf32> to vector<64x256xf32>
    %slice3A_357 = vector.extract_strided_slice %dot_general3A_9 {offsets = [1664, 0], sizes = [64, 256], strides = [1, 1]} : vector<1792x256xf32> to vector<64x256xf32>
    %mul3A_358 = vector.broadcast %broadcast_in_dim3A_39 : vector<1x256xf32> to vector<64x256xf32>
    %mul3A_359 = arith.mulf %slice3A_357, %mul3A_358 : vector<64x256xf32>
    %slice3A_360 = vector.extract_strided_slice %dot_general3A_9 {offsets = [1728, 0], sizes = [64, 256], strides = [1, 1]} : vector<1792x256xf32> to vector<64x256xf32>
    %add3A_361 = arith.addf %mul3A_359, %slice3A_360 : vector<64x256xf32>
    %mul3A_362 = arith.mulf %add3A_361, %add3A_361 : vector<64x256xf32>
    %mul3A_363 = arith.constant 1.85028104E-9 : f32
    %mul3A_364 = vector.broadcast %mul3A_363 : f32 to vector<64x256xf32>
    %mul3A_365 = arith.mulf %mul3A_364, %mul3A_362 : vector<64x256xf32>
    %add3A_366 = arith.constant -2.73571175E-7 : f32
    %add3A_367 = vector.broadcast %add3A_366 : f32 to vector<64x256xf32>
    %add3A_368 = arith.addf %mul3A_365, %add3A_367 : vector<64x256xf32>
    %mul3A_369 = arith.mulf %add3A_368, %mul3A_362 : vector<64x256xf32>
    %add3A_370 = arith.constant 2.47931366E-5 : f32
    %add3A_371 = vector.broadcast %add3A_370 : f32 to vector<64x256xf32>
    %add3A_372 = arith.addf %mul3A_369, %add3A_371 : vector<64x256xf32>
    %mul3A_373 = arith.mulf %add3A_372, %mul3A_362 : vector<64x256xf32>
    %add3A_374 = arith.constant -0.00138887053 : f32
    %add3A_375 = vector.broadcast %add3A_374 : f32 to vector<64x256xf32>
    %add3A_376 = arith.addf %mul3A_373, %add3A_375 : vector<64x256xf32>
    %mul3A_377 = arith.mulf %add3A_376, %mul3A_362 : vector<64x256xf32>
    %add3A_378 = arith.constant 0.0416666493 : f32
    %add3A_379 = vector.broadcast %add3A_378 : f32 to vector<64x256xf32>
    %add3A_380 = arith.addf %mul3A_377, %add3A_379 : vector<64x256xf32>
    %mul3A_381 = arith.mulf %add3A_380, %mul3A_362 : vector<64x256xf32>
    %add3A_382 = arith.constant -5.000000e-01 : f32
    %add3A_383 = vector.broadcast %add3A_382 : f32 to vector<64x256xf32>
    %add3A_384 = arith.addf %mul3A_381, %add3A_383 : vector<64x256xf32>
    %mul3A_385 = arith.mulf %add3A_384, %mul3A_362 : vector<64x256xf32>
    %add3A_386 = arith.constant 1.000000e+00 : f32
    %add3A_387 = vector.broadcast %add3A_386 : f32 to vector<64x256xf32>
    %add3A_388 = arith.addf %mul3A_385, %add3A_387 : vector<64x256xf32>
    %mul3A_389 = arith.mulf %slice3A_356, %add3A_388 : vector<64x256xf32>
    %add3A_390 = arith.addf %add3A_355, %mul3A_389 : vector<64x256xf32>
    %reduce_sum3A = arith.constant dense<0.000000e+00> : vector<256xf32>
    %reduce_sum3A_391 = vector.multi_reduction <add>, %add3A_390, %reduce_sum3A [0] : vector<64x256xf32> to vector<256xf32>
    %swap3A = arith.constant 0 : index
    %swap3A_392 = arith.constant 0 : index
    %swap3A_393 = arith.constant 0 : index
    %swap3A_394 = vector.load %arg8[%swap3A, %swap3A_392, %swap3A_393] : memref<1x1x256xf32, #tpu.memory_space<vmem>>, vector<1x1x256xf32>
    %swap3A_395 = vector.shape_cast %swap3A_394 : vector<1x1x256xf32> to vector<256xf32>
    %swap3A_396 = vector.shape_cast %reduce_sum3A_391 : vector<256xf32> to vector<1x1x256xf32>
    tpu.vector_store %arg8[%swap3A, %swap3A_392, %swap3A_393], %swap3A_396 {strides = array<i32>} : memref<1x1x256xf32, #tpu.memory_space<vmem>>, vector<1x1x256xf32>,
    return
  }
  func.func @transform_0(%arg0: i32) -> (i32, i32, i32) {
    %c0_i32 = arith.constant 0 : i32
    %c0_i32_0 = arith.constant 0 : i32
    %c0_i32_1 = arith.constant 0 : i32
    return %arg0, %c0_i32, %c0_i32_0 : i32, i32, i32
  }
  func.func @transform_1(%arg0: i32) -> (i32, i32, i32) {
    %c0_i32 = arith.constant 0 : i32
    %c0_i32_0 = arith.constant 0 : i32
    %c0_i32_1 = arith.constant 0 : i32
    return %arg0, %c0_i32, %c0_i32_0 : i32, i32, i32
  }
  func.func @transform_2(%arg0: i32) -> (i32, i32, i32) {
    %c0_i32 = arith.constant 0 : i32
    %c0_i32_0 = arith.constant 0 : i32
    %c0_i32_1 = arith.constant 0 : i32
    return %arg0, %c0_i32, %c0_i32_0 : i32, i32, i32
  }
  func.func @transform_3(%arg0: i32) -> (i32, i32, i32) {
    %c0_i32 = arith.constant 0 : i32
    %c0_i32_0 = arith.constant 0 : i32
    %c0_i32_1 = arith.constant 0 : i32
    return %arg0, %c0_i32, %c0_i32_0 : i32, i32, i32
  }
  func.func @transform_4(%arg0: i32) -> (i32, i32, i32) {
    %c0_i32 = arith.constant 0 : i32
    %c0_i32_0 = arith.constant 0 : i32
    %c0_i32_1 = arith.constant 0 : i32
    return %arg0, %c0_i32, %c0_i32_0 : i32, i32, i32
  }
  func.func @transform_5(%arg0: i32) -> (i32, i32, i32) {
    %c0_i32 = arith.constant 0 : i32
    %c0_i32_0 = arith.constant 0 : i32
    %c0_i32_1 = arith.constant 0 : i32
    return %arg0, %c0_i32, %c0_i32_0 : i32, i32, i32
  }
  func.func @transform_6(%arg0: i32) -> (i32, i32) {
    %c0_i32 = arith.constant 0 : i32
    %c0_i32_0 = arith.constant 0 : i32
    %c0_i32_1 = arith.constant 0 : i32
    return %c0_i32, %c0_i32_0 : i32, i32
  }
  func.func @transform_7(%arg0: i32) -> (i32, i32, i32) {
    %c0_i32 = arith.constant 0 : i32
    %c0_i32_0 = arith.constant 0 : i32
    %c0_i32_1 = arith.constant 0 : i32
    return %arg0, %c0_i32, %c0_i32_0 : i32, i32, i32
  }
}

module attributes {stable_mosaic.version = 14 : i64} {
  func.func @_tc_combine(%arg0: i32, %arg1: memref<1x1x256xi32, #tpu.memory_space<vmem>>, %arg2: memref<36x256xf32, #tpu.memory_space<vmem>>, %arg3: memref<36x256xf32, #tpu.memory_space<vmem>>, %arg4: memref<1x1x256xf32, #tpu.memory_space<vmem>>, %arg5: memref<36x512xf32, #tpu.memory_space<vmem>>, %arg6: memref<1x1x256xf32, #tpu.memory_space<vmem>>) attributes {dimension_semantics = [#tpu.dimension_semantics<arbitrary>], iteration_bounds = array<i64: 64>, scalar_prefetch = 0 : i64, scratch_operands = 0 : i64, tpu.core_type = #tpu.core_type<tc>, window_params = [{transform_indices = @transform_0, window_bounds = array<i64: 1, 1, 256>}, {transform_indices = @transform_1, window_bounds = array<i64: 36, 256>}, {transform_indices = @transform_2, window_bounds = array<i64: 36, 256>}, {transform_indices = @transform_3, window_bounds = array<i64: 1, 1, 256>}, {pipeline_mode = #tpu.pipeline_mode<synchronous>, transform_indices = @transform_4, window_bounds = array<i64: 36, 512>}, {transform_indices = @transform_5, window_bounds = array<i64: 1, 1, 256>}]} {
    %get3A = arith.constant 0 : index
    %get3A_0 = arith.constant 0 : index
    %get3A_1 = arith.constant 0 : index
    %get3A_2 = vector.load %arg1[%get3A, %get3A_0, %get3A_1] : memref<1x1x256xi32, #tpu.memory_space<vmem>>, vector<1x1x256xi32>
    %get3A_3 = vector.shape_cast %get3A_2 : vector<1x1x256xi32> to vector<256xi32>
    %iota3A = tpu.iota {dimensions = array<i32: 0>} : vector<512x256xi32>
    %broadcast_in_dim3A = vector.shape_cast %get3A_3 : vector<256xi32> to vector<1x256xi32>
    %eq3A = vector.broadcast %broadcast_in_dim3A : vector<1x256xi32> to vector<512x256xi32>
    %eq3A_4 = arith.cmpi eq, %iota3A, %eq3A : vector<512x256xi32>
    %convert_element_type3A = arith.extui %eq3A_4 : vector<512x256xi1> to vector<512x256xi32>
    %convert_element_type3A_5 = arith.sitofp %convert_element_type3A : vector<512x256xi32> to vector<512x256xf32>
    %get3A_6 = arith.constant 0 : index
    %get3A_7 = arith.constant 0 : index
    %get3A_8 = vector.load %arg5[%get3A_6, %get3A_7] : memref<36x512xf32, #tpu.memory_space<vmem>>, vector<36x512xf32>
    %dot_general3A = arith.constant dense<0.000000e+00> : vector<36x256xf32>
    %dot_general3A_9 = tpu.matmul %get3A_8, %convert_element_type3A_5, %dot_general3A {dimension_numbers = #tpu.dot_dimension_numbers<[1], [0], [0], [1], [0, 0, 1, 1], [], []>, transpose_lhs_hint = false} : vector<36x512xf32>, vector<512x256xf32>, vector<36x256xf32> -> vector<36x256xf32>
    %get3A_10 = arith.constant 0 : index
    %get3A_11 = arith.constant 0 : index
    %get3A_12 = vector.load %arg2[%get3A_10, %get3A_11] : memref<36x256xf32, #tpu.memory_space<vmem>>, vector<36x256xf32>
    %mul3A = arith.mulf %get3A_12, %dot_general3A_9 : vector<36x256xf32>
    %get3A_13 = arith.constant 0 : index
    %get3A_14 = arith.constant 0 : index
    %get3A_15 = vector.load %arg3[%get3A_13, %get3A_14] : memref<36x256xf32, #tpu.memory_space<vmem>>, vector<36x256xf32>
    %mul3A_16 = arith.mulf %mul3A, %get3A_15 : vector<36x256xf32>
    %reduce_sum3A = arith.constant dense<0.000000e+00> : vector<256xf32>
    %reduce_sum3A_17 = vector.multi_reduction <add>, %mul3A_16, %reduce_sum3A [0] : vector<36x256xf32> to vector<256xf32>
    %get3A_18 = arith.constant 0 : index
    %get3A_19 = arith.constant 0 : index
    %get3A_20 = arith.constant 0 : index
    %get3A_21 = vector.load %arg4[%get3A_18, %get3A_19, %get3A_20] : memref<1x1x256xf32, #tpu.memory_space<vmem>>, vector<1x1x256xf32>
    %get3A_22 = vector.shape_cast %get3A_21 : vector<1x1x256xf32> to vector<256xf32>
    %add3A = arith.addf %get3A_22, %reduce_sum3A_17 : vector<256xf32>
    %swap3A = arith.constant 0 : index
    %swap3A_23 = arith.constant 0 : index
    %swap3A_24 = arith.constant 0 : index
    %swap3A_25 = vector.load %arg6[%swap3A, %swap3A_23, %swap3A_24] : memref<1x1x256xf32, #tpu.memory_space<vmem>>, vector<1x1x256xf32>
    %swap3A_26 = vector.shape_cast %swap3A_25 : vector<1x1x256xf32> to vector<256xf32>
    %swap3A_27 = vector.shape_cast %add3A : vector<256xf32> to vector<1x1x256xf32>
    tpu.vector_store %arg6[%swap3A, %swap3A_23, %swap3A_24], %swap3A_27 {strides = array<i32>} : memref<1x1x256xf32, #tpu.memory_space<vmem>>, vector<1x1x256xf32>,
    return
  }
  func.func @transform_0(%arg0: i32) -> (i32, i32, i32) {
    %c0_i32 = arith.constant 0 : i32
    %c0_i32_0 = arith.constant 0 : i32
    %c0_i32_1 = arith.constant 0 : i32
    return %arg0, %c0_i32, %c0_i32_0 : i32, i32, i32
  }
  func.func @transform_1(%arg0: i32) -> (i32, i32) {
    %c0_i32 = arith.constant 0 : i32
    %c0_i32_0 = arith.constant 0 : i32
    return %c0_i32, %arg0 : i32, i32
  }
  func.func @transform_2(%arg0: i32) -> (i32, i32) {
    %c0_i32 = arith.constant 0 : i32
    %c0_i32_0 = arith.constant 0 : i32
    return %c0_i32, %arg0 : i32, i32
  }
  func.func @transform_3(%arg0: i32) -> (i32, i32, i32) {
    %c0_i32 = arith.constant 0 : i32
    %c0_i32_0 = arith.constant 0 : i32
    %c0_i32_1 = arith.constant 0 : i32
    return %arg0, %c0_i32, %c0_i32_0 : i32, i32, i32
  }
  func.func @transform_4(%arg0: i32) -> (i32, i32) {
    %c0_i32 = arith.constant 0 : i32
    %c0_i32_0 = arith.constant 0 : i32
    %c0_i32_1 = arith.constant 0 : i32
    return %c0_i32, %c0_i32_0 : i32, i32
  }
  func.func @transform_5(%arg0: i32) -> (i32, i32, i32) {
    %c0_i32 = arith.constant 0 : i32
    %c0_i32_0 = arith.constant 0 : i32
    %c0_i32_1 = arith.constant 0 : i32
    return %arg0, %c0_i32, %c0_i32_0 : i32, i32, i32
  }
}

</mosaic_0001>

<sc_bundles>
// kernel: kernel.5.cloned.1.call-start
scs
__scs_entry_jumppad:
0x0: {  	(pc) =	sbr.rel $0x88, $3  }
0x1: {  	(tag) =	ssettag $0x0;
	lr =	simm.s32 $0x1  }
0x2: {  	[smem:$0x3F7B] =	sst lr;
	_ =	strace $0xD0000000  }
0x3: {  	_ = 	snop  }
0x4: {  	_ = 	snop  }
0x5: {  	_ = 	snop  }
0x6: {  	_ = 	snop  }
0x7: {  	_ = 	snop  }
__scs_overlays_trampoline_lowered:
0x8: {  	[smem:$0x3F8A] =	sst s0  }
0x9: {  	[smem:$0x3F8B] =	sst s1  }
0xa: {  	[smem:$0x3F8C] =	sst s2  }
0xb: {  	[smem:$0x3F8D] =	sst s3  }
0xc: {  	[smem:$0x3F8E] =	sst s4  }
0xd: {  	[smem:$0x3F8F] =	sst s5  }
0xe: {  	[smem:$0x3F90] =	sst s6  }
0xf: {  	[smem:$0x3F91] =	sst s7  }
0x10: {  	[smem:$0x3F92] =	sst s8  }
0x11: {  	[smem:$0x3F93] =	sst s9;
	s0 =	simm.s32 @!p0 $0x0  }
0x12: {  	s1 =	sld [smem:$0x3F79];
	s0 =	simm.s32 @p0 $0x1  }
0x13: {  	[smem:$0x3F94] =	sst s0;
	s0 =	simm.s32 @!p1 $0x0  }
0x14: {  	s2 =	sld [smem:$0x3F78];
	s0 =	simm.s32 @p1 $0x1  }
0x15: {  	[smem:$0x3F95] =	sst s0;
	s0 =	simm.s32 @!p2 $0x0  }
0x16: {  	s3 =	sld [smem:$0x3FDB];
	s0 =	simm.s32 @p2 $0x1  }
0x17: {  	s4 =	simm.s32 $0x1BF5;
	[smem:$0x3F97] =	sst s0  }
0x18: {  	s0 =	sld [smem:$0x3F7A];
	_ =	swait.ge [sflag:s4], $0x0  }
0x19: {  	s7 =	sld [smem:$0x3F7B]  }
0x1a: {  	s8 =	sadd.s32 $0xFFFFE003, lr  }
0x1b: {  	s9 =	sadd.s32 $0xFFFFFEF7, lr;
	s5 =	simm.s32 $0xFFFFFFFF;
	p2 =	slt.u32 s8, $0xFFFFF086  }
0x1c: {  	p1 =	slt.u32 s9, $0xF7A;
	s5 =	simm.s32 @!p2 $0x0  }
0x1d: {  	s5 =	simm.s32 @p1 $0x1;
	p0 =	seq.s32 s7, s2  }
0x1e: {  	s7 =	smul.u32 @!p0 $0xF7A, s2;
	p2 =	seq.s32 @!p0 s5, $0x0  }
0x1f: {  	s9 =	smul.u32 $0xF7A, s1;
	s8 =	simm.s32 @!p0 $0x1BF5;
	p2 =	por !p2, p0  }
0x20: {  	[sflag:s8] =	ssyncset.s32 @!p0 $0xFFFFF086;
	s6 =	sadd.s32 @!p0 s3, s7;
	s7 =	simm.s32 @!p0 $0x108  }
0x21: {  	s3 =	sadd.s32 s3, s9;
	s6 =	sadd.s32 @!p0 $0x88, s6;
	s7 =	simm.s32 @p2 $0x1082  }
0x22: {  	[simem:s7], [sflag:s8] =	dma.local @!p0 [hbm:s6], $0xF7A  }
0x23: {  	s9 =	sor.u32 $0xD0000000, s2;
	s6 =	simm.s32 $0x108;
	_ =	swait.ge @!p0 [sflag:s8], $0x0  }
0x24: {  	s3 =	sadd.s32 $0x88, s3;
	s6 =	simm.s32 @!p1 $0x1082;
	[sflag:s4] =	ssyncset.s32 $0xFFFFF086  }
0x25: {  	[simem:s6], [sflag:s4] =	dma.local [hbm:s3], $0xF7A  }
0x26: {  	[smem:$0x3F7B] =	sst s1;
	(tag) =	ssettag s2;
	_ =	strace s9  }
0x27: {  	s1 =	sld [smem:$0x3F8B]  }
0x28: {  	s2 =	sld [smem:$0x3F8C]  }
0x29: {  	s4 =	sld [smem:$0x3F8E]  }
0x2a: {  	p0 =	seq.s32 s5, $0x0;
	s5 =	sld [smem:$0x3F8F]  }
0x2b: {  	s6 =	sld [smem:$0x3F90]  }
0x2c: {  	s7 =	sld [smem:$0x3F91]  }
0x2d: {  	s3 =	simm.s32 $0x108;
	s8 =	sld [smem:$0x3F92]  }
0x2e: {  	s3 =	simm.s32 @!p0 $0x1082;
	s9 =	sld [smem:$0x3F93]  }
0x2f: {  	lr =	sadd.s32 s0, s3;
	s0 =	sld [smem:$0x3F8A]  }
0x30: {  	s3 =	sld [smem:$0x3F8D]  }
0x31: {  	[smem:$0x3F96] =	sst s10  }
0x32: {  	s10 =	sld [smem:$0x3F94];
	_ =	sdelay $0x3  }
0x33: {  	p0 =	seq.s32 s10, $0x1;
	s10 =	sld [smem:$0x3F96];
	_ =	sdelay $0x3  }
0x34: {  	[smem:$0x3F96] =	sst s10  }
0x35: {  	s10 =	sld [smem:$0x3F95];
	_ =	sdelay $0x3  }
0x36: {  	p1 =	seq.s32 s10, $0x1;
	s10 =	sld [smem:$0x3F96];
	_ =	sdelay $0x3  }
0x37: {  	[smem:$0x3F96] =	sst s10  }
0x38: {  	s10 =	sld [smem:$0x3F97]  }
0x39: {  	_ = 	snop;
	(pc) =	sbr.ind lr, $3  }
0x3a: {  	_ = 	snop  }
0x3b: {  	_ = 	snop  }
0x3c: {  	p2 =	seq.s32 s10, $0x1;
	s10 =	sld [smem:$0x3F96]  }
0x3d: {  	_ =	shalt  }
0x3e: {  	_ =	shalt  }
0x3f: {  	_ =	shalt  }
0x40: {  	_ =	shalt  }
0x41: {  	_ =	shalt  }
0x42: {  	_ =	shalt  }
0x43: {  	_ =	shalt  }
0x44: {  	_ =	shalt  }
0x45: {  	_ =	shalt  }
0x46: {  	_ =	shalt  }
0x47: {  	_ =	shalt  }
0x48: {  	_ =	shalt  }
0x49: {  	_ =	shalt  }
0x4a: {  	_ =	shalt  }
0x4b: {  	_ =	shalt  }
0x4c: {  	_ =	shalt  }
0x4d: {  	_ =	shalt  }
0x4e: {  	_ =	shalt  }
0x4f: {  	_ =	shalt  }
0x50: {  	_ =	shalt  }
0x51: {  	_ =	shalt  }
0x52: {  	_ =	shalt  }
0x53: {  	_ =	shalt  }
0x54: {  	_ =	shalt  }
0x55: {  	_ =	shalt  }
0x56: {  	_ =	shalt  }
0x57: {  	_ =	shalt  }
0x58: {  	_ =	shalt  }
0x59: {  	_ =	shalt  }
0x5a: {  	_ =	shalt  }
0x5b: {  	_ =	shalt  }
0x5c: {  	_ =	shalt  }
0x5d: {  	_ =	shalt  }
0x5e: {  	_ =	shalt  }
0x5f: {  	_ =	shalt  }
0x60: {  	_ =	shalt  }
0x61: {  	_ =	shalt  }
0x62: {  	_ =	shalt  }
0x63: {  	_ =	shalt  }
0x64: {  	_ =	shalt  }
0x65: {  	_ =	shalt  }
0x66: {  	_ =	shalt  }
0x67: {  	_ =	shalt  }
0x68: {  	_ =	shalt  }
0x69: {  	_ =	shalt  }
0x6a: {  	_ =	shalt  }
0x6b: {  	_ =	shalt  }
0x6c: {  	_ =	shalt  }
0x6d: {  	_ =	shalt  }
0x6e: {  	_ =	shalt  }
0x6f: {  	_ =	shalt  }
0x70: {  	_ =	shalt  }
0x71: {  	_ =	shalt  }
0x72: {  	_ =	shalt  }
0x73: {  	_ =	shalt  }
0x74: {  	_ =	shalt  }
0x75: {  	_ =	shalt  }
0x76: {  	_ =	shalt  }
0x77: {  	_ =	shalt  }
0x78: {  	_ =	shalt  }
0x79: {  	_ =	shalt  }
0x7a: {  	_ =	shalt  }
0x7b: {  	_ =	shalt  }
0x7c: {  	_ =	shalt  }
0x7d: {  	_ =	shalt  }
0x7e: {  	_ =	shalt  }
0x7f: {  	_ =	shalt  }
0x80: {  	_ =	shalt  }
0x81: {  	_ =	shalt  }
0x82: {  	_ =	shalt  }
0x83: {  	_ =	shalt  }
0x84: {  	_ =	shalt  }
0x85: {  	_ =	shalt  }
0x86: {  	_ =	shalt  }
0x87: {  	_ =	shalt  }
.Lfunc_end0:
.L_simem_size_0:
called_computation_lowered:
.L_overlay_start_0:
0x88: {  	s2 =	sld [smem:$0x3FD9]  }
0x89: {  	s3 =	sld [smem:$0x3FFE];
	_ =	sdelay $0x1  }
0x8a: {  	s1 =	srdreg.scid  }
0x8b: {  	s0 =	sand.u32 $0x1, s1  }
0x8c: {  	s17 =	sshll.u32 s0, $0xA;
	s2 =	sadd.s32 s3, s2  }
0x8d: {  	s2 =	sadd.s32 s2, s17  }
0x8e: {  	[smem:$0x3FA2] =	sst s2  }
0x8f: {  	_ = 	snop  }
0x90: {  	s2 =	sld [smem:$0x3FD0];
	(tm) =	ssettm $0x1  }
0x91: {  	s18 =	sld [smem:$0x3FFB];
	_ =	sdelay $0x3  }
0x92: {  	_ =	strace s18  }
0x93: {  	s3 =	sld [smem:$0x3FFC];
	_ =	sdelay $0x3  }
0x94: {  	_ =	strace s3  }
0x95: {  	s3 =	sld [smem:$0x3FFD];
	_ =	sdelay $0x3  }
0x96: {  	_ =	strace s3  }
0x97: {  	_ =	strace $0x8FFFFFFF  }
0x98: {  	s19 =	sld [smem:$0x3FDB];
	_ =	sdelay $0x1  }
0x99: {  	s4 =	simm.s32 $_scs_section_size  }
0x9a: {  	s5 =	simm.s32 $_size__tile_overlayer_lowered;
	s6 =	simm.s32 $_tile_overlayer_lowered  }
0x9b: {  	s22 =	simm.s32 $0x1BFF;
	s21 =	sshll.u32 s6, $0x1;
	s3 =	sadd.s32 s4, s19  }
0x9c: {  	s7 =	simm.s32 $0x0;
	s20 =	sshll.u32 s5, $0x1;
	s5 =	sadd.s32 s21, s3  }
0x9d: {  	[timem:s7], [sflag:s22] =	dma.local [hbm:s5], s20  }
0x9e: {  	_ =	swait.ge [sflag:s22], s20  }
0x9f: {  	s4 =	ssub.s32 $0x0, s20;
	[sflag:s22] =	ssyncset.done $0x0  }
0xa0: {  	[sflag:s22] =	ssyncadd.s32 s4;
	_ =	sdelay $0x1  }
0xa1: {  	s23 =	simm.s32 $0x1B8B  }
0xa2: {  	_ =	swait.ge [sflag:s23], $0x1  }
0xa3: {  	[sflag:s23] =	ssyncset.done $0x0  }
0xa4: {  	s25 =	simm.s32 $0x1B8E;
	s24 =	sld [smem:$0x3FFE];
	[sflag:s23] =	ssyncadd.s32 $0xFFFFFFFF  }
0xa5: {  	s26 =	simm.s32 $execute0_lowered;
	[smem:$0x3FD2] =	sst s25  }
0xa6: {  	s5 =	sshll.u32 s26, $0x1;
	_ =	strace $0x80000046;
	[dreg:$0x1] =	wrdreg $0xFFFFFFFF  }
0xa7: {  	s28 =	simm.s32 $_size_execute0_lowered;
	s3 =	sadd.s32 s3, s5;
	[dreg:$0x0] =	wrdreg $0x0  }
0xa8: {  	s5 =	sshll.u32 s28, $0x1;
	[dreg:$0x2] =	wrdreg s3  }
0xa9: {  	[dreg:$0x3] =	wrdreg s5  }
0xaa: {  	[dreg:$0x4] =	wrdreg $0xC0  }
0xab: {  	_ =	task [dreg:s7], $0x5FFFF  }
0xac: {  	[dreg:$0x1] =	wrdreg $0xFFFFFFFF  }
0xad: {  	[dreg:$0x0] =	wrdreg $0x60  }
0xae: {  	[dreg:$0x2] =	wrdreg s24  }
0xaf: {  	[dreg:$0x3] =	wrdreg s2  }
0xb0: {  	[dreg:$0x4] =	wrdreg $0x9  }
0xb1: {  	_ =	task.clear_ibuf [dreg:s7], $0x5FFFF;
	_ =	strace $0x90000046  }
0xb2: {  	s29 =	simm.s32 $0x9;
	_ =	strace $0x80000048  }
0xb3: {  	_ =	swait.ge [sflag:s29], $0x1  }
0xb4: {  	[sflag:s29] =	ssyncadd.s32 $0xFFFFFFFF  }
0xb5: {  	_ =	strace $0x90000048  }
0xb6: {  	_ =	sfence  }
0xb7: {  	s30 =	sld [smem:$0x0];
	_ =	sdelay $0x2  }
0xb8: {  	s31 =	sshll.u32 s1, $0xD;
	s1 =	sshrl.u32 s1, $0x2  }
0xb9: {  	s3 =	sand.u32 $0x4000, s31;
	s1 =	sadd.s32 s1, s30  }
0xba: {  	s0 =	sor.u32 s3, s0;
	s1 =	sshll.u32 s1, $0x11  }
0xbb: {  	s0 =	sor.u32 s1, s0  }
0xbc: {  	s0 =	sadd.s32 $0x8F2B, s0  }
0xbd: {  	[sflag:s0] =	ssyncadd.remote.s32 $0x1  }
0xbe: {  	_ =	sfence.sel $0xFFFF  }
0xbf: {  	[dreg:$0x0] =	wrdreg $0xFFFFFFFF;
	(pc) =	sbr.abs _section_cstart, $3  }
0xc0: {  	[dreg:$0x1] =	wrdreg $0xFFFFFFFF  }
0xc1: {  	_ =	task.clear_ibuf [dreg:s7], $0x2FFFF;
	_ =	strace $0x9FFFFFFF  }
0xc2: {  	(tm) =	ssettm $0x7FFFFFFF  }
0xc3: {  	_ =	shalt  }
tec
execute0_lowered:
.L_overlay_start_1:
0x0: {  	(tag) =	ssettag $0x1  }
0x1: {  	s0 =	rddreg [dreg:$0x0];
	s1 =	srdreg.scid  }
0x2: {  	s6 =	stileid.u32;
	s4 =	rddreg [dreg:$0x1];
	s2 =	simm.s32 $0x0  }
0x3: {  	s1 =	sand.u32 $0x1, s1;
	s3 =	sshll.u32 s6, $0x1;
	[smem:$0x7FF] =	sst s2  }
0x4: {  	s24 =	sshll.u32 s6, $0x7;
	s8 =	sadd.s32 $0xF48000, s0;
	s5 =	sor.u32 s1, s3  }
0x5: {  	_ =	strace $0x80000047;
	s3 =	sadd.s32 $0x5400, s0;
	s1 =	ssub.s32 $0x2, s1  }
0x6: {  	s25 =	sshll.u32 s5, $0x4;
	s9 =	sshrl.u32 s1, $0x1;
	s5 =	sshll.u32 s5, $0xD  }
0x7: {  	s6 =	sor.u32 s24, s25;
	s28 =	sor.u32 $0x1000, s5;
	s29 =	sadd.s32 s8, s5  }
0x8: {  	s1 =	ssub.s32 s1, s9;
	[dreg:$0x15] =	wrdreg s29;
	s30 =	sadd.s32 s8, s28  }
0x9: {  	s6 =	sand.u32 $0x670, s6;
	s31 =	smax.u32 s1, $0x1;
	[dreg:$0x17] =	wrdreg s30  }
0xa: {  	s7 =	sadd.s32 s6, s0;
	s4 =	sadd.s32 s4, s6;
	[dreg:$0x19] =	wrdreg s31  }
0xb: {  	s0 =	sadd.s32 $0xF88000, s0;
	[dreg:$0x13] =	wrdreg s4;
	s26 =	sadd.s32 $0xF47800, s7  }
0xc: {  	s5 =	sadd.s32 s0, s5;
	[dreg:$0x14] =	wrdreg s26  }
0xd: {  	s1 =	simm.s32 $0x0;
	s0 =	sadd.s32 s0, s28;
	[dreg:$0x16] =	wrdreg s5  }
0xe: {  	s6 =	simm.s32 $0x9;
	[dreg:$0x18] =	wrdreg s0;
	s5 =	simm.s32 $0x400  }
.LBB2_1:
0xf: {  	[dreg:$0x1a] =	wrdreg s1  }
0x10: {  	s0 =	rddreg [dreg:$0x13];
	s4 =	simm.s32 $0x80  }
0x11: {  	[tilespmem:s2], [sflag:$0x9] =	stream.strided.gather [hbm4b:s0+s4], $0x200, s5, s4, $0x38;
	[tilespmem:$0x10400] =	vst v63  }
0x12: {  	_ =	swait.ge [sflag:s6], $0x200  }
0x13: {  	[sflag:s6] =	ssyncset.done $0x0  }
0x14: {  	s29 =	simm.s32 $0x200;
	s7 =	rddreg [dreg:$0x14];
	[sflag:s6] =	ssyncadd.s32 $0xFFFFFE00  }
0x15: {  	[tilespmem:s29], [sflag:$0x9] =	stream.strided.gather [hbm4b:s7+s4], $0x200, s5, s4, $0x38;
	[tilespmem:$0x10400] =	vst v63  }
0x16: {  	_ =	swait.ge [sflag:s6], $0x200  }
0x17: {  	[sflag:s6] =	ssyncset.done $0x0  }
0x18: {  	[sflag:s6] =	ssyncadd.s32 $0xFFFFFE00  }
0x19: {  	v0 =	vld [tilespmem:s2+$0x0];
	_ =	sdelay $0x1  }
0x1a: {  	v2 =	vld [tilespmem:s29+$0x0];
	_ =	sdelay $0x2  }
0x1b: {  	v1 =	vshll.u32 v0, $0x4  }
0x1c: {  	(v2sf) =	vpush v1, $0x0  }
0x1d: {  	v63 =	vshll.u32 v2, $0x4  }
0x1e: {  	(v2sf) =	vpush v63, $0x0  }
0x1f: {  	(v2sf) =	vpush v1, $0x1;
	_ =	sdelay $0x1  }
0x20: {  	(v2sf) =	vpush v63, $0x1;
	_ =	sdelay $0x1  }
0x21: {  	(v2sf) =	vpush v1, $0x2;
	_ =	sdelay $0x1  }
0x22: {  	(v2sf) =	vpush v63, $0x2;
	_ =	sdelay $0x1  }
0x23: {  	s25 =	simm.s32 $0x2000;
	(v2sf) =	vpush v1, $0x3  }
0x24: {  	s24 =	simm.s32 $0x0;
	s8 =	simm.s32 $0x8400;
	s1 =	simm.s32 $0x880  }
0x25: {  	s13 =	simm.s32 $0x400;
	s12 =	simm.s32 $0x600;
	s9 =	simm.s32 $0x580  }
0x26: {  	s16 =	simm.s32 $0x480;
	s19 =	simm.s32 $0x8480;
	s21 =	simm.s32 $0x500  }
0x27: {  	s26 =	simm.s32 $0x8500;
	s30 =	simm.s32 $0x10;
	s7 =	spop (v2sf);
	(v2sf) =	vpush v63, $0x3  }
0x28: {  	s31 =	simm.s32 $0x210;
	s0 =	simm.s32 $0x8900;
	s4 =	simm.s32 $0x680  }
0x29: {  	s6 =	simm.s32 $0x8580;
	s7 =	sand.u32 $0x1FFFFFF0, s7;
	s10 =	spop (v2sf)  }
0x2a: {  	(v2sf) =	vpush v1, $0x4;
	s7 =	sadd.s32 s3, s7;
	s14 =	sand.u32 $0x1FFFFFF0, s10;
	s15 =	spop (v2sf)  }
0x2b: {  	(v2sf) =	vpush v63, $0x4;
	[tilespmem:s13], [sflag:$0x1] =	stream.linear.gather [hbm4b:s7+s2], $0x80, $0x38;
	[tilespmem:$0x10400] =	vst v63  }
0x2c: {  	s7 =	sadd.s32 s3, s14;
	s10 =	sand.u32 $0x1FFFFFF0, s15;
	s11 =	spop (v2sf)  }
0x2d: {  	(v2sf) =	vpush v1, $0x5;
	[tilespmem:s8], [sflag:$0x5] =	stream.linear.gather [hbm4b:s7+s2], $0x80, $0x38;
	[tilespmem:$0x10400] =	vst v63  }
0x2e: {  	s17 =	sadd.s32 s3, s10;
	s18 =	sand.u32 $0x1FFFFFF0, s11;
	s20 =	spop (v2sf);
	(v2sf) =	vpush v63, $0x5  }
0x2f: {  	[tilespmem:s16], [sflag:$0x2] =	stream.linear.gather [hbm4b:s17+s2], $0x80, $0x38;
	[tilespmem:$0x10400] =	vst v63  }
0x30: {  	s10 =	sadd.s32 s3, s18;
	s7 =	sand.u32 $0x1FFFFFF0, s20;
	s22 =	spop (v2sf)  }
0x31: {  	[tilespmem:s19], [sflag:$0x6] =	stream.linear.gather [hbm4b:s10+s2], $0x80, $0x38;
	[tilespmem:$0x10400] =	vst v63  }
0x32: {  	(v2sf) =	vpush v1, $0x6;
	s7 =	sadd.s32 s3, s7;
	s23 =	spop (v2sf);
	s10 =	sand.u32 $0x1FFFFFF0, s22  }
0x33: {  	[tilespmem:s21], [sflag:$0x3] =	stream.linear.gather [hbm4b:s7+s2], $0x80, $0x38;
	[tilespmem:$0x10400] =	vst v63  }
0x34: {  	s13 =	simm.s32 $0x8A00;
	(v2sf) =	vpush v63, $0x6;
	s29 =	sand.u32 $0x1FFFFFF0, s23;
	s28 =	sadd.s32 s3, s10  }
0x35: {  	[tilespmem:s26], [sflag:$0x7] =	stream.linear.gather [hbm4b:s28+s2], $0x80, $0x38;
	[tilespmem:$0x10400] =	vst v63  }
0x36: {  	s11 =	simm.s32 $0x8600;
	s10 =	sadd.s32 s3, s29;
	s8 =	spop (v2sf)  }
0x37: {  	[tilespmem:s9], [sflag:$0x4] =	stream.linear.gather [hbm4b:s10+s2], $0x80, $0x38;
	[tilespmem:$0x10400] =	vst v63  }
0x38: {  	s18 =	simm.s32 $0x8680;
	s20 =	simm.s32 $0x700;
	(v2sf) =	vpush v1, $0x7;
	s5 =	sand.u32 $0x1FFFFFF0, s8  }
0x39: {  	s10 =	simm.s32 $0x8A80;
	s14 =	spop (v2sf);
	s5 =	sadd.s32 s3, s5  }
0x3a: {  	(v2sf) =	vpush v63, $0x7;
	s9 =	sand.u32 $0x1FFFFFF0, s14;
	s15 =	spop (v2sf);
	s14 =	simm.s32 $0xA80  }
0x3b: {  	(v2sf) =	vpush v1, $0x8;
	[tilespmem:s6], [sflag:$0x8] =	stream.linear.gather [hbm4b:s5+s2], $0x80, $0x38;
	[tilespmem:$0x10400] =	vst v63  }
0x3c: {  	s16 =	sadd.s32 s3, s9;
	s17 =	sand.u32 $0x1FFFFFF0, s15;
	s19 =	spop (v2sf)  }
0x3d: {  	(v2sf) =	vpush v63, $0x8;
	s6 =	sadd.s32 s3, s17;
	s21 =	sand.u32 $0x1FFFFFF0, s19;
	s22 =	spop (v2sf)  }
0x3e: {  	(v2sf) =	vpush v1, $0x9;
	[tilespmem:s12], [sflag:$0x1] =	stream.linear.gather [hbm4b:s16+s2], $0x80, $0x38;
	[tilespmem:$0x10400] =	vst v63  }
0x3f: {  	s19 =	simm.s32 $0x8780;
	s7 =	sadd.s32 s3, s21;
	s23 =	sand.u32 $0x1FFFFFF0, s22  }
0x40: {  	[tilespmem:s11], [sflag:$0x5] =	stream.linear.gather [hbm4b:s6+s2], $0x80, $0x38;
	[tilespmem:$0x10400] =	vst v63  }
0x41: {  	s26 =	spop (v2sf);
	s16 =	simm.s32 $0x780;
	s21 =	simm.s32 $0x800  }
0x42: {  	(v2sf) =	vpush v63, $0x9;
	[tilespmem:s4], [sflag:$0x2] =	stream.linear.gather [hbm4b:s7+s2], $0x80, $0x38;
	[tilespmem:$0x10400] =	vst v63  }
0x43: {  	s28 =	sadd.s32 s3, s23;
	s8 =	sand.u32 $0x1FFFFFF0, s26;
	s29 =	spop (v2sf)  }
0x44: {  	(v2sf) =	vpush v1, $0xA;
	[tilespmem:s18], [sflag:$0x6] =	stream.linear.gather [hbm4b:s28+s2], $0x80, $0x38;
	[tilespmem:$0x10400] =	vst v63  }
0x45: {  	s26 =	simm.s32 $0x8800;
	s9 =	sadd.s32 s3, s8;
	s5 =	sand.u32 $0x1FFFFFF0, s29  }
0x46: {  	(v2sf) =	vpush v63, $0xA;
	[tilespmem:s20], [sflag:$0x3] =	stream.linear.gather [hbm4b:s9+s2], $0x80, $0x38;
	[tilespmem:$0x10400] =	vst v63  }
0x47: {  	s11 =	simm.s32 $0x8700;
	s5 =	sadd.s32 s3, s5;
	s12 =	spop (v2sf)  }
0x48: {  	(v2sf) =	vpush v1, $0xB;
	[tilespmem:s11], [sflag:$0x7] =	stream.linear.gather [hbm4b:s5+s2], $0x80, $0x38;
	[tilespmem:$0x10400] =	vst v63  }
0x49: {  	s8 =	simm.s32 $0x8880;
	s7 =	sand.u32 $0x1FFFFFF0, s12;
	s15 =	spop (v2sf)  }
0x4a: {  	s4 =	simm.s32 $0x8980;
	(v2sf) =	vpush v63, $0xB;
	s17 =	sadd.s32 s3, s7;
	s20 =	spop (v2sf)  }
0x4b: {  	[tilespmem:s16], [sflag:$0x4] =	stream.linear.gather [hbm4b:s17+s2], $0x80, $0x38;
	[tilespmem:$0x10400] =	vst v63  }
0x4c: {  	s11 =	simm.s32 $0x900;
	s18 =	sand.u32 $0x1FFFFFF0, s15;
	s22 =	spop (v2sf)  }
0x4d: {  	s7 =	sadd.s32 s3, s18;
	s6 =	sand.u32 $0x1FFFFFF0, s20;
	s23 =	spop (v2sf)  }
0x4e: {  	(v2sf) =	vpush v1, $0xC;
	[tilespmem:s19], [sflag:$0x8] =	stream.linear.gather [hbm4b:s7+s2], $0x80, $0x38;
	[tilespmem:$0x10400] =	vst v63  }
0x4f: {  	s6 =	sadd.s32 s3, s6;
	s7 =	sand.u32 $0x1FFFFFF0, s22;
	s29 =	sand.u32 $0x1FFFFFF0, s23  }
0x50: {  	(v2sf) =	vpush v63, $0xC;
	[tilespmem:s21], [sflag:$0x1] =	stream.linear.gather [hbm4b:s6+s2], $0x80, $0x38;
	[tilespmem:$0x10400] =	vst v63  }
0x51: {  	s9 =	spop (v2sf);
	s22 =	simm.s32 $0x980;
	s28 =	sadd.s32 s3, s7  }
0x52: {  	[tilespmem:s26], [sflag:$0x5] =	stream.linear.gather [hbm4b:s28+s2], $0x80, $0x38;
	[tilespmem:$0x10400] =	vst v63  }
0x53: {  	s7 =	sadd.s32 s3, s29;
	s12 =	spop (v2sf);
	s6 =	sand.u32 $0x1FFFFFF0, s9  }
0x54: {  	[tilespmem:s1], [sflag:$0x2] =	stream.linear.gather [hbm4b:s7+s2], $0x80, $0x38;
	[tilespmem:$0x10400] =	vst v63  }
0x55: {  	s15 =	spop (v2sf);
	s6 =	sadd.s32 s3, s6;
	s7 =	sand.u32 $0x1FFFFFF0, s12  }
0x56: {  	[tilespmem:s8], [sflag:$0x6] =	stream.linear.gather [hbm4b:s6+s2], $0x80, $0x38;
	[tilespmem:$0x10400] =	vst v63  }
0x57: {  	s17 =	sand.u32 $0x1FFFFFF0, s15;
	s16 =	sadd.s32 s3, s7;
	s18 =	spop (v2sf)  }
0x58: {  	[tilespmem:s11], [sflag:$0x3] =	stream.linear.gather [hbm4b:s16+s2], $0x80, $0x38;
	[tilespmem:$0x10400] =	vst v63  }
0x59: {  	s19 =	sadd.s32 s3, s17;
	s20 =	sand.u32 $0x1FFFFFF0, s18;
	s21 =	spop (v2sf)  }
0x5a: {  	(v2sf) =	vpush v1, $0xD;
	[tilespmem:s0], [sflag:$0x7] =	stream.linear.gather [hbm4b:s19+s2], $0x80, $0x38;
	[tilespmem:$0x10400] =	vst v63  }
0x5b: {  	s12 =	simm.s32 $0x8B00;
	(v2sf) =	vpush v63, $0xD;
	s23 =	sadd.s32 s3, s20;
	s26 =	sand.u32 $0x1FFFFFF0, s21  }
0x5c: {  	(v2sf) =	vpush v1, $0xE;
	[tilespmem:s22], [sflag:$0x4] =	stream.linear.gather [hbm4b:s23+s2], $0x80, $0x38;
	[tilespmem:$0x10400] =	vst v63  }
0x5d: {  	s11 =	simm.s32 $0xA00;
	s28 =	sadd.s32 s3, s26;
	(v2sf) =	vpush v63, $0xE;
	s29 =	spop (v2sf)  }
0x5e: {  	(v2sf) =	vpush v1, $0xF;
	[tilespmem:s4], [sflag:$0x8] =	stream.linear.gather [hbm4b:s28+s2], $0x80, $0x38;
	[tilespmem:$0x10400] =	vst v63  }
0x5f: {  	s0 =	simm.s32 $0xB00;
	s5 =	spop (v2sf);
	(v2sf) =	vpush v63, $0xF;
	s4 =	sand.u32 $0x1FFFFFF0, s29  }
.LBB2_2:
0x60: {  	_ =	sdelay $0x4  }
0x61: {  	s4 =	sadd.s32 s3, s4;
	s5 =	sand.u32 $0x1FFFFFF0, s5  }
0x62: {  	[tilespmem:s11], [sflag:$0x1] =	stream.linear.gather [hbm4b:s4+s2], $0x80, $0x38;
	[tilespmem:$0x10400] =	vst v63  }
0x63: {  	s5 =	sadd.s32 s3, s5  }
0x64: {  	[tilespmem:s13], [sflag:$0x5] =	stream.linear.gather [hbm4b:s5+s2], $0x80, $0x38;
	[tilespmem:$0x10400] =	vst v63  }
0x65: {  	s6 =	spop (v2sf)  }
0x66: {  	s6 =	sand.u32 $0x1FFFFFF0, s6;
	s7 =	spop (v2sf)  }
0x67: {  	s8 =	sadd.s32 s3, s6;
	s9 =	sand.u32 $0x1FFFFFF0, s7;
	s11 =	spop (v2sf)  }
0x68: {  	[tilespmem:s14], [sflag:$0x2] =	stream.linear.gather [hbm4b:s8+s2], $0x80, $0x38;
	[tilespmem:$0x10400] =	vst v63  }
0x69: {  	s13 =	sadd.s32 s3, s9;
	s14 =	sand.u32 $0x1FFFFFF0, s11;
	s15 =	spop (v2sf)  }
0x6a: {  	[tilespmem:s10], [sflag:$0x6] =	stream.linear.gather [hbm4b:s13+s2], $0x80, $0x38;
	[tilespmem:$0x10400] =	vst v63  }
0x6b: {  	s16 =	sadd.s32 s3, s14;
	s17 =	sand.u32 $0x1FFFFFF0, s15;
	s18 =	spop (v2sf)  }
0x6c: {  	[tilespmem:s0], [sflag:$0x3] =	stream.linear.gather [hbm4b:s16+s2], $0x80, $0x38;
	[tilespmem:$0x10400] =	vst v63  }
0x6d: {  	s19 =	sadd.s32 s3, s17;
	s20 =	sand.u32 $0x1FFFFFF0, s18;
	s21 =	spop (v2sf)  }
0x6e: {  	[tilespmem:s12], [sflag:$0x7] =	stream.linear.gather [hbm4b:s19+s2], $0x80, $0x38;
	[tilespmem:$0x10400] =	vst v63  }
0x6f: {  	s22 =	sadd.s32 $0xB80, s24;
	s1 =	sadd.s32 s3, s20;
	s23 =	sand.u32 $0x1FFFFFF0, s21  }
0x70: {  	[tilespmem:s22], [sflag:$0x4] =	stream.linear.gather [hbm4b:s1+s2], $0x80, $0x38;
	[tilespmem:$0x10400] =	vst v63  }
0x71: {  	s26 =	sadd.s32 $0x8B80, s24;
	s28 =	sadd.s32 s3, s23  }
0x72: {  	[tilespmem:s26], [sflag:$0x8] =	stream.linear.gather [hbm4b:s28+s2], $0x80, $0x38;
	[tilespmem:$0x10400] =	vst v63  }
0x73: {  	v0 =	vld [tilespmem:s30+$0x0]  }
0x74: {  	v2 =	vld [tilespmem:s31+$0x0];
	_ =	sdelay $0x3  }
0x75: {  	v1 =	vshll.u32 v0, $0x4  }
0x76: {  	v63 =	vshll.u32 v2, $0x4;
	(v2sf) =	vpush v1, $0x0  }
0x77: {  	s29 =	smov.u32 s25;
	(v2sf) =	vpush v63, $0x0  }
0x78: {  	p0 =	sne.s32 s25, $0x1E000;
	s24 =	sshra.s32 s29, $0x2;
	(v2sf) =	vpush v1, $0x1  }
0x79: {  	s25 =	sadd.s32 $0x2000, s25;
	s4 =	sadd.s32 $0x8400, s24;
	s5 =	sadd.s32 $0xA80, s24  }
0x7a: {  	[dreg:$0xd] =	wrdreg s5;
	s5 =	sadd.s32 $0x8480, s24;
	s6 =	sadd.s32 $0x8980, s24;
	(v2sf) =	vpush v63, $0x1  }
0x7b: {  	s7 =	sadd.s32 $0x680, s24;
	[dreg:$0x5] =	wrdreg s6;
	s8 =	sadd.s32 $0x8880, s24  }
0x7c: {  	s9 =	sadd.s32 $0x900, s24;
	s11 =	sadd.s32 $0x8800, s24;
	[dreg:$0xb] =	wrdreg s8;
	(v2sf) =	vpush v1, $0x2  }
0x7d: {  	s6 =	sadd.s32 $0x980, s24;
	[dreg:$0x9] =	wrdreg s9;
	s15 =	sadd.s32 $0x780, s24  }
0x7e: {  	[dreg:$0xf] =	wrdreg s11;
	s11 =	sadd.s32 $0xA00, s24;
	s8 =	sadd.s32 $0x480, s24;
	(v2sf) =	vpush v63, $0x2  }
0x7f: {  	s14 =	sadd.s32 $0x8780, s24;
	s13 =	sadd.s32 $0x8500, s24;
	s18 =	sadd.s32 $0x8680, s24  }
0x80: {  	s17 =	sadd.s32 $0x700, s24;
	s10 =	sadd.s32 $0x8A80, s24;
	s21 =	sadd.s32 $0x8580, s24;
	(v2sf) =	vpush v1, $0x3  }
0x81: {  	s20 =	sadd.s32 $0x8600, s24;
	s0 =	sadd.s32 $0x880, s24;
	s23 =	sadd.s32 $0x580, s24  }
0x82: {  	s16 =	sadd.s32 $0x8700, s24;
	[dreg:$0x7] =	wrdreg s0;
	s12 =	sadd.s32 $0x800, s24;
	(v2sf) =	vpush v63, $0x3  }
0x83: {  	s0 =	sadd.s32 $0xB00, s24;
	s19 =	sadd.s32 $0x600, s24;
	[dreg:$0x11] =	wrdreg s12  }
0x84: {  	s12 =	sadd.s32 $0x8B00, s24;
	s22 =	sadd.s32 $0x400, s24;
	s1 =	sadd.s32 $0x8900, s24;
	(v2sf) =	vpush v1, $0x4  }
0x85: {  	[dreg:$0x3] =	wrdreg s1;
	s1 =	sadd.s32 $0x8A00, s24;
	s28 =	spop (v2sf)  }
0x86: {  	s26 =	sadd.s32 $0x500, s24;
	s28 =	sand.u32 $0x1FFFFFF0, s28;
	s29 =	spop (v2sf);
	(v2sf) =	vpush v63, $0x4  }
0x87: {  	s28 =	sadd.s32 s3, s28;
	s29 =	sand.u32 $0x1FFFFFF0, s29;
	s9 =	spop (v2sf)  }
0x88: {  	(v2sf) =	vpush v1, $0x5;
	[tilespmem:s22], [sflag:$0x1] =	stream.linear.gather [hbm4b:s28+s2], $0x80, $0x38;
	[tilespmem:$0x10400] =	vst v63  }
0x89: {  	s22 =	sadd.s32 s3, s29;
	s9 =	sand.u32 $0x1FFFFFF0, s9;
	s29 =	spop (v2sf);
	(v2sf) =	vpush v63, $0x5  }
0x8a: {  	[tilespmem:s4], [sflag:$0x5] =	stream.linear.gather [hbm4b:s22+s2], $0x80, $0x38;
	[tilespmem:$0x10400] =	vst v63  }
0x8b: {  	s28 =	sand.u32 $0x1FFFFFF0, s29;
	s29 =	spop (v2sf);
	(v2sf) =	vpush v1, $0x6;
	s22 =	sadd.s32 s3, s9  }
0x8c: {  	[tilespmem:s8], [sflag:$0x2] =	stream.linear.gather [hbm4b:s22+s2], $0x80, $0x38;
	[tilespmem:$0x10400] =	vst v63  }
0x8d: {  	s9 =	sadd.s32 s3, s28;
	s28 =	sand.u32 $0x1FFFFFF0, s29;
	s29 =	spop (v2sf);
	(v2sf) =	vpush v63, $0x6  }
0x8e: {  	[tilespmem:s5], [sflag:$0x6] =	stream.linear.gather [hbm4b:s9+s2], $0x80, $0x38;
	[tilespmem:$0x10400] =	vst v63  }
0x8f: {  	s8 =	sadd.s32 s3, s28;
	s22 =	spop (v2sf);
	s9 =	sand.u32 $0x1FFFFFF0, s29  }
0x90: {  	[tilespmem:s26], [sflag:$0x3] =	stream.linear.gather [hbm4b:s8+s2], $0x80, $0x38;
	[tilespmem:$0x10400] =	vst v63  }
0x91: {  	(v2sf) =	vpush v1, $0x7;
	s28 =	sand.u32 $0x1FFFFFF0, s22;
	s29 =	spop (v2sf);
	s26 =	sadd.s32 s3, s9  }
0x92: {  	(v2sf) =	vpush v63, $0x7;
	[tilespmem:s13], [sflag:$0x7] =	stream.linear.gather [hbm4b:s26+s2], $0x80, $0x38;
	[tilespmem:$0x10400] =	vst v63  }
0x93: {  	s5 =	sadd.s32 s3, s28;
	s8 =	sand.u32 $0x1FFFFFF0, s29;
	s9 =	spop (v2sf)  }
0x94: {  	(v2sf) =	vpush v1, $0x8;
	[tilespmem:s23], [sflag:$0x4] =	stream.linear.gather [hbm4b:s5+s2], $0x80, $0x38;
	[tilespmem:$0x10400] =	vst v63  }
0x95: {  	s30 =	sadd.s32 $0x10, s30;
	s22 =	sadd.s32 s3, s8;
	s26 =	spop (v2sf)  }
0x96: {  	[tilespmem:s21], [sflag:$0x8] =	stream.linear.gather [hbm4b:s22+s2], $0x80, $0x38;
	[tilespmem:$0x10400] =	vst v63  }
0x97: {  	s13 =	smov.u32 s1;
	s23 =	sand.u32 $0x1FFFFFF0, s9;
	s1 =	spop (v2sf)  }
0x98: {  	(v2sf) =	vpush v63, $0x8;
	s28 =	sadd.s32 s3, s23;
	s29 =	sand.u32 $0x1FFFFFF0, s26;
	s21 =	spop (v2sf)  }
0x99: {  	(v2sf) =	vpush v1, $0x9;
	[tilespmem:s19], [sflag:$0x1] =	stream.linear.gather [hbm4b:s28+s2], $0x80, $0x38;
	[tilespmem:$0x10400] =	vst v63  }
0x9a: {  	s9 =	sadd.s32 s3, s29;
	s19 =	sand.u32 $0x1FFFFFF0, s1;
	s26 =	spop (v2sf)  }
0x9b: {  	[tilespmem:s20], [sflag:$0x5] =	stream.linear.gather [hbm4b:s9+s2], $0x80, $0x38;
	[tilespmem:$0x10400] =	vst v63  }
0x9c: {  	s23 =	sand.u32 $0x1FFFFFF0, s21;
	s22 =	sadd.s32 s3, s19;
	s1 =	spop (v2sf)  }
0x9d: {  	(v2sf) =	vpush v63, $0x9;
	[tilespmem:s7], [sflag:$0x2] =	stream.linear.gather [hbm4b:s22+s2], $0x80, $0x38;
	[tilespmem:$0x10400] =	vst v63  }
0x9e: {  	s31 =	sadd.s32 $0x10, s31;
	s28 =	sadd.s32 s3, s23;
	s9 =	sand.u32 $0x1FFFFFF0, s1  }
0x9f: {  	(v2sf) =	vpush v1, $0xA;
	[tilespmem:s18], [sflag:$0x6] =	stream.linear.gather [hbm4b:s28+s2], $0x80, $0x38;
	[tilespmem:$0x10400] =	vst v63  }
0xa0: {  	s29 =	sand.u32 $0x1FFFFFF0, s26;
	s19 =	sadd.s32 s3, s9;
	s18 =	spop (v2sf)  }
0xa1: {  	(v2sf) =	vpush v63, $0xA;
	s7 =	sadd.s32 s3, s29;
	s20 =	sand.u32 $0x1FFFFFF0, s18;
	s21 =	spop (v2sf)  }
0xa2: {  	[tilespmem:s17], [sflag:$0x3] =	stream.linear.gather [hbm4b:s7+s2], $0x80, $0x38;
	[tilespmem:$0x10400] =	vst v63  }
0xa3: {  	s22 =	sadd.s32 s3, s20;
	s23 =	sand.u32 $0x1FFFFFF0, s21;
	s26 =	spop (v2sf)  }
0xa4: {  	[tilespmem:s16], [sflag:$0x7] =	stream.linear.gather [hbm4b:s19+s2], $0x80, $0x38;
	[tilespmem:$0x10400] =	vst v63  }
0xa5: {  	(v2sf) =	vpush v1, $0xB;
	s28 =	sadd.s32 s3, s23;
	s29 =	sand.u32 $0x1FFFFFF0, s26;
	s23 =	rddreg [dreg:$0x7]  }
0xa6: {  	[tilespmem:s15], [sflag:$0x4] =	stream.linear.gather [hbm4b:s22+s2], $0x80, $0x38;
	[tilespmem:$0x10400] =	vst v63  }
0xa7: {  	(v2sf) =	vpush v63, $0xB;
	s7 =	sadd.s32 s3, s29;
	s19 =	rddreg [dreg:$0xf];
	s1 =	spop (v2sf)  }
0xa8: {  	(v2sf) =	vpush v1, $0xC;
	s15 =	rddreg [dreg:$0x11];
	s8 =	sand.u32 $0x1FFFFFF0, s1;
	s9 =	spop (v2sf)  }
0xa9: {  	[tilespmem:s14], [sflag:$0x8] =	stream.linear.gather [hbm4b:s28+s2], $0x80, $0x38;
	[tilespmem:$0x10400] =	vst v63  }
0xaa: {  	(v2sf) =	vpush v63, $0xC;
	s14 =	rddreg [dreg:$0xd];
	s16 =	sadd.s32 s3, s8;
	s17 =	sand.u32 $0x1FFFFFF0, s9  }
0xab: {  	[tilespmem:s15], [sflag:$0x1] =	stream.linear.gather [hbm4b:s7+s2], $0x80, $0x38;
	[tilespmem:$0x10400] =	vst v63  }
0xac: {  	s18 =	spop (v2sf);
	s8 =	rddreg [dreg:$0xb];
	s20 =	sadd.s32 s3, s17  }
0xad: {  	[tilespmem:s19], [sflag:$0x5] =	stream.linear.gather [hbm4b:s16+s2], $0x80, $0x38;
	[tilespmem:$0x10400] =	vst v63  }
0xae: {  	s21 =	sand.u32 $0x1FFFFFF0, s18;
	s22 =	spop (v2sf);
	s17 =	rddreg [dreg:$0x9]  }
0xaf: {  	[tilespmem:s23], [sflag:$0x2] =	stream.linear.gather [hbm4b:s20+s2], $0x80, $0x38;
	[tilespmem:$0x10400] =	vst v63  }
0xb0: {  	s26 =	sadd.s32 s3, s21;
	s28 =	sand.u32 $0x1FFFFFF0, s22;
	s29 =	spop (v2sf)  }
0xb1: {  	[tilespmem:s8], [sflag:$0x6] =	stream.linear.gather [hbm4b:s26+s2], $0x80, $0x38;
	[tilespmem:$0x10400] =	vst v63  }
0xb2: {  	s21 =	rddreg [dreg:$0x3];
	s9 =	sadd.s32 s3, s28;
	s15 =	sand.u32 $0x1FFFFFF0, s29  }
0xb3: {  	[tilespmem:s17], [sflag:$0x3] =	stream.linear.gather [hbm4b:s9+s2], $0x80, $0x38;
	[tilespmem:$0x10400] =	vst v63  }
0xb4: {  	s29 =	rddreg [dreg:$0x5];
	s18 =	sadd.s32 s3, s15;
	s16 =	spop (v2sf)  }
0xb5: {  	(v2sf) =	vpush v1, $0xD;
	[tilespmem:s21], [sflag:$0x7] =	stream.linear.gather [hbm4b:s18+s2], $0x80, $0x38;
	[tilespmem:$0x10400] =	vst v63  }
.Ltmp0:
0xb6: {  	(v2sf) =	vpush v63, $0xD;
	s19 =	sand.u32 $0x1FFFFFF0, s16;
	s20 =	spop (v2sf);
	(pc) =	sbr.rel @p0 .LBB2_2-.Ltmp0, $4  }
0xb7: {  	(v2sf) =	vpush v1, $0xE;
	s22 =	sadd.s32 s3, s19;
	s23 =	sand.u32 $0x1FFFFFF0, s20;
	s26 =	spop (v2sf)  }
0xb8: {  	(v2sf) =	vpush v63, $0xE;
	[tilespmem:s6], [sflag:$0x4] =	stream.linear.gather [hbm4b:s22+s2], $0x80, $0x38;
	[tilespmem:$0x10400] =	vst v63  }
0xb9: {  	(v2sf) =	vpush v1, $0xF;
	s28 =	sadd.s32 s3, s23;
	s4 =	sand.u32 $0x1FFFFFF0, s26;
	s5 =	spop (v2sf)  }
0xba: {  	(v2sf) =	vpush v63, $0xF;
	[tilespmem:s29], [sflag:$0x8] =	stream.linear.gather [hbm4b:s28+s2], $0x80, $0x38;
	[tilespmem:$0x10400] =	vst v63  }
0xbb: {  	_ =	sdelay $0x4  }
0xbc: {  	s4 =	sadd.s32 s3, s4;
	s5 =	sand.u32 $0x1FFFFFF0, s5  }
0xbd: {  	[tilespmem:s11], [sflag:$0x1] =	stream.linear.gather [hbm4b:s4+s2], $0x80, $0x38;
	[tilespmem:$0x10400] =	vst v63  }
0xbe: {  	s20 =	sadd.s32 s3, s5  }
0xbf: {  	[tilespmem:s13], [sflag:$0x5] =	stream.linear.gather [hbm4b:s20+s2], $0x80, $0x38;
	[tilespmem:$0x10400] =	vst v63  }
0xc0: {  	s6 =	spop (v2sf)  }
0xc1: {  	s21 =	sand.u32 $0x1FFFFFF0, s6;
	s22 =	spop (v2sf)  }
0xc2: {  	s23 =	sadd.s32 s3, s21;
	s25 =	sand.u32 $0x1FFFFFF0, s22;
	s26 =	spop (v2sf)  }
0xc3: {  	[tilespmem:s14], [sflag:$0x2] =	stream.linear.gather [hbm4b:s23+s2], $0x80, $0x38;
	[tilespmem:$0x10400] =	vst v63  }
0xc4: {  	s28 =	sadd.s32 s3, s25;
	s29 =	sand.u32 $0x1FFFFFF0, s26;
	s1 =	spop (v2sf)  }
0xc5: {  	[tilespmem:s10], [sflag:$0x6] =	stream.linear.gather [hbm4b:s28+s2], $0x80, $0x38;
	[tilespmem:$0x10400] =	vst v63  }
0xc6: {  	s5 =	sadd.s32 s3, s29;
	s6 =	sand.u32 $0x1FFFFFF0, s1;
	s7 =	spop (v2sf)  }
0xc7: {  	[tilespmem:s0], [sflag:$0x3] =	stream.linear.gather [hbm4b:s5+s2], $0x80, $0x38;
	[tilespmem:$0x10400] =	vst v63  }
0xc8: {  	s8 =	sadd.s32 s3, s6;
	s9 =	sand.u32 $0x1FFFFFF0, s7;
	s10 =	spop (v2sf)  }
0xc9: {  	[tilespmem:s12], [sflag:$0x7] =	stream.linear.gather [hbm4b:s8+s2], $0x80, $0x38;
	[tilespmem:$0x10400] =	vst v63  }
0xca: {  	s11 =	sadd.s32 $0xB80, s24;
	s1 =	sadd.s32 s3, s9;
	s12 =	sand.u32 $0x1FFFFFF0, s10  }
0xcb: {  	[tilespmem:s11], [sflag:$0x4] =	stream.linear.gather [hbm4b:s1+s2], $0x80, $0x38;
	[tilespmem:$0x10400] =	vst v63  }
0xcc: {  	s15 =	simm.s32 $0x1;
	s13 =	sadd.s32 $0x8B80, s24;
	s14 =	sadd.s32 s3, s12  }
0xcd: {  	[tilespmem:s13], [sflag:$0x8] =	stream.linear.gather [hbm4b:s14+s2], $0x80, $0x38;
	[tilespmem:$0x10400] =	vst v63  }
0xce: {  	_ =	swait.ge [sflag:s15], $0x2000  }
0xcf: {  	[sflag:s15] =	ssyncset.done $0x0  }
0xd0: {  	s16 =	simm.s32 $0x5;
	[sflag:s15] =	ssyncadd.s32 $0xFFFFE000  }
0xd1: {  	_ =	swait.ge [sflag:s16], $0x2000  }
0xd2: {  	[sflag:s16] =	ssyncset.done $0x0  }
0xd3: {  	s17 =	simm.s32 $0x2;
	[sflag:s16] =	ssyncadd.s32 $0xFFFFE000  }
0xd4: {  	_ =	swait.ge [sflag:s17], $0x2000  }
0xd5: {  	[sflag:s17] =	ssyncset.done $0x0  }
0xd6: {  	s18 =	simm.s32 $0x6;
	[sflag:s17] =	ssyncadd.s32 $0xFFFFE000  }
0xd7: {  	_ =	swait.ge [sflag:s18], $0x2000  }
0xd8: {  	[sflag:s18] =	ssyncset.done $0x0  }
0xd9: {  	s19 =	simm.s32 $0x3;
	[sflag:s18] =	ssyncadd.s32 $0xFFFFE000  }
0xda: {  	_ =	swait.ge [sflag:s19], $0x2000  }
0xdb: {  	[sflag:s19] =	ssyncset.done $0x0  }
0xdc: {  	s20 =	simm.s32 $0x7;
	[sflag:s19] =	ssyncadd.s32 $0xFFFFE000  }
0xdd: {  	_ =	swait.ge [sflag:s20], $0x2000  }
0xde: {  	[sflag:s20] =	ssyncset.done $0x0  }
0xdf: {  	s21 =	simm.s32 $0x4;
	[sflag:s20] =	ssyncadd.s32 $0xFFFFE000  }
0xe0: {  	_ =	swait.ge [sflag:s21], $0x2000  }
0xe1: {  	[sflag:s21] =	ssyncset.done $0x0  }
0xe2: {  	s22 =	simm.s32 $0x8;
	[sflag:s21] =	ssyncadd.s32 $0xFFFFE000  }
0xe3: {  	_ =	swait.ge [sflag:s22], $0x2000  }
0xe4: {  	s23 =	simm.s32 $0x0;
	s25 =	simm.s32 $0x400;
	[sflag:s22] =	ssyncset.done $0x0  }
0xe5: {  	s26 =	simm.s32 $0x9;
	s24 =	rddreg [dreg:$0x15];
	[sflag:s22] =	ssyncadd.s32 $0xFFFFE000  }
0xe6: {  	[hbm4b:s24+s23] =	stream.linear.scatter [tilespmem:s25], [sflag:$0x9], $0x8000, $0x38;
	[tilespmem:$0x10400] =	vst v63  }
0xe7: {  	_ =	swait.ge [sflag:s26], $0x8000  }
0xe8: {  	[sflag:s26] =	ssyncset.done $0x0  }
0xe9: {  	s29 =	simm.s32 $0x8400;
	s28 =	rddreg [dreg:$0x16];
	[sflag:s26] =	ssyncadd.s32 $0xFFFF8000  }
0xea: {  	[hbm4b:s28+s23] =	stream.linear.scatter [tilespmem:s29], [sflag:$0x9], $0x8000, $0x38;
	[tilespmem:$0x10400] =	vst v63  }
0xeb: {  	_ =	swait.ge [sflag:s26], $0x8000  }
0xec: {  	[sflag:s26] =	ssyncset.done $0x0  }
0xed: {  	s6 =	simm.s32 $0x100;
	[sflag:s26] =	ssyncadd.s32 $0xFFFF8000  }
0xee: {  	s7 =	simm.s32 $0x300;
	v0 =	vld [tilespmem:s6+$0x0]  }
0xef: {  	v2 =	vld [tilespmem:s7+$0x0];
	_ =	sdelay $0x3  }
0xf0: {  	v1 =	vshll.u32 v0, $0x4  }
0xf1: {  	v63 =	vshll.u32 v2, $0x4;
	(v2sf) =	vpush v1, $0x0  }
0xf2: {  	(v2sf) =	vpush v63, $0x0  }
0xf3: {  	(v2sf) =	vpush v1, $0x1;
	_ =	sdelay $0x1  }
0xf4: {  	(v2sf) =	vpush v63, $0x1;
	_ =	sdelay $0x2  }
0xf5: {  	(v2sf) =	vpush v1, $0x2;
	_ =	sdelay $0x1  }
0xf6: {  	(v2sf) =	vpush v63, $0x2  }
0xf7: {  	s30 =	simm.s32 $0x110  }
0xf8: {  	s31 =	simm.s32 $0x310;
	s4 =	simm.s32 $0x680;
	s9 =	simm.s32 $0x580;
	(v2sf) =	vpush v1, $0x3  }
0xf9: {  	s0 =	simm.s32 $0x8900;
	s8 =	simm.s32 $0x8400;
	s10 =	simm.s32 $0x400  }
0xfa: {  	s12 =	simm.s32 $0x600;
	s1 =	simm.s32 $0x880;
	s16 =	simm.s32 $0x480;
	(v2sf) =	vpush v63, $0x3  }
0xfb: {  	s19 =	simm.s32 $0x8480;
	s21 =	simm.s32 $0x500;
	s25 =	simm.s32 $0x2000  }
0xfc: {  	s24 =	simm.s32 $0x0;
	s26 =	simm.s32 $0x8500;
	s7 =	spop (v2sf)  }
0xfd: {  	s6 =	simm.s32 $0x8580;
	s7 =	sand.u32 $0x1FFFFFF0, s7;
	s11 =	spop (v2sf)  }
0xfe: {  	(v2sf) =	vpush v1, $0x4;
	s7 =	sadd.s32 s3, s7;
	s13 =	sand.u32 $0x1FFFFFF0, s11;
	s14 =	spop (v2sf)  }
0xff: {  	(v2sf) =	vpush v63, $0x4;
	[tilespmem:s10], [sflag:$0x1] =	stream.linear.gather [hbm4b:s7+s2], $0x80, $0x38;
	[tilespmem:$0x10400] =	vst v63  }
0x100: {  	s11 =	simm.s32 $0x8600;
	s7 =	sadd.s32 s3, s13;
	s15 =	spop (v2sf)  }
0x101: {  	s10 =	sand.u32 $0x1FFFFFF0, s14;
	(v2sf) =	vpush v1, $0x5;
	s13 =	simm.s32 $0x8A00;
	s18 =	sand.u32 $0x1FFFFFF0, s15  }
0x102: {  	[tilespmem:s8], [sflag:$0x5] =	stream.linear.gather [hbm4b:s7+s2], $0x80, $0x38;
	[tilespmem:$0x10400] =	vst v63  }
0x103: {  	s17 =	sadd.s32 s3, s10;
	s20 =	spop (v2sf);
	(v2sf) =	vpush v63, $0x5;
	s10 =	sadd.s32 s3, s18  }
0x104: {  	[tilespmem:s16], [sflag:$0x2] =	stream.linear.gather [hbm4b:s17+s2], $0x80, $0x38;
	[tilespmem:$0x10400] =	vst v63  }
0x105: {  	(v2sf) =	vpush v1, $0x6;
	s7 =	sand.u32 $0x1FFFFFF0, s20;
	s22 =	spop (v2sf);
	s18 =	simm.s32 $0x8680  }
0x106: {  	[tilespmem:s19], [sflag:$0x6] =	stream.linear.gather [hbm4b:s10+s2], $0x80, $0x38;
	[tilespmem:$0x10400] =	vst v63  }
0x107: {  	s7 =	sadd.s32 s3, s7;
	s23 =	spop (v2sf);
	(v2sf) =	vpush v63, $0x6;
	s10 =	sand.u32 $0x1FFFFFF0, s22  }
0x108: {  	[tilespmem:s21], [sflag:$0x3] =	stream.linear.gather [hbm4b:s7+s2], $0x80, $0x38;
	[tilespmem:$0x10400] =	vst v63  }
0x109: {  	s29 =	sand.u32 $0x1FFFFFF0, s23;
	s8 =	spop (v2sf);
	s28 =	sadd.s32 s3, s10  }
0x10a: {  	[tilespmem:s26], [sflag:$0x7] =	stream.linear.gather [hbm4b:s28+s2], $0x80, $0x38;
	[tilespmem:$0x10400] =	vst v63  }
0x10b: {  	s20 =	simm.s32 $0x700;
	(v2sf) =	vpush v1, $0x7;
	s5 =	sand.u32 $0x1FFFFFF0, s8;
	s10 =	sadd.s32 s3, s29  }
0x10c: {  	[tilespmem:s9], [sflag:$0x4] =	stream.linear.gather [hbm4b:s10+s2], $0x80, $0x38;
	[tilespmem:$0x10400] =	vst v63  }
0x10d: {  	(v2sf) =	vpush v63, $0x7;
	s5 =	sadd.s32 s3, s5;
	s14 =	spop (v2sf);
	s10 =	simm.s32 $0x8A80  }
0x10e: {  	s9 =	sand.u32 $0x1FFFFFF0, s14;
	s15 =	spop (v2sf);
	s14 =	simm.s32 $0xA80  }
0x10f: {  	(v2sf) =	vpush v1, $0x8;
	[tilespmem:s6], [sflag:$0x8] =	stream.linear.gather [hbm4b:s5+s2], $0x80, $0x38;
	[tilespmem:$0x10400] =	vst v63  }
0x110: {  	s16 =	sadd.s32 s3, s9;
	s17 =	sand.u32 $0x1FFFFFF0, s15;
	s19 =	spop (v2sf)  }
0x111: {  	[tilespmem:s12], [sflag:$0x1] =	stream.linear.gather [hbm4b:s16+s2], $0x80, $0x38;
	[tilespmem:$0x10400] =	vst v63  }
0x112: {  	(v2sf) =	vpush v63, $0x8;
	s6 =	sadd.s32 s3, s17;
	s21 =	sand.u32 $0x1FFFFFF0, s19;
	s22 =	spop (v2sf)  }
0x113: {  	s16 =	simm.s32 $0x780;
	s19 =	simm.s32 $0x8780;
	s7 =	sadd.s32 s3, s21  }
0x114: {  	(v2sf) =	vpush v1, $0x9;
	s23 =	sand.u32 $0x1FFFFFF0, s22;
	s26 =	spop (v2sf);
	s21 =	simm.s32 $0x800  }
0x115: {  	[tilespmem:s11], [sflag:$0x5] =	stream.linear.gather [hbm4b:s6+s2], $0x80, $0x38;
	[tilespmem:$0x10400] =	vst v63  }
0x116: {  	(v2sf) =	vpush v63, $0x9;
	s28 =	sadd.s32 s3, s23;
	s8 =	sand.u32 $0x1FFFFFF0, s26;
	s29 =	spop (v2sf)  }
0x117: {  	[tilespmem:s4], [sflag:$0x2] =	stream.linear.gather [hbm4b:s7+s2], $0x80, $0x38;
	[tilespmem:$0x10400] =	vst v63  }
0x118: {  	(v2sf) =	vpush v1, $0xA;
	s11 =	simm.s32 $0x8700;
	s26 =	simm.s32 $0x8800;
	s9 =	sadd.s32 s3, s8  }
0x119: {  	[tilespmem:s18], [sflag:$0x6] =	stream.linear.gather [hbm4b:s28+s2], $0x80, $0x38;
	[tilespmem:$0x10400] =	vst v63  }
0x11a: {  	(v2sf) =	vpush v63, $0xA;
	s5 =	sand.u32 $0x1FFFFFF0, s29;
	s12 =	spop (v2sf);
	s8 =	simm.s32 $0x8880  }
0x11b: {  	[tilespmem:s20], [sflag:$0x3] =	stream.linear.gather [hbm4b:s9+s2], $0x80, $0x38;
	[tilespmem:$0x10400] =	vst v63  }
0x11c: {  	(v2sf) =	vpush v1, $0xB;
	s5 =	sadd.s32 s3, s5;
	s7 =	sand.u32 $0x1FFFFFF0, s12;
	s15 =	spop (v2sf)  }
0x11d: {  	[tilespmem:s11], [sflag:$0x7] =	stream.linear.gather [hbm4b:s5+s2], $0x80, $0x38;
	[tilespmem:$0x10400] =	vst v63  }
0x11e: {  	(v2sf) =	vpush v63, $0xB;
	s17 =	sadd.s32 s3, s7;
	s18 =	sand.u32 $0x1FFFFFF0, s15;
	s20 =	spop (v2sf)  }
0x11f: {  	[tilespmem:s16], [sflag:$0x4] =	stream.linear.gather [hbm4b:s17+s2], $0x80, $0x38;
	[tilespmem:$0x10400] =	vst v63  }
0x120: {  	s4 =	simm.s32 $0x8980;
	s7 =	sadd.s32 s3, s18;
	s6 =	sand.u32 $0x1FFFFFF0, s20  }
0x121: {  	s11 =	simm.s32 $0x900;
	s22 =	spop (v2sf);
	s6 =	sadd.s32 s3, s6  }
0x122: {  	(v2sf) =	vpush v1, $0xC;
	[tilespmem:s19], [sflag:$0x8] =	stream.linear.gather [hbm4b:s7+s2], $0x80, $0x38;
	[tilespmem:$0x10400] =	vst v63  }
0x123: {  	s7 =	sand.u32 $0x1FFFFFF0, s22;
	s23 =	spop (v2sf);
	s22 =	simm.s32 $0x980  }
0x124: {  	(v2sf) =	vpush v63, $0xC;
	[tilespmem:s21], [sflag:$0x1] =	stream.linear.gather [hbm4b:s6+s2], $0x80, $0x38;
	[tilespmem:$0x10400] =	vst v63  }
0x125: {  	s28 =	sadd.s32 s3, s7;
	s29 =	sand.u32 $0x1FFFFFF0, s23;
	s9 =	spop (v2sf)  }
0x126: {  	[tilespmem:s26], [sflag:$0x5] =	stream.linear.gather [hbm4b:s28+s2], $0x80, $0x38;
	[tilespmem:$0x10400] =	vst v63  }
0x127: {  	s7 =	sadd.s32 s3, s29;
	s6 =	sand.u32 $0x1FFFFFF0, s9;
	s12 =	spop (v2sf)  }
0x128: {  	[tilespmem:s1], [sflag:$0x2] =	stream.linear.gather [hbm4b:s7+s2], $0x80, $0x38;
	[tilespmem:$0x10400] =	vst v63  }
0x129: {  	s6 =	sadd.s32 s3, s6;
	s15 =	spop (v2sf);
	s7 =	sand.u32 $0x1FFFFFF0, s12  }
0x12a: {  	[tilespmem:s8], [sflag:$0x6] =	stream.linear.gather [hbm4b:s6+s2], $0x80, $0x38;
	[tilespmem:$0x10400] =	vst v63  }
0x12b: {  	s17 =	sand.u32 $0x1FFFFFF0, s15;
	s18 =	spop (v2sf);
	s16 =	sadd.s32 s3, s7  }
0x12c: {  	[tilespmem:s11], [sflag:$0x3] =	stream.linear.gather [hbm4b:s16+s2], $0x80, $0x38;
	[tilespmem:$0x10400] =	vst v63  }
0x12d: {  	s19 =	sadd.s32 s3, s17;
	s20 =	sand.u32 $0x1FFFFFF0, s18;
	s21 =	spop (v2sf)  }
0x12e: {  	(v2sf) =	vpush v1, $0xD;
	[tilespmem:s0], [sflag:$0x7] =	stream.linear.gather [hbm4b:s19+s2], $0x80, $0x38;
	[tilespmem:$0x10400] =	vst v63  }
0x12f: {  	(v2sf) =	vpush v63, $0xD;
	s23 =	sadd.s32 s3, s20;
	s26 =	sand.u32 $0x1FFFFFF0, s21;
	s12 =	simm.s32 $0x8B00  }
0x130: {  	(v2sf) =	vpush v1, $0xE;
	[tilespmem:s22], [sflag:$0x4] =	stream.linear.gather [hbm4b:s23+s2], $0x80, $0x38;
	[tilespmem:$0x10400] =	vst v63  }
0x131: {  	s28 =	sadd.s32 s3, s26;
	(v2sf) =	vpush v63, $0xE;
	s11 =	simm.s32 $0xA00;
	s29 =	spop (v2sf)  }
0x132: {  	(v2sf) =	vpush v1, $0xF;
	[tilespmem:s4], [sflag:$0x8] =	stream.linear.gather [hbm4b:s28+s2], $0x80, $0x38;
	[tilespmem:$0x10400] =	vst v63  }
0x133: {  	(v2sf) =	vpush v63, $0xF;
	s0 =	simm.s32 $0xB00;
	s5 =	sand.u32 $0x1FFFFFF0, s29;
	s4 =	spop (v2sf)  }
.LBB2_4:
0x134: {  	_ =	sdelay $0x4  }
0x135: {  	s5 =	sadd.s32 s3, s5;
	s4 =	sand.u32 $0x1FFFFFF0, s4  }
0x136: {  	[tilespmem:s11], [sflag:$0x1] =	stream.linear.gather [hbm4b:s5+s2], $0x80, $0x38;
	[tilespmem:$0x10400] =	vst v63  }
0x137: {  	s4 =	sadd.s32 s3, s4  }
0x138: {  	[tilespmem:s13], [sflag:$0x5] =	stream.linear.gather [hbm4b:s4+s2], $0x80, $0x38;
	[tilespmem:$0x10400] =	vst v63  }
0x139: {  	s6 =	spop (v2sf)  }
0x13a: {  	s6 =	sand.u32 $0x1FFFFFF0, s6;
	s7 =	spop (v2sf)  }
0x13b: {  	s8 =	sadd.s32 s3, s6;
	s9 =	sand.u32 $0x1FFFFFF0, s7;
	s11 =	spop (v2sf)  }
0x13c: {  	[tilespmem:s14], [sflag:$0x2] =	stream.linear.gather [hbm4b:s8+s2], $0x80, $0x38;
	[tilespmem:$0x10400] =	vst v63  }
0x13d: {  	s13 =	sadd.s32 s3, s9;
	s14 =	sand.u32 $0x1FFFFFF0, s11;
	s15 =	spop (v2sf)  }
0x13e: {  	[tilespmem:s10], [sflag:$0x6] =	stream.linear.gather [hbm4b:s13+s2], $0x80, $0x38;
	[tilespmem:$0x10400] =	vst v63  }
0x13f: {  	s16 =	sadd.s32 s3, s14;
	s17 =	sand.u32 $0x1FFFFFF0, s15;
	s18 =	spop (v2sf)  }
0x140: {  	[tilespmem:s0], [sflag:$0x3] =	stream.linear.gather [hbm4b:s16+s2], $0x80, $0x38;
	[tilespmem:$0x10400] =	vst v63  }
0x141: {  	s19 =	sadd.s32 s3, s17;
	s20 =	sand.u32 $0x1FFFFFF0, s18;
	s21 =	spop (v2sf)  }
0x142: {  	[tilespmem:s12], [sflag:$0x7] =	stream.linear.gather [hbm4b:s19+s2], $0x80, $0x38;
	[tilespmem:$0x10400] =	vst v63  }
0x143: {  	s22 =	sadd.s32 $0xB80, s24;
	s1 =	sadd.s32 s3, s20;
	s23 =	sand.u32 $0x1FFFFFF0, s21  }
0x144: {  	[tilespmem:s22], [sflag:$0x4] =	stream.linear.gather [hbm4b:s1+s2], $0x80, $0x38;
	[tilespmem:$0x10400] =	vst v63  }
0x145: {  	s26 =	sadd.s32 $0x8B80, s24;
	s28 =	sadd.s32 s3, s23  }
0x146: {  	[tilespmem:s26], [sflag:$0x8] =	stream.linear.gather [hbm4b:s28+s2], $0x80, $0x38;
	[tilespmem:$0x10400] =	vst v63  }
0x147: {  	v0 =	vld [tilespmem:s30+$0x0]  }
0x148: {  	v2 =	vld [tilespmem:s31+$0x0];
	_ =	sdelay $0x3  }
0x149: {  	v1 =	vshll.u32 v0, $0x4  }
0x14a: {  	v63 =	vshll.u32 v2, $0x4;
	(v2sf) =	vpush v1, $0x0  }
0x14b: {  	s29 =	smov.u32 s25;
	(v2sf) =	vpush v63, $0x0  }
0x14c: {  	p0 =	sne.s32 s25, $0x1E000;
	s24 =	sshra.s32 s29, $0x2;
	(v2sf) =	vpush v1, $0x1  }
0x14d: {  	s25 =	sadd.s32 $0x2000, s25;
	s5 =	sadd.s32 $0xA80, s24;
	s4 =	sadd.s32 $0x8400, s24  }
0x14e: {  	[dreg:$0xe] =	wrdreg s5;
	s5 =	sadd.s32 $0x8480, s24;
	s6 =	sadd.s32 $0x8980, s24;
	(v2sf) =	vpush v63, $0x1  }
0x14f: {  	s7 =	sadd.s32 $0x680, s24;
	[dreg:$0x6] =	wrdreg s6;
	s8 =	sadd.s32 $0x8880, s24  }
0x150: {  	s9 =	sadd.s32 $0x900, s24;
	s11 =	sadd.s32 $0x8800, s24;
	[dreg:$0xc] =	wrdreg s8;
	(v2sf) =	vpush v1, $0x2  }
0x151: {  	s6 =	sadd.s32 $0x980, s24;
	[dreg:$0xa] =	wrdreg s9;
	s15 =	sadd.s32 $0x780, s24  }
0x152: {  	[dreg:$0x10] =	wrdreg s11;
	s11 =	sadd.s32 $0xA00, s24;
	s8 =	sadd.s32 $0x480, s24;
	(v2sf) =	vpush v63, $0x2  }
0x153: {  	s14 =	sadd.s32 $0x8780, s24;
	s13 =	sadd.s32 $0x8500, s24;
	s18 =	sadd.s32 $0x8680, s24  }
0x154: {  	s17 =	sadd.s32 $0x700, s24;
	s10 =	sadd.s32 $0x8A80, s24;
	s21 =	sadd.s32 $0x8580, s24;
	(v2sf) =	vpush v1, $0x3  }
0x155: {  	s20 =	sadd.s32 $0x8600, s24;
	s0 =	sadd.s32 $0x880, s24;
	s23 =	sadd.s32 $0x580, s24  }
0x156: {  	s16 =	sadd.s32 $0x8700, s24;
	[dreg:$0x8] =	wrdreg s0;
	s12 =	sadd.s32 $0x800, s24;
	(v2sf) =	vpush v63, $0x3  }
0x157: {  	s0 =	sadd.s32 $0xB00, s24;
	s19 =	sadd.s32 $0x600, s24;
	[dreg:$0x12] =	wrdreg s12  }
0x158: {  	s12 =	sadd.s32 $0x8B00, s24;
	s22 =	sadd.s32 $0x400, s24;
	s1 =	sadd.s32 $0x8900, s24;
	(v2sf) =	vpush v1, $0x4  }
0x159: {  	[dreg:$0x4] =	wrdreg s1;
	s1 =	sadd.s32 $0x8A00, s24;
	s28 =	spop (v2sf)  }
0x15a: {  	s26 =	sadd.s32 $0x500, s24;
	s28 =	sand.u32 $0x1FFFFFF0, s28;
	s29 =	spop (v2sf);
	(v2sf) =	vpush v63, $0x4  }
0x15b: {  	s28 =	sadd.s32 s3, s28;
	s29 =	sand.u32 $0x1FFFFFF0, s29;
	s9 =	spop (v2sf)  }
0x15c: {  	(v2sf) =	vpush v1, $0x5;
	[tilespmem:s22], [sflag:$0x1] =	stream.linear.gather [hbm4b:s28+s2], $0x80, $0x38;
	[tilespmem:$0x10400] =	vst v63  }
0x15d: {  	s22 =	sadd.s32 s3, s29;
	s9 =	sand.u32 $0x1FFFFFF0, s9;
	s29 =	spop (v2sf);
	(v2sf) =	vpush v63, $0x5  }
0x15e: {  	[tilespmem:s4], [sflag:$0x5] =	stream.linear.gather [hbm4b:s22+s2], $0x80, $0x38;
	[tilespmem:$0x10400] =	vst v63  }
0x15f: {  	s28 =	sand.u32 $0x1FFFFFF0, s29;
	s29 =	spop (v2sf);
	(v2sf) =	vpush v1, $0x6;
	s22 =	sadd.s32 s3, s9  }
0x160: {  	[tilespmem:s8], [sflag:$0x2] =	stream.linear.gather [hbm4b:s22+s2], $0x80, $0x38;
	[tilespmem:$0x10400] =	vst v63  }
0x161: {  	s9 =	sadd.s32 s3, s28;
	s28 =	sand.u32 $0x1FFFFFF0, s29;
	s29 =	spop (v2sf);
	(v2sf) =	vpush v63, $0x6  }
0x162: {  	[tilespmem:s5], [sflag:$0x6] =	stream.linear.gather [hbm4b:s9+s2], $0x80, $0x38;
	[tilespmem:$0x10400] =	vst v63  }
0x163: {  	s8 =	sadd.s32 s3, s28;
	s22 =	spop (v2sf);
	s9 =	sand.u32 $0x1FFFFFF0, s29  }
0x164: {  	[tilespmem:s26], [sflag:$0x3] =	stream.linear.gather [hbm4b:s8+s2], $0x80, $0x38;
	[tilespmem:$0x10400] =	vst v63  }
0x165: {  	(v2sf) =	vpush v1, $0x7;
	s28 =	sand.u32 $0x1FFFFFF0, s22;
	s29 =	spop (v2sf);
	s26 =	sadd.s32 s3, s9  }
0x166: {  	(v2sf) =	vpush v63, $0x7;
	[tilespmem:s13], [sflag:$0x7] =	stream.linear.gather [hbm4b:s26+s2], $0x80, $0x38;
	[tilespmem:$0x10400] =	vst v63  }
0x167: {  	s5 =	sadd.s32 s3, s28;
	s8 =	sand.u32 $0x1FFFFFF0, s29;
	s9 =	spop (v2sf)  }
0x168: {  	(v2sf) =	vpush v1, $0x8;
	[tilespmem:s23], [sflag:$0x4] =	stream.linear.gather [hbm4b:s5+s2], $0x80, $0x38;
	[tilespmem:$0x10400] =	vst v63  }
0x169: {  	s30 =	sadd.s32 $0x10, s30;
	s22 =	sadd.s32 s3, s8;
	s26 =	spop (v2sf)  }
0x16a: {  	[tilespmem:s21], [sflag:$0x8] =	stream.linear.gather [hbm4b:s22+s2], $0x80, $0x38;
	[tilespmem:$0x10400] =	vst v63  }
0x16b: {  	s13 =	smov.u32 s1;
	s23 =	sand.u32 $0x1FFFFFF0, s9;
	s1 =	spop (v2sf)  }
0x16c: {  	(v2sf) =	vpush v63, $0x8;
	s28 =	sadd.s32 s3, s23;
	s29 =	sand.u32 $0x1FFFFFF0, s26;
	s21 =	spop (v2sf)  }
0x16d: {  	(v2sf) =	vpush v1, $0x9;
	[tilespmem:s19], [sflag:$0x1] =	stream.linear.gather [hbm4b:s28+s2], $0x80, $0x38;
	[tilespmem:$0x10400] =	vst v63  }
0x16e: {  	s9 =	sadd.s32 s3, s29;
	s19 =	sand.u32 $0x1FFFFFF0, s1;
	s26 =	spop (v2sf)  }
0x16f: {  	[tilespmem:s20], [sflag:$0x5] =	stream.linear.gather [hbm4b:s9+s2], $0x80, $0x38;
	[tilespmem:$0x10400] =	vst v63  }
0x170: {  	s23 =	sand.u32 $0x1FFFFFF0, s21;
	s22 =	sadd.s32 s3, s19;
	s1 =	spop (v2sf)  }
0x171: {  	(v2sf) =	vpush v63, $0x9;
	[tilespmem:s7], [sflag:$0x2] =	stream.linear.gather [hbm4b:s22+s2], $0x80, $0x38;
	[tilespmem:$0x10400] =	vst v63  }
0x172: {  	s31 =	sadd.s32 $0x10, s31;
	s28 =	sadd.s32 s3, s23;
	s9 =	sand.u32 $0x1FFFFFF0, s1  }
0x173: {  	(v2sf) =	vpush v1, $0xA;
	[tilespmem:s18], [sflag:$0x6] =	stream.linear.gather [hbm4b:s28+s2], $0x80, $0x38;
	[tilespmem:$0x10400] =	vst v63  }
0x174: {  	s29 =	sand.u32 $0x1FFFFFF0, s26;
	s19 =	sadd.s32 s3, s9;
	s18 =	spop (v2sf)  }
0x175: {  	(v2sf) =	vpush v63, $0xA;
	s7 =	sadd.s32 s3, s29;
	s20 =	sand.u32 $0x1FFFFFF0, s18;
	s21 =	spop (v2sf)  }
0x176: {  	[tilespmem:s17], [sflag:$0x3] =	stream.linear.gather [hbm4b:s7+s2], $0x80, $0x38;
	[tilespmem:$0x10400] =	vst v63  }
0x177: {  	s22 =	sadd.s32 s3, s20;
	s23 =	sand.u32 $0x1FFFFFF0, s21;
	s26 =	spop (v2sf)  }
0x178: {  	[tilespmem:s16], [sflag:$0x7] =	stream.linear.gather [hbm4b:s19+s2], $0x80, $0x38;
	[tilespmem:$0x10400] =	vst v63  }
0x179: {  	(v2sf) =	vpush v1, $0xB;
	s28 =	sadd.s32 s3, s23;
	s29 =	sand.u32 $0x1FFFFFF0, s26;
	s23 =	rddreg [dreg:$0x8]  }
0x17a: {  	[tilespmem:s15], [sflag:$0x4] =	stream.linear.gather [hbm4b:s22+s2], $0x80, $0x38;
	[tilespmem:$0x10400] =	vst v63  }
0x17b: {  	(v2sf) =	vpush v63, $0xB;
	s7 =	sadd.s32 s3, s29;
	s19 =	rddreg [dreg:$0x10];
	s1 =	spop (v2sf)  }
0x17c: {  	(v2sf) =	vpush v1, $0xC;
	s15 =	rddreg [dreg:$0x12];
	s8 =	sand.u32 $0x1FFFFFF0, s1;
	s9 =	spop (v2sf)  }
0x17d: {  	[tilespmem:s14], [sflag:$0x8] =	stream.linear.gather [hbm4b:s28+s2], $0x80, $0x38;
	[tilespmem:$0x10400] =	vst v63  }
0x17e: {  	(v2sf) =	vpush v63, $0xC;
	s14 =	rddreg [dreg:$0xe];
	s16 =	sadd.s32 s3, s8;
	s17 =	sand.u32 $0x1FFFFFF0, s9  }
0x17f: {  	[tilespmem:s15], [sflag:$0x1] =	stream.linear.gather [hbm4b:s7+s2], $0x80, $0x38;
	[tilespmem:$0x10400] =	vst v63  }
0x180: {  	s18 =	spop (v2sf);
	s8 =	rddreg [dreg:$0xc];
	s20 =	sadd.s32 s3, s17  }
0x181: {  	[tilespmem:s19], [sflag:$0x5] =	stream.linear.gather [hbm4b:s16+s2], $0x80, $0x38;
	[tilespmem:$0x10400] =	vst v63  }
0x182: {  	s21 =	sand.u32 $0x1FFFFFF0, s18;
	s22 =	spop (v2sf);
	s17 =	rddreg [dreg:$0xa]  }
0x183: {  	[tilespmem:s23], [sflag:$0x2] =	stream.linear.gather [hbm4b:s20+s2], $0x80, $0x38;
	[tilespmem:$0x10400] =	vst v63  }
0x184: {  	s26 =	sadd.s32 s3, s21;
	s28 =	sand.u32 $0x1FFFFFF0, s22;
	s29 =	spop (v2sf)  }
0x185: {  	[tilespmem:s8], [sflag:$0x6] =	stream.linear.gather [hbm4b:s26+s2], $0x80, $0x38;
	[tilespmem:$0x10400] =	vst v63  }
0x186: {  	s21 =	rddreg [dreg:$0x4];
	s9 =	sadd.s32 s3, s28;
	s15 =	sand.u32 $0x1FFFFFF0, s29  }
0x187: {  	[tilespmem:s17], [sflag:$0x3] =	stream.linear.gather [hbm4b:s9+s2], $0x80, $0x38;
	[tilespmem:$0x10400] =	vst v63  }
0x188: {  	s29 =	rddreg [dreg:$0x6];
	s18 =	sadd.s32 s3, s15;
	s16 =	spop (v2sf)  }
0x189: {  	(v2sf) =	vpush v1, $0xD;
	[tilespmem:s21], [sflag:$0x7] =	stream.linear.gather [hbm4b:s18+s2], $0x80, $0x38;
	[tilespmem:$0x10400] =	vst v63  }
.Ltmp1:
0x18a: {  	(v2sf) =	vpush v63, $0xD;
	s19 =	sand.u32 $0x1FFFFFF0, s16;
	s20 =	spop (v2sf);
	(pc) =	sbr.rel @p0 .LBB2_4-.Ltmp1, $4  }
0x18b: {  	(v2sf) =	vpush v1, $0xE;
	s22 =	sadd.s32 s3, s19;
	s23 =	sand.u32 $0x1FFFFFF0, s20;
	s26 =	spop (v2sf)  }
0x18c: {  	(v2sf) =	vpush v63, $0xE;
	[tilespmem:s6], [sflag:$0x4] =	stream.linear.gather [hbm4b:s22+s2], $0x80, $0x38;
	[tilespmem:$0x10400] =	vst v63  }
0x18d: {  	(v2sf) =	vpush v1, $0xF;
	s28 =	sadd.s32 s3, s23;
	s5 =	sand.u32 $0x1FFFFFF0, s26;
	s4 =	spop (v2sf)  }
0x18e: {  	(v2sf) =	vpush v63, $0xF;
	[tilespmem:s29], [sflag:$0x8] =	stream.linear.gather [hbm4b:s28+s2], $0x80, $0x38;
	[tilespmem:$0x10400] =	vst v63  }
0x18f: {  	_ =	sdelay $0x4  }
0x190: {  	s5 =	sadd.s32 s3, s5;
	s4 =	sand.u32 $0x1FFFFFF0, s4  }
0x191: {  	[tilespmem:s11], [sflag:$0x1] =	stream.linear.gather [hbm4b:s5+s2], $0x80, $0x38;
	[tilespmem:$0x10400] =	vst v63  }
0x192: {  	s4 =	sadd.s32 s3, s4  }
0x193: {  	[tilespmem:s13], [sflag:$0x5] =	stream.linear.gather [hbm4b:s4+s2], $0x80, $0x38;
	[tilespmem:$0x10400] =	vst v63  }
0x194: {  	s9 =	spop (v2sf)  }
0x195: {  	s4 =	sand.u32 $0x1FFFFFF0, s9  }
0x196: {  	s11 =	spop (v2sf);
	s4 =	sadd.s32 s3, s4  }
0x197: {  	[tilespmem:s14], [sflag:$0x2] =	stream.linear.gather [hbm4b:s4+s2], $0x80, $0x38;
	[tilespmem:$0x10400] =	vst v63  }
0x198: {  	s4 =	sand.u32 $0x1FFFFFF0, s11  }
0x199: {  	s13 =	spop (v2sf);
	s4 =	sadd.s32 s3, s4  }
0x19a: {  	[tilespmem:s10], [sflag:$0x6] =	stream.linear.gather [hbm4b:s4+s2], $0x80, $0x38;
	[tilespmem:$0x10400] =	vst v63  }
0x19b: {  	s4 =	sand.u32 $0x1FFFFFF0, s13  }
0x19c: {  	s14 =	spop (v2sf);
	s4 =	sadd.s32 s3, s4  }
0x19d: {  	[tilespmem:s0], [sflag:$0x3] =	stream.linear.gather [hbm4b:s4+s2], $0x80, $0x38;
	[tilespmem:$0x10400] =	vst v63  }
0x19e: {  	s0 =	sand.u32 $0x1FFFFFF0, s14  }
0x19f: {  	s15 =	spop (v2sf);
	s0 =	sadd.s32 s3, s0  }
0x1a0: {  	[tilespmem:s12], [sflag:$0x7] =	stream.linear.gather [hbm4b:s0+s2], $0x80, $0x38;
	[tilespmem:$0x10400] =	vst v63  }
0x1a1: {  	s0 =	sand.u32 $0x1FFFFFF0, s15  }
0x1a2: {  	s1 =	sadd.s32 $0xB80, s24;
	s16 =	spop (v2sf);
	s0 =	sadd.s32 s3, s0  }
0x1a3: {  	[tilespmem:s1], [sflag:$0x4] =	stream.linear.gather [hbm4b:s0+s2], $0x80, $0x38;
	[tilespmem:$0x10400] =	vst v63  }
0x1a4: {  	s0 =	sand.u32 $0x1FFFFFF0, s16  }
0x1a5: {  	s17 =	sadd.s32 $0x8B80, s24;
	s18 =	simm.s32 $0x1;
	s0 =	sadd.s32 s3, s0  }
0x1a6: {  	[tilespmem:s17], [sflag:$0x8] =	stream.linear.gather [hbm4b:s0+s2], $0x80, $0x38;
	[tilespmem:$0x10400] =	vst v63  }
0x1a7: {  	_ =	swait.ge [sflag:s18], $0x2000  }
0x1a8: {  	[sflag:s18] =	ssyncset.done $0x0  }
0x1a9: {  	s19 =	simm.s32 $0x5;
	[sflag:s18] =	ssyncadd.s32 $0xFFFFE000  }
0x1aa: {  	_ =	swait.ge [sflag:s19], $0x2000  }
0x1ab: {  	[sflag:s19] =	ssyncset.done $0x0  }
0x1ac: {  	s20 =	simm.s32 $0x2;
	[sflag:s19] =	ssyncadd.s32 $0xFFFFE000  }
0x1ad: {  	_ =	swait.ge [sflag:s20], $0x2000  }
0x1ae: {  	[sflag:s20] =	ssyncset.done $0x0  }
0x1af: {  	s21 =	simm.s32 $0x6;
	[sflag:s20] =	ssyncadd.s32 $0xFFFFE000  }
0x1b0: {  	_ =	swait.ge [sflag:s21], $0x2000  }
0x1b1: {  	[sflag:s21] =	ssyncset.done $0x0  }
0x1b2: {  	s22 =	simm.s32 $0x3;
	[sflag:s21] =	ssyncadd.s32 $0xFFFFE000  }
0x1b3: {  	_ =	swait.ge [sflag:s22], $0x2000  }
0x1b4: {  	[sflag:s22] =	ssyncset.done $0x0  }
0x1b5: {  	s23 =	simm.s32 $0x7;
	[sflag:s22] =	ssyncadd.s32 $0xFFFFE000  }
0x1b6: {  	_ =	swait.ge [sflag:s23], $0x2000  }
0x1b7: {  	[sflag:s23] =	ssyncset.done $0x0  }
0x1b8: {  	s24 =	simm.s32 $0x4;
	[sflag:s23] =	ssyncadd.s32 $0xFFFFE000  }
0x1b9: {  	_ =	swait.ge [sflag:s24], $0x2000  }
0x1ba: {  	[sflag:s24] =	ssyncset.done $0x0  }
0x1bb: {  	s25 =	simm.s32 $0x8;
	[sflag:s24] =	ssyncadd.s32 $0xFFFFE000  }
0x1bc: {  	_ =	swait.ge [sflag:s25], $0x2000  }
0x1bd: {  	s6 =	simm.s32 $0x9;
	[sflag:s25] =	ssyncset.done $0x0  }
0x1be: {  	s5 =	simm.s32 $0x400;
	s26 =	rddreg [dreg:$0x17];
	[sflag:s25] =	ssyncadd.s32 $0xFFFFE000  }
0x1bf: {  	[hbm4b:s26+s2] =	stream.linear.scatter [tilespmem:s5], [sflag:$0x9], $0x8000, $0x38;
	[tilespmem:$0x10400] =	vst v63  }
0x1c0: {  	_ =	swait.ge [sflag:s6], $0x8000  }
0x1c1: {  	[sflag:s6] =	ssyncset.done $0x0  }
0x1c2: {  	s29 =	simm.s32 $0x8400;
	s28 =	rddreg [dreg:$0x18];
	[sflag:s6] =	ssyncadd.s32 $0xFFFF8000  }
0x1c3: {  	[hbm4b:s28+s2] =	stream.linear.scatter [tilespmem:s29], [sflag:$0x9], $0x8000, $0x38;
	[tilespmem:$0x10400] =	vst v63  }
0x1c4: {  	_ =	swait.ge [sflag:s6], $0x8000  }
0x1c5: {  	s30 =	rddreg [dreg:$0x1a]  }
0x1c6: {  	s31 =	rddreg [dreg:$0x19];
	s1 =	sadd.s32 $0x1, s30  }
0x1c7: {  	p0 =	sne.s32 s1, s31  }
.Ltmp2:
0x1c8: {  	_ = 	snop;
	(pc) =	sbr.rel @p0 .LBB2_1-.Ltmp2, $3  }
0x1c9: {  	_ =	sdelay $0x1  }
0x1ca: {  	[sflag:s6] =	ssyncset.done $0x0  }
0x1cb: {  	[sflag:s6] =	ssyncadd.s32 $0xFFFF8000  }
0x1cc: {  	_ =	sfence.sel $0x180000  }
0x1cd: {  	[bflag:$0x0] =	sbarrier.arrive $0xFFFF  }
0x1ce: {  	_ =	strace $0x90000047  }
0x1cf: {  	s0 =	stileid.u32;
	[bflag:$0x2] =	sbarrier.arrive $0xFFFF  }
0x1d0: {  	p0 =	sne.s32 s0, $0x0;
	s0 =	rddreg [dreg:$0x2]  }
0x1d1: {  	s0 =	sadd.s32 @!p0 $0x100000, s0  }
0x1d2: {  	[sflag:s0] =	ssyncadd.tile.s32 @!p0 $0x1;
	_ =	shalt  }
.Lfunc_end2:
_tile_overlayer_lowered:
.L_overlay_start_2:
0x1d3: {  	(tag) =	ssettag $0x2  }
0x1d4: {  	s0 =	rddreg [dreg:$0x0];
	s2 =	stileid.u32  }
0x1d5: {  	s1 =	rddreg [dreg:$0x1];
	p0 =	sne.s32 s2, $0x0  }
0x1d6: {  	s3 =	rddreg [dreg:$0x2];
	[bflag:$0x3] =	sbarrier.arrive $0xFFFF;
	s2 =	simm.s32 @!p0 $0x1C09  }
0x1d7: {  	[timem:s3], [sflag:s2] =	dma.local @!p0 [hbm:s0], s1  }
0x1d8: {  	s0 =	simm.s32 @!p0 $0x9  }
0x1d9: {  	_ =	swait.ge @!p0 [sflag:s0], s1  }
0x1da: {  	s1 =	ssub.s32 @!p0 $0x0, s1;
	[sflag:s0] =	ssyncset.done @!p0 $0x0  }
0x1db: {  	[sflag:s0] =	ssyncadd.s32 @!p0 s1  }
0x1dc: {  	[bflag:$0x3] =	sbarrier.arrive $0xFFFF  }
0x1dd: {  	_ =	shalt  }

</sc_bundles>
